<compile_context>
chip_gen: v7x
topology: tpu7x:2x2x1
jax: 0.10.2.dev20260603
libtpu: 0.0.44.dev20260713+nightly
codegen_flags: <defaults>
</compile_context>

<pallas_src>
import jax
import jax.numpy as jnp
from jax import lax
from jax.experimental import pallas as pl
from jax.experimental.pallas import tpu as pltpu
from jax.experimental.pallas import tpu_sc as plsc

N = 4194304
NC = 2
NS = 16
L = 16
NW = NC * NS
PER_W = N // NW
CHUNK = 8192
NCHUNK = PER_W // CHUNK
NPAIR = NCHUNK // 2


def _fade_poly(t):
    return t * t * t * (t * (t * 6.0 - 15.0) + 10.0)


def _floor_parts(val):
    t = val.astype(jnp.int32)
    neg = val < t.astype(jnp.float32)
    i = jnp.where(neg, t - 1, t)
    f = val - i.astype(jnp.float32)
    return i, f


def _perlin_body(x_hbm, y_hbm, perm_hbm, g_hbm, out_hbm,
                 perm_v, g_v, gx_tab, gy_tab, xb, yb, ob,
                 in_sems, out_sems):
    wid = lax.axis_index("s") * NC + lax.axis_index("c")

    pltpu.sync_copy(perm_hbm, perm_v)
    pltpu.sync_copy(g_hbm, g_v)

    for i in range(512 // L):
        pv = perm_v[pl.ds(i * L, L)]
        h2 = (pv & 7) * 2
        gx_tab[pl.ds(i * L, L)] = plsc.load_gather(g_v, [h2])
        gy_tab[pl.ds(i * L, L)] = plsc.load_gather(g_v, [h2 + 1])

    base_w = wid * PER_W

    def start_in(ci, s):
        base = base_w + ci * CHUNK
        pltpu.async_copy(x_hbm.at[pl.ds(base, CHUNK)], xb.at[s], in_sems.at[s])
        pltpu.async_copy(y_hbm.at[pl.ds(base, CHUNK)], yb.at[s], in_sems.at[s])

    for s in range(2):
        start_in(s, s)

    def pair_body(pi, carry):
        for s in range(2):
            ci = pi * 2 + s
            base = base_w + ci * CHUNK
            pltpu.make_async_copy(
                x_hbm.at[pl.ds(base, CHUNK)], xb.at[s], in_sems.at[s]).wait()
            pltpu.make_async_copy(
                y_hbm.at[pl.ds(base, CHUNK)], yb.at[s], in_sems.at[s]).wait()
            @pl.when(pi > 0)
            def _():
                pltpu.make_async_copy(
                    ob.at[s], out_hbm.at[pl.ds(base, CHUNK)],
                    out_sems.at[s]).wait()

            @plsc.parallel_loop(0, CHUNK, step=L, unroll=4)
            def _(o):
                xv = xb[s, pl.ds(o, L)]
                yv = yb[s, pl.ds(o, L)]
                xi, xf = _floor_parts(xv)
                yi, yf = _floor_parts(yv)
                u = _fade_poly(xf)
                v = _fade_poly(yf)
                xi0 = xi & 255
                yi0 = yi & 255
                px0 = plsc.load_gather(perm_v, [xi0])
                px1 = plsc.load_gather(perm_v, [xi0 + 1])
                iaa = px0 + yi0
                iba = px1 + yi0
                xf1 = xf - 1.0
                yf1 = yf - 1.0
                g_aa = (plsc.load_gather(gx_tab, [iaa]) * xf
                        + plsc.load_gather(gy_tab, [iaa]) * yf)
                g_ab = (plsc.load_gather(gx_tab, [iaa + 1]) * xf
                        + plsc.load_gather(gy_tab, [iaa + 1]) * yf1)
                g_ba = (plsc.load_gather(gx_tab, [iba]) * xf1
                        + plsc.load_gather(gy_tab, [iba]) * yf)
                g_bb = (plsc.load_gather(gx_tab, [iba + 1]) * xf1
                        + plsc.load_gather(gy_tab, [iba + 1]) * yf1)
                r1 = g_aa + u * (g_ba - g_aa)
                r2 = g_ab + u * (g_bb - g_ab)
                ob[s, pl.ds(o, L)] = r1 + v * (r2 - r1)

            pltpu.async_copy(
                ob.at[s], out_hbm.at[pl.ds(base, CHUNK)], out_sems.at[s])

            @pl.when(pi < NPAIR - 1)
            def _():
                start_in(ci + 2, s)
        return carry

    lax.fori_loop(0, NPAIR, pair_body, 0)

    for s in range(2):
        base = base_w + (NCHUNK - 2 + s) * CHUNK
        pltpu.make_async_copy(
            ob.at[s], out_hbm.at[pl.ds(base, CHUNK)], out_sems.at[s]).wait()


@jax.jit
def kernel(x, y, perm, grad2):
    grad_flat = grad2.reshape(16)
    mesh = plsc.VectorSubcoreMesh(core_axis_name="c", subcore_axis_name="s")
    fn = pl.kernel(
        _perlin_body,
        mesh=mesh,
        compiler_params=pltpu.CompilerParams(needs_layout_passes=False),
        out_type=jax.ShapeDtypeStruct((N,), jnp.float32),
        scratch_types=[
            pltpu.VMEM((512,), jnp.int32),
            pltpu.VMEM((16,), jnp.float32),
            pltpu.VMEM((512,), jnp.float32),
            pltpu.VMEM((512,), jnp.float32),
            pltpu.VMEM((2, CHUNK), jnp.float32),
            pltpu.VMEM((2, CHUNK), jnp.float32),
            pltpu.VMEM((2, CHUNK), jnp.float32),
            pltpu.SemaphoreType.DMA((2,)),
            pltpu.SemaphoreType.DMA((2,)),
        ],
    )
    return fn(x, y, perm.astype(jnp.int32), grad_flat)

# --- scband reference (transcript-rebuilt; emitter-appended) ---
"""Pipeline reference for scband-perlin-noise-24043226923343 (READ-ONLY COPY).

The authoritative reference and input builder live on the scoring server;
editing this copy changes nothing except your own understanding.
"""

import jax, jax.numpy as jnp
import numpy as np


def _fade(t):
    return t * t * t * (t * (t * 6 - 15) + 10)


def _lerp(a, b, t):
    return a + t * (b - a)


def _hash(perm, *indices):
    result = jnp.zeros_like(indices[0])
    for idx in indices:
        result = perm[(result + idx) % 256]
    return result


def setup_inputs(seed: int = 0) -> dict:
    key = jax.random.key(seed)
    k1, k2, k3 = jax.random.split(key, 3)
    N = 4194304
    x = jax.random.normal(k1, (N,), dtype=jnp.float32)
    y = jax.random.normal(k2, (N,), dtype=jnp.float32)
    perm = jax.random.permutation(k3, jnp.arange(256, dtype=jnp.int32))
    perm = jnp.concatenate([perm, perm])
    grad2 = jnp.array([[1, 1], [-1, 1], [1, -1], [-1, -1],
                       [1, 0], [-1, 0], [0, 1], [0, -1]], dtype=jnp.float32)
    return {"x": x, "y": y, "perm": perm, "grad2": grad2}


def reference(x, y, perm, grad2):
    xi = jnp.floor(x).astype(jnp.int32) & 255
    yi = jnp.floor(y).astype(jnp.int32) & 255
    xf = x - jnp.floor(x)
    yf = y - jnp.floor(y)
    u = _fade(xf)
    v = _fade(yf)
    aa = _hash(perm, xi, yi) % 8
    ab = _hash(perm, xi, yi + 1) % 8
    ba = _hash(perm, xi + 1, yi) % 8
    bb = _hash(perm, xi + 1, yi + 1) % 8
    g_aa = (jnp.take(grad2, aa, axis=0) * jnp.stack([xf, yf], axis=-1)).sum(axis=-1)
    g_ab = (jnp.take(grad2, ab, axis=0) * jnp.stack([xf, yf - 1], axis=-1)).sum(axis=-1)
    g_ba = (jnp.take(grad2, ba, axis=0) * jnp.stack([xf - 1, yf], axis=-1)).sum(axis=-1)
    g_bb = (jnp.take(grad2, bb, axis=0) * jnp.stack([xf - 1, yf - 1], axis=-1)).sum(axis=-1)
    x1 = _lerp(g_aa, g_ba, u)
    x2 = _lerp(g_ab, g_bb, u)
    return _lerp(x1, x2, v)

if __name__ == "__main__":
    import jax
    _d = setup_inputs()
    print(jax.jit(kernel)(*tuple(_d.values())))

</pallas_src>

<mosaic_0001>
#map = affine_map<(d0, d1) -> (0)>
module attributes {stable_mosaic.version = 14 : i64} {
  func.func @_perlin_body(%arg0: i32, %arg1: i32, %arg2: memref<4194304xf32, #tpu.memory_space<hbm>>, %arg3: memref<4194304xf32, #tpu.memory_space<hbm>>, %arg4: memref<512xi32, #tpu.memory_space<hbm>>, %arg5: memref<16xf32, #tpu.memory_space<hbm>>, %arg6: memref<4194304xf32, #tpu.memory_space<hbm>>, %arg7: memref<512xi32, #tpu.memory_space<vmem>>, %arg8: memref<16xf32, #tpu.memory_space<vmem>>, %arg9: memref<512xf32, #tpu.memory_space<vmem>>, %arg10: memref<512xf32, #tpu.memory_space<vmem>>, %arg11: memref<2x8192xf32, #tpu.memory_space<vmem>>, %arg12: memref<2x8192xf32, #tpu.memory_space<vmem>>, %arg13: memref<2x8192xf32, #tpu.memory_space<vmem>>, %arg14: memref<2x!tpu.dma_semaphore, #tpu.memory_space<semaphore_mem>>, %arg15: memref<2x!tpu.dma_semaphore, #tpu.memory_space<semaphore_mem>>) attributes {dimension_semantics = [#tpu.dimension_semantics<core_parallel>, #tpu.dimension_semantics<subcore_parallel>], iteration_bounds = array<i64: 2, 16>, scalar_prefetch = 0 : i64, scratch_operands = 9 : i64, tpu.core_type = #tpu.core_type<sc_vector_subcore>, window_params = [{transform_indices = #map}, {transform_indices = #map}, {transform_indices = #map}, {transform_indices = #map}, {transform_indices = #map}]} {
    %mul3A = arith.constant 2 : i32
    %mul3A_0 = arith.muli %arg1, %mul3A : i32
    %add3A = arith.addi %mul3A_0, %arg0 : i32
    "tpu.region"() ({
      %run_scoped3A = tpu.sem_alloc : memref<!tpu.dma_semaphore, #tpu.memory_space<semaphore_mem>>
      tpu.enqueue_dma source(%arg4 : memref<512xi32, #tpu.memory_space<hbm>>) target(%arg7 : memref<512xi32, #tpu.memory_space<vmem>>) target_semaphore(%run_scoped3A : memref<!tpu.dma_semaphore, #tpu.memory_space<semaphore_mem>>)
      tpu.wait_dma2 semaphore(%run_scoped3A : memref<!tpu.dma_semaphore, #tpu.memory_space<semaphore_mem>>) src(%arg4 : memref<512xi32, #tpu.memory_space<hbm>>) dst(%arg7 : memref<512xi32, #tpu.memory_space<vmem>>)
      tpu.yield
    }) : () -> ()
    "tpu.region"() ({
      %run_scoped3A = tpu.sem_alloc : memref<!tpu.dma_semaphore, #tpu.memory_space<semaphore_mem>>
      tpu.enqueue_dma source(%arg5 : memref<16xf32, #tpu.memory_space<hbm>>) target(%arg8 : memref<16xf32, #tpu.memory_space<vmem>>) target_semaphore(%run_scoped3A : memref<!tpu.dma_semaphore, #tpu.memory_space<semaphore_mem>>)
      tpu.wait_dma2 semaphore(%run_scoped3A : memref<!tpu.dma_semaphore, #tpu.memory_space<semaphore_mem>>) src(%arg5 : memref<16xf32, #tpu.memory_space<hbm>>) dst(%arg8 : memref<16xf32, #tpu.memory_space<vmem>>)
      tpu.yield
    }) : () -> ()
    %get3A = arith.constant 0 : index
    %get3A_1 = tpu.vector_load %arg7[%get3A] {strides = array<i32>} : memref<512xi32, #tpu.memory_space<vmem>>, vector<16xi32>,
    %and3A = arith.constant 7 : i32
    %and3A_2 = vector.broadcast %and3A : i32 to vector<16xi32>
    %and3A_3 = arith.andi %get3A_1, %and3A_2 : vector<16xi32>
    %mul3A_4 = arith.constant 2 : i32
    %mul3A_5 = vector.broadcast %mul3A_4 : i32 to vector<16xi32>
    %mul3A_6 = arith.muli %and3A_3, %mul3A_5 : vector<16xi32>
    %gather3A = tpu.vector_load_idx %arg8[%mul3A_6] : memref<16xf32, #tpu.memory_space<vmem>>[vector<16xi32>], vector<16xf32>,
    %swap3A = arith.constant 0 : index
    %swap3A_7 = tpu.vector_load %arg9[%swap3A] {strides = array<i32>} : memref<512xf32, #tpu.memory_space<vmem>>, vector<16xf32>,
    tpu.vector_store %arg9[%swap3A], %gather3A {strides = array<i32>} : memref<512xf32, #tpu.memory_space<vmem>>, vector<16xf32>,
    %add3A_8 = arith.constant 1 : i32
    %add3A_9 = vector.broadcast %add3A_8 : i32 to vector<16xi32>
    %add3A_10 = arith.addi %mul3A_6, %add3A_9 : vector<16xi32>
    %gather3A_11 = tpu.vector_load_idx %arg8[%add3A_10] : memref<16xf32, #tpu.memory_space<vmem>>[vector<16xi32>], vector<16xf32>,
    %swap3A_12 = arith.constant 0 : index
    %swap3A_13 = tpu.vector_load %arg10[%swap3A_12] {strides = array<i32>} : memref<512xf32, #tpu.memory_space<vmem>>, vector<16xf32>,
    tpu.vector_store %arg10[%swap3A_12], %gather3A_11 {strides = array<i32>} : memref<512xf32, #tpu.memory_space<vmem>>, vector<16xf32>,
    %get3A_14 = arith.constant 16 : index
    %get3A_15 = tpu.vector_load %arg7[%get3A_14] {strides = array<i32>} : memref<512xi32, #tpu.memory_space<vmem>>, vector<16xi32>,
    %and3A_16 = arith.constant 7 : i32
    %and3A_17 = vector.broadcast %and3A_16 : i32 to vector<16xi32>
    %and3A_18 = arith.andi %get3A_15, %and3A_17 : vector<16xi32>
    %mul3A_19 = arith.constant 2 : i32
    %mul3A_20 = vector.broadcast %mul3A_19 : i32 to vector<16xi32>
    %mul3A_21 = arith.muli %and3A_18, %mul3A_20 : vector<16xi32>
    %gather3A_22 = tpu.vector_load_idx %arg8[%mul3A_21] : memref<16xf32, #tpu.memory_space<vmem>>[vector<16xi32>], vector<16xf32>,
    %swap3A_23 = arith.constant 16 : index
    %swap3A_24 = tpu.vector_load %arg9[%swap3A_23] {strides = array<i32>} : memref<512xf32, #tpu.memory_space<vmem>>, vector<16xf32>,
    tpu.vector_store %arg9[%swap3A_23], %gather3A_22 {strides = array<i32>} : memref<512xf32, #tpu.memory_space<vmem>>, vector<16xf32>,
    %add3A_25 = arith.constant 1 : i32
    %add3A_26 = vector.broadcast %add3A_25 : i32 to vector<16xi32>
    %add3A_27 = arith.addi %mul3A_21, %add3A_26 : vector<16xi32>
    %gather3A_28 = tpu.vector_load_idx %arg8[%add3A_27] : memref<16xf32, #tpu.memory_space<vmem>>[vector<16xi32>], vector<16xf32>,
    %swap3A_29 = arith.constant 16 : index
    %swap3A_30 = tpu.vector_load %arg10[%swap3A_29] {strides = array<i32>} : memref<512xf32, #tpu.memory_space<vmem>>, vector<16xf32>,
    tpu.vector_store %arg10[%swap3A_29], %gather3A_28 {strides = array<i32>} : memref<512xf32, #tpu.memory_space<vmem>>, vector<16xf32>,
    %get3A_31 = arith.constant 32 : index
    %get3A_32 = tpu.vector_load %arg7[%get3A_31] {strides = array<i32>} : memref<512xi32, #tpu.memory_space<vmem>>, vector<16xi32>,
    %and3A_33 = arith.constant 7 : i32
    %and3A_34 = vector.broadcast %and3A_33 : i32 to vector<16xi32>
    %and3A_35 = arith.andi %get3A_32, %and3A_34 : vector<16xi32>
    %mul3A_36 = arith.constant 2 : i32
    %mul3A_37 = vector.broadcast %mul3A_36 : i32 to vector<16xi32>
    %mul3A_38 = arith.muli %and3A_35, %mul3A_37 : vector<16xi32>
    %gather3A_39 = tpu.vector_load_idx %arg8[%mul3A_38] : memref<16xf32, #tpu.memory_space<vmem>>[vector<16xi32>], vector<16xf32>,
    %swap3A_40 = arith.constant 32 : index
    %swap3A_41 = tpu.vector_load %arg9[%swap3A_40] {strides = array<i32>} : memref<512xf32, #tpu.memory_space<vmem>>, vector<16xf32>,
    tpu.vector_store %arg9[%swap3A_40], %gather3A_39 {strides = array<i32>} : memref<512xf32, #tpu.memory_space<vmem>>, vector<16xf32>,
    %add3A_42 = arith.constant 1 : i32
    %add3A_43 = vector.broadcast %add3A_42 : i32 to vector<16xi32>
    %add3A_44 = arith.addi %mul3A_38, %add3A_43 : vector<16xi32>
    %gather3A_45 = tpu.vector_load_idx %arg8[%add3A_44] : memref<16xf32, #tpu.memory_space<vmem>>[vector<16xi32>], vector<16xf32>,
    %swap3A_46 = arith.constant 32 : index
    %swap3A_47 = tpu.vector_load %arg10[%swap3A_46] {strides = array<i32>} : memref<512xf32, #tpu.memory_space<vmem>>, vector<16xf32>,
    tpu.vector_store %arg10[%swap3A_46], %gather3A_45 {strides = array<i32>} : memref<512xf32, #tpu.memory_space<vmem>>, vector<16xf32>,
    %get3A_48 = arith.constant 48 : index
    %get3A_49 = tpu.vector_load %arg7[%get3A_48] {strides = array<i32>} : memref<512xi32, #tpu.memory_space<vmem>>, vector<16xi32>,
    %and3A_50 = arith.constant 7 : i32
    %and3A_51 = vector.broadcast %and3A_50 : i32 to vector<16xi32>
    %and3A_52 = arith.andi %get3A_49, %and3A_51 : vector<16xi32>
    %mul3A_53 = arith.constant 2 : i32
    %mul3A_54 = vector.broadcast %mul3A_53 : i32 to vector<16xi32>
    %mul3A_55 = arith.muli %and3A_52, %mul3A_54 : vector<16xi32>
    %gather3A_56 = tpu.vector_load_idx %arg8[%mul3A_55] : memref<16xf32, #tpu.memory_space<vmem>>[vector<16xi32>], vector<16xf32>,
    %swap3A_57 = arith.constant 48 : index
    %swap3A_58 = tpu.vector_load %arg9[%swap3A_57] {strides = array<i32>} : memref<512xf32, #tpu.memory_space<vmem>>, vector<16xf32>,
    tpu.vector_store %arg9[%swap3A_57], %gather3A_56 {strides = array<i32>} : memref<512xf32, #tpu.memory_space<vmem>>, vector<16xf32>,
    %add3A_59 = arith.constant 1 : i32
    %add3A_60 = vector.broadcast %add3A_59 : i32 to vector<16xi32>
    %add3A_61 = arith.addi %mul3A_55, %add3A_60 : vector<16xi32>
    %gather3A_62 = tpu.vector_load_idx %arg8[%add3A_61] : memref<16xf32, #tpu.memory_space<vmem>>[vector<16xi32>], vector<16xf32>,
    %swap3A_63 = arith.constant 48 : index
    %swap3A_64 = tpu.vector_load %arg10[%swap3A_63] {strides = array<i32>} : memref<512xf32, #tpu.memory_space<vmem>>, vector<16xf32>,
    tpu.vector_store %arg10[%swap3A_63], %gather3A_62 {strides = array<i32>} : memref<512xf32, #tpu.memory_space<vmem>>, vector<16xf32>,
    %get3A_65 = arith.constant 64 : index
    %get3A_66 = tpu.vector_load %arg7[%get3A_65] {strides = array<i32>} : memref<512xi32, #tpu.memory_space<vmem>>, vector<16xi32>,
    %and3A_67 = arith.constant 7 : i32
    %and3A_68 = vector.broadcast %and3A_67 : i32 to vector<16xi32>
    %and3A_69 = arith.andi %get3A_66, %and3A_68 : vector<16xi32>
    %mul3A_70 = arith.constant 2 : i32
    %mul3A_71 = vector.broadcast %mul3A_70 : i32 to vector<16xi32>
    %mul3A_72 = arith.muli %and3A_69, %mul3A_71 : vector<16xi32>
    %gather3A_73 = tpu.vector_load_idx %arg8[%mul3A_72] : memref<16xf32, #tpu.memory_space<vmem>>[vector<16xi32>], vector<16xf32>,
    %swap3A_74 = arith.constant 64 : index
    %swap3A_75 = tpu.vector_load %arg9[%swap3A_74] {strides = array<i32>} : memref<512xf32, #tpu.memory_space<vmem>>, vector<16xf32>,
    tpu.vector_store %arg9[%swap3A_74], %gather3A_73 {strides = array<i32>} : memref<512xf32, #tpu.memory_space<vmem>>, vector<16xf32>,
    %add3A_76 = arith.constant 1 : i32
    %add3A_77 = vector.broadcast %add3A_76 : i32 to vector<16xi32>
    %add3A_78 = arith.addi %mul3A_72, %add3A_77 : vector<16xi32>
    %gather3A_79 = tpu.vector_load_idx %arg8[%add3A_78] : memref<16xf32, #tpu.memory_space<vmem>>[vector<16xi32>], vector<16xf32>,
    %swap3A_80 = arith.constant 64 : index
    %swap3A_81 = tpu.vector_load %arg10[%swap3A_80] {strides = array<i32>} : memref<512xf32, #tpu.memory_space<vmem>>, vector<16xf32>,
    tpu.vector_store %arg10[%swap3A_80], %gather3A_79 {strides = array<i32>} : memref<512xf32, #tpu.memory_space<vmem>>, vector<16xf32>,
    %get3A_82 = arith.constant 80 : index
    %get3A_83 = tpu.vector_load %arg7[%get3A_82] {strides = array<i32>} : memref<512xi32, #tpu.memory_space<vmem>>, vector<16xi32>,
    %and3A_84 = arith.constant 7 : i32
    %and3A_85 = vector.broadcast %and3A_84 : i32 to vector<16xi32>
    %and3A_86 = arith.andi %get3A_83, %and3A_85 : vector<16xi32>
    %mul3A_87 = arith.constant 2 : i32
    %mul3A_88 = vector.broadcast %mul3A_87 : i32 to vector<16xi32>
    %mul3A_89 = arith.muli %and3A_86, %mul3A_88 : vector<16xi32>
    %gather3A_90 = tpu.vector_load_idx %arg8[%mul3A_89] : memref<16xf32, #tpu.memory_space<vmem>>[vector<16xi32>], vector<16xf32>,
    %swap3A_91 = arith.constant 80 : index
    %swap3A_92 = tpu.vector_load %arg9[%swap3A_91] {strides = array<i32>} : memref<512xf32, #tpu.memory_space<vmem>>, vector<16xf32>,
    tpu.vector_store %arg9[%swap3A_91], %gather3A_90 {strides = array<i32>} : memref<512xf32, #tpu.memory_space<vmem>>, vector<16xf32>,
    %add3A_93 = arith.constant 1 : i32
    %add3A_94 = vector.broadcast %add3A_93 : i32 to vector<16xi32>
    %add3A_95 = arith.addi %mul3A_89, %add3A_94 : vector<16xi32>
    %gather3A_96 = tpu.vector_load_idx %arg8[%add3A_95] : memref<16xf32, #tpu.memory_space<vmem>>[vector<16xi32>], vector<16xf32>,
    %swap3A_97 = arith.constant 80 : index
    %swap3A_98 = tpu.vector_load %arg10[%swap3A_97] {strides = array<i32>} : memref<512xf32, #tpu.memory_space<vmem>>, vector<16xf32>,
    tpu.vector_store %arg10[%swap3A_97], %gather3A_96 {strides = array<i32>} : memref<512xf32, #tpu.memory_space<vmem>>, vector<16xf32>,
    %get3A_99 = arith.constant 96 : index
    %get3A_100 = tpu.vector_load %arg7[%get3A_99] {strides = array<i32>} : memref<512xi32, #tpu.memory_space<vmem>>, vector<16xi32>,
    %and3A_101 = arith.constant 7 : i32
    %and3A_102 = vector.broadcast %and3A_101 : i32 to vector<16xi32>
    %and3A_103 = arith.andi %get3A_100, %and3A_102 : vector<16xi32>
    %mul3A_104 = arith.constant 2 : i32
    %mul3A_105 = vector.broadcast %mul3A_104 : i32 to vector<16xi32>
    %mul3A_106 = arith.muli %and3A_103, %mul3A_105 : vector<16xi32>
    %gather3A_107 = tpu.vector_load_idx %arg8[%mul3A_106] : memref<16xf32, #tpu.memory_space<vmem>>[vector<16xi32>], vector<16xf32>,
    %swap3A_108 = arith.constant 96 : index
    %swap3A_109 = tpu.vector_load %arg9[%swap3A_108] {strides = array<i32>} : memref<512xf32, #tpu.memory_space<vmem>>, vector<16xf32>,
    tpu.vector_store %arg9[%swap3A_108], %gather3A_107 {strides = array<i32>} : memref<512xf32, #tpu.memory_space<vmem>>, vector<16xf32>,
    %add3A_110 = arith.constant 1 : i32
    %add3A_111 = vector.broadcast %add3A_110 : i32 to vector<16xi32>
    %add3A_112 = arith.addi %mul3A_106, %add3A_111 : vector<16xi32>
    %gather3A_113 = tpu.vector_load_idx %arg8[%add3A_112] : memref<16xf32, #tpu.memory_space<vmem>>[vector<16xi32>], vector<16xf32>,
    %swap3A_114 = arith.constant 96 : index
    %swap3A_115 = tpu.vector_load %arg10[%swap3A_114] {strides = array<i32>} : memref<512xf32, #tpu.memory_space<vmem>>, vector<16xf32>,
    tpu.vector_store %arg10[%swap3A_114], %gather3A_113 {strides = array<i32>} : memref<512xf32, #tpu.memory_space<vmem>>, vector<16xf32>,
    %get3A_116 = arith.constant 112 : index
    %get3A_117 = tpu.vector_load %arg7[%get3A_116] {strides = array<i32>} : memref<512xi32, #tpu.memory_space<vmem>>, vector<16xi32>,
    %and3A_118 = arith.constant 7 : i32
    %and3A_119 = vector.broadcast %and3A_118 : i32 to vector<16xi32>
    %and3A_120 = arith.andi %get3A_117, %and3A_119 : vector<16xi32>
    %mul3A_121 = arith.constant 2 : i32
    %mul3A_122 = vector.broadcast %mul3A_121 : i32 to vector<16xi32>
    %mul3A_123 = arith.muli %and3A_120, %mul3A_122 : vector<16xi32>
    %gather3A_124 = tpu.vector_load_idx %arg8[%mul3A_123] : memref<16xf32, #tpu.memory_space<vmem>>[vector<16xi32>], vector<16xf32>,
    %swap3A_125 = arith.constant 112 : index
    %swap3A_126 = tpu.vector_load %arg9[%swap3A_125] {strides = array<i32>} : memref<512xf32, #tpu.memory_space<vmem>>, vector<16xf32>,
    tpu.vector_store %arg9[%swap3A_125], %gather3A_124 {strides = array<i32>} : memref<512xf32, #tpu.memory_space<vmem>>, vector<16xf32>,
    %add3A_127 = arith.constant 1 : i32
    %add3A_128 = vector.broadcast %add3A_127 : i32 to vector<16xi32>
    %add3A_129 = arith.addi %mul3A_123, %add3A_128 : vector<16xi32>
    %gather3A_130 = tpu.vector_load_idx %arg8[%add3A_129] : memref<16xf32, #tpu.memory_space<vmem>>[vector<16xi32>], vector<16xf32>,
    %swap3A_131 = arith.constant 112 : index
    %swap3A_132 = tpu.vector_load %arg10[%swap3A_131] {strides = array<i32>} : memref<512xf32, #tpu.memory_space<vmem>>, vector<16xf32>,
    tpu.vector_store %arg10[%swap3A_131], %gather3A_130 {strides = array<i32>} : memref<512xf32, #tpu.memory_space<vmem>>, vector<16xf32>,
    %get3A_133 = arith.constant 128 : index
    %get3A_134 = tpu.vector_load %arg7[%get3A_133] {strides = array<i32>} : memref<512xi32, #tpu.memory_space<vmem>>, vector<16xi32>,
    %and3A_135 = arith.constant 7 : i32
    %and3A_136 = vector.broadcast %and3A_135 : i32 to vector<16xi32>
    %and3A_137 = arith.andi %get3A_134, %and3A_136 : vector<16xi32>
    %mul3A_138 = arith.constant 2 : i32
    %mul3A_139 = vector.broadcast %mul3A_138 : i32 to vector<16xi32>
    %mul3A_140 = arith.muli %and3A_137, %mul3A_139 : vector<16xi32>
    %gather3A_141 = tpu.vector_load_idx %arg8[%mul3A_140] : memref<16xf32, #tpu.memory_space<vmem>>[vector<16xi32>], vector<16xf32>,
    %swap3A_142 = arith.constant 128 : index
    %swap3A_143 = tpu.vector_load %arg9[%swap3A_142] {strides = array<i32>} : memref<512xf32, #tpu.memory_space<vmem>>, vector<16xf32>,
    tpu.vector_store %arg9[%swap3A_142], %gather3A_141 {strides = array<i32>} : memref<512xf32, #tpu.memory_space<vmem>>, vector<16xf32>,
    %add3A_144 = arith.constant 1 : i32
    %add3A_145 = vector.broadcast %add3A_144 : i32 to vector<16xi32>
    %add3A_146 = arith.addi %mul3A_140, %add3A_145 : vector<16xi32>
    %gather3A_147 = tpu.vector_load_idx %arg8[%add3A_146] : memref<16xf32, #tpu.memory_space<vmem>>[vector<16xi32>], vector<16xf32>,
    %swap3A_148 = arith.constant 128 : index
    %swap3A_149 = tpu.vector_load %arg10[%swap3A_148] {strides = array<i32>} : memref<512xf32, #tpu.memory_space<vmem>>, vector<16xf32>,
    tpu.vector_store %arg10[%swap3A_148], %gather3A_147 {strides = array<i32>} : memref<512xf32, #tpu.memory_space<vmem>>, vector<16xf32>,
    %get3A_150 = arith.constant 144 : index
    %get3A_151 = tpu.vector_load %arg7[%get3A_150] {strides = array<i32>} : memref<512xi32, #tpu.memory_space<vmem>>, vector<16xi32>,
    %and3A_152 = arith.constant 7 : i32
    %and3A_153 = vector.broadcast %and3A_152 : i32 to vector<16xi32>
    %and3A_154 = arith.andi %get3A_151, %and3A_153 : vector<16xi32>
    %mul3A_155 = arith.constant 2 : i32
    %mul3A_156 = vector.broadcast %mul3A_155 : i32 to vector<16xi32>
    %mul3A_157 = arith.muli %and3A_154, %mul3A_156 : vector<16xi32>
    %gather3A_158 = tpu.vector_load_idx %arg8[%mul3A_157] : memref<16xf32, #tpu.memory_space<vmem>>[vector<16xi32>], vector<16xf32>,
    %swap3A_159 = arith.constant 144 : index
    %swap3A_160 = tpu.vector_load %arg9[%swap3A_159] {strides = array<i32>} : memref<512xf32, #tpu.memory_space<vmem>>, vector<16xf32>,
    tpu.vector_store %arg9[%swap3A_159], %gather3A_158 {strides = array<i32>} : memref<512xf32, #tpu.memory_space<vmem>>, vector<16xf32>,
    %add3A_161 = arith.constant 1 : i32
    %add3A_162 = vector.broadcast %add3A_161 : i32 to vector<16xi32>
    %add3A_163 = arith.addi %mul3A_157, %add3A_162 : vector<16xi32>
    %gather3A_164 = tpu.vector_load_idx %arg8[%add3A_163] : memref<16xf32, #tpu.memory_space<vmem>>[vector<16xi32>], vector<16xf32>,
    %swap3A_165 = arith.constant 144 : index
    %swap3A_166 = tpu.vector_load %arg10[%swap3A_165] {strides = array<i32>} : memref<512xf32, #tpu.memory_space<vmem>>, vector<16xf32>,
    tpu.vector_store %arg10[%swap3A_165], %gather3A_164 {strides = array<i32>} : memref<512xf32, #tpu.memory_space<vmem>>, vector<16xf32>,
    %get3A_167 = arith.constant 160 : index
    %get3A_168 = tpu.vector_load %arg7[%get3A_167] {strides = array<i32>} : memref<512xi32, #tpu.memory_space<vmem>>, vector<16xi32>,
    %and3A_169 = arith.constant 7 : i32
    %and3A_170 = vector.broadcast %and3A_169 : i32 to vector<16xi32>
    %and3A_171 = arith.andi %get3A_168, %and3A_170 : vector<16xi32>
    %mul3A_172 = arith.constant 2 : i32
    %mul3A_173 = vector.broadcast %mul3A_172 : i32 to vector<16xi32>
    %mul3A_174 = arith.muli %and3A_171, %mul3A_173 : vector<16xi32>
    %gather3A_175 = tpu.vector_load_idx %arg8[%mul3A_174] : memref<16xf32, #tpu.memory_space<vmem>>[vector<16xi32>], vector<16xf32>,
    %swap3A_176 = arith.constant 160 : index
    %swap3A_177 = tpu.vector_load %arg9[%swap3A_176] {strides = array<i32>} : memref<512xf32, #tpu.memory_space<vmem>>, vector<16xf32>,
    tpu.vector_store %arg9[%swap3A_176], %gather3A_175 {strides = array<i32>} : memref<512xf32, #tpu.memory_space<vmem>>, vector<16xf32>,
    %add3A_178 = arith.constant 1 : i32
    %add3A_179 = vector.broadcast %add3A_178 : i32 to vector<16xi32>
    %add3A_180 = arith.addi %mul3A_174, %add3A_179 : vector<16xi32>
    %gather3A_181 = tpu.vector_load_idx %arg8[%add3A_180] : memref<16xf32, #tpu.memory_space<vmem>>[vector<16xi32>], vector<16xf32>,
    %swap3A_182 = arith.constant 160 : index
    %swap3A_183 = tpu.vector_load %arg10[%swap3A_182] {strides = array<i32>} : memref<512xf32, #tpu.memory_space<vmem>>, vector<16xf32>,
    tpu.vector_store %arg10[%swap3A_182], %gather3A_181 {strides = array<i32>} : memref<512xf32, #tpu.memory_space<vmem>>, vector<16xf32>,
    %get3A_184 = arith.constant 176 : index
    %get3A_185 = tpu.vector_load %arg7[%get3A_184] {strides = array<i32>} : memref<512xi32, #tpu.memory_space<vmem>>, vector<16xi32>,
    %and3A_186 = arith.constant 7 : i32
    %and3A_187 = vector.broadcast %and3A_186 : i32 to vector<16xi32>
    %and3A_188 = arith.andi %get3A_185, %and3A_187 : vector<16xi32>
    %mul3A_189 = arith.constant 2 : i32
    %mul3A_190 = vector.broadcast %mul3A_189 : i32 to vector<16xi32>
    %mul3A_191 = arith.muli %and3A_188, %mul3A_190 : vector<16xi32>
    %gather3A_192 = tpu.vector_load_idx %arg8[%mul3A_191] : memref<16xf32, #tpu.memory_space<vmem>>[vector<16xi32>], vector<16xf32>,
    %swap3A_193 = arith.constant 176 : index
    %swap3A_194 = tpu.vector_load %arg9[%swap3A_193] {strides = array<i32>} : memref<512xf32, #tpu.memory_space<vmem>>, vector<16xf32>,
    tpu.vector_store %arg9[%swap3A_193], %gather3A_192 {strides = array<i32>} : memref<512xf32, #tpu.memory_space<vmem>>, vector<16xf32>,
    %add3A_195 = arith.constant 1 : i32
    %add3A_196 = vector.broadcast %add3A_195 : i32 to vector<16xi32>
    %add3A_197 = arith.addi %mul3A_191, %add3A_196 : vector<16xi32>
    %gather3A_198 = tpu.vector_load_idx %arg8[%add3A_197] : memref<16xf32, #tpu.memory_space<vmem>>[vector<16xi32>], vector<16xf32>,
    %swap3A_199 = arith.constant 176 : index
    %swap3A_200 = tpu.vector_load %arg10[%swap3A_199] {strides = array<i32>} : memref<512xf32, #tpu.memory_space<vmem>>, vector<16xf32>,
    tpu.vector_store %arg10[%swap3A_199], %gather3A_198 {strides = array<i32>} : memref<512xf32, #tpu.memory_space<vmem>>, vector<16xf32>,
    %get3A_201 = arith.constant 192 : index
    %get3A_202 = tpu.vector_load %arg7[%get3A_201] {strides = array<i32>} : memref<512xi32, #tpu.memory_space<vmem>>, vector<16xi32>,
    %and3A_203 = arith.constant 7 : i32
    %and3A_204 = vector.broadcast %and3A_203 : i32 to vector<16xi32>
    %and3A_205 = arith.andi %get3A_202, %and3A_204 : vector<16xi32>
    %mul3A_206 = arith.constant 2 : i32
    %mul3A_207 = vector.broadcast %mul3A_206 : i32 to vector<16xi32>
    %mul3A_208 = arith.muli %and3A_205, %mul3A_207 : vector<16xi32>
    %gather3A_209 = tpu.vector_load_idx %arg8[%mul3A_208] : memref<16xf32, #tpu.memory_space<vmem>>[vector<16xi32>], vector<16xf32>,
    %swap3A_210 = arith.constant 192 : index
    %swap3A_211 = tpu.vector_load %arg9[%swap3A_210] {strides = array<i32>} : memref<512xf32, #tpu.memory_space<vmem>>, vector<16xf32>,
    tpu.vector_store %arg9[%swap3A_210], %gather3A_209 {strides = array<i32>} : memref<512xf32, #tpu.memory_space<vmem>>, vector<16xf32>,
    %add3A_212 = arith.constant 1 : i32
    %add3A_213 = vector.broadcast %add3A_212 : i32 to vector<16xi32>
    %add3A_214 = arith.addi %mul3A_208, %add3A_213 : vector<16xi32>
    %gather3A_215 = tpu.vector_load_idx %arg8[%add3A_214] : memref<16xf32, #tpu.memory_space<vmem>>[vector<16xi32>], vector<16xf32>,
    %swap3A_216 = arith.constant 192 : index
    %swap3A_217 = tpu.vector_load %arg10[%swap3A_216] {strides = array<i32>} : memref<512xf32, #tpu.memory_space<vmem>>, vector<16xf32>,
    tpu.vector_store %arg10[%swap3A_216], %gather3A_215 {strides = array<i32>} : memref<512xf32, #tpu.memory_space<vmem>>, vector<16xf32>,
    %get3A_218 = arith.constant 208 : index
    %get3A_219 = tpu.vector_load %arg7[%get3A_218] {strides = array<i32>} : memref<512xi32, #tpu.memory_space<vmem>>, vector<16xi32>,
    %and3A_220 = arith.constant 7 : i32
    %and3A_221 = vector.broadcast %and3A_220 : i32 to vector<16xi32>
    %and3A_222 = arith.andi %get3A_219, %and3A_221 : vector<16xi32>
    %mul3A_223 = arith.constant 2 : i32
    %mul3A_224 = vector.broadcast %mul3A_223 : i32 to vector<16xi32>
    %mul3A_225 = arith.muli %and3A_222, %mul3A_224 : vector<16xi32>
    %gather3A_226 = tpu.vector_load_idx %arg8[%mul3A_225] : memref<16xf32, #tpu.memory_space<vmem>>[vector<16xi32>], vector<16xf32>,
    %swap3A_227 = arith.constant 208 : index
    %swap3A_228 = tpu.vector_load %arg9[%swap3A_227] {strides = array<i32>} : memref<512xf32, #tpu.memory_space<vmem>>, vector<16xf32>,
    tpu.vector_store %arg9[%swap3A_227], %gather3A_226 {strides = array<i32>} : memref<512xf32, #tpu.memory_space<vmem>>, vector<16xf32>,
    %add3A_229 = arith.constant 1 : i32
    %add3A_230 = vector.broadcast %add3A_229 : i32 to vector<16xi32>
    %add3A_231 = arith.addi %mul3A_225, %add3A_230 : vector<16xi32>
    %gather3A_232 = tpu.vector_load_idx %arg8[%add3A_231] : memref<16xf32, #tpu.memory_space<vmem>>[vector<16xi32>], vector<16xf32>,
    %swap3A_233 = arith.constant 208 : index
    %swap3A_234 = tpu.vector_load %arg10[%swap3A_233] {strides = array<i32>} : memref<512xf32, #tpu.memory_space<vmem>>, vector<16xf32>,
    tpu.vector_store %arg10[%swap3A_233], %gather3A_232 {strides = array<i32>} : memref<512xf32, #tpu.memory_space<vmem>>, vector<16xf32>,
    %get3A_235 = arith.constant 224 : index
    %get3A_236 = tpu.vector_load %arg7[%get3A_235] {strides = array<i32>} : memref<512xi32, #tpu.memory_space<vmem>>, vector<16xi32>,
    %and3A_237 = arith.constant 7 : i32
    %and3A_238 = vector.broadcast %and3A_237 : i32 to vector<16xi32>
    %and3A_239 = arith.andi %get3A_236, %and3A_238 : vector<16xi32>
    %mul3A_240 = arith.constant 2 : i32
    %mul3A_241 = vector.broadcast %mul3A_240 : i32 to vector<16xi32>
    %mul3A_242 = arith.muli %and3A_239, %mul3A_241 : vector<16xi32>
    %gather3A_243 = tpu.vector_load_idx %arg8[%mul3A_242] : memref<16xf32, #tpu.memory_space<vmem>>[vector<16xi32>], vector<16xf32>,
    %swap3A_244 = arith.constant 224 : index
    %swap3A_245 = tpu.vector_load %arg9[%swap3A_244] {strides = array<i32>} : memref<512xf32, #tpu.memory_space<vmem>>, vector<16xf32>,
    tpu.vector_store %arg9[%swap3A_244], %gather3A_243 {strides = array<i32>} : memref<512xf32, #tpu.memory_space<vmem>>, vector<16xf32>,
    %add3A_246 = arith.constant 1 : i32
    %add3A_247 = vector.broadcast %add3A_246 : i32 to vector<16xi32>
    %add3A_248 = arith.addi %mul3A_242, %add3A_247 : vector<16xi32>
    %gather3A_249 = tpu.vector_load_idx %arg8[%add3A_248] : memref<16xf32, #tpu.memory_space<vmem>>[vector<16xi32>], vector<16xf32>,
    %swap3A_250 = arith.constant 224 : index
    %swap3A_251 = tpu.vector_load %arg10[%swap3A_250] {strides = array<i32>} : memref<512xf32, #tpu.memory_space<vmem>>, vector<16xf32>,
    tpu.vector_store %arg10[%swap3A_250], %gather3A_249 {strides = array<i32>} : memref<512xf32, #tpu.memory_space<vmem>>, vector<16xf32>,
    %get3A_252 = arith.constant 240 : index
    %get3A_253 = tpu.vector_load %arg7[%get3A_252] {strides = array<i32>} : memref<512xi32, #tpu.memory_space<vmem>>, vector<16xi32>,
    %and3A_254 = arith.constant 7 : i32
    %and3A_255 = vector.broadcast %and3A_254 : i32 to vector<16xi32>
    %and3A_256 = arith.andi %get3A_253, %and3A_255 : vector<16xi32>
    %mul3A_257 = arith.constant 2 : i32
    %mul3A_258 = vector.broadcast %mul3A_257 : i32 to vector<16xi32>
    %mul3A_259 = arith.muli %and3A_256, %mul3A_258 : vector<16xi32>
    %gather3A_260 = tpu.vector_load_idx %arg8[%mul3A_259] : memref<16xf32, #tpu.memory_space<vmem>>[vector<16xi32>], vector<16xf32>,
    %swap3A_261 = arith.constant 240 : index
    %swap3A_262 = tpu.vector_load %arg9[%swap3A_261] {strides = array<i32>} : memref<512xf32, #tpu.memory_space<vmem>>, vector<16xf32>,
    tpu.vector_store %arg9[%swap3A_261], %gather3A_260 {strides = array<i32>} : memref<512xf32, #tpu.memory_space<vmem>>, vector<16xf32>,
    %add3A_263 = arith.constant 1 : i32
    %add3A_264 = vector.broadcast %add3A_263 : i32 to vector<16xi32>
    %add3A_265 = arith.addi %mul3A_259, %add3A_264 : vector<16xi32>
    %gather3A_266 = tpu.vector_load_idx %arg8[%add3A_265] : memref<16xf32, #tpu.memory_space<vmem>>[vector<16xi32>], vector<16xf32>,
    %swap3A_267 = arith.constant 240 : index
    %swap3A_268 = tpu.vector_load %arg10[%swap3A_267] {strides = array<i32>} : memref<512xf32, #tpu.memory_space<vmem>>, vector<16xf32>,
    tpu.vector_store %arg10[%swap3A_267], %gather3A_266 {strides = array<i32>} : memref<512xf32, #tpu.memory_space<vmem>>, vector<16xf32>,
    %get3A_269 = arith.constant 256 : index
    %get3A_270 = tpu.vector_load %arg7[%get3A_269] {strides = array<i32>} : memref<512xi32, #tpu.memory_space<vmem>>, vector<16xi32>,
    %and3A_271 = arith.constant 7 : i32
    %and3A_272 = vector.broadcast %and3A_271 : i32 to vector<16xi32>
    %and3A_273 = arith.andi %get3A_270, %and3A_272 : vector<16xi32>
    %mul3A_274 = arith.constant 2 : i32
    %mul3A_275 = vector.broadcast %mul3A_274 : i32 to vector<16xi32>
    %mul3A_276 = arith.muli %and3A_273, %mul3A_275 : vector<16xi32>
    %gather3A_277 = tpu.vector_load_idx %arg8[%mul3A_276] : memref<16xf32, #tpu.memory_space<vmem>>[vector<16xi32>], vector<16xf32>,
    %swap3A_278 = arith.constant 256 : index
    %swap3A_279 = tpu.vector_load %arg9[%swap3A_278] {strides = array<i32>} : memref<512xf32, #tpu.memory_space<vmem>>, vector<16xf32>,
    tpu.vector_store %arg9[%swap3A_278], %gather3A_277 {strides = array<i32>} : memref<512xf32, #tpu.memory_space<vmem>>, vector<16xf32>,
    %add3A_280 = arith.constant 1 : i32
    %add3A_281 = vector.broadcast %add3A_280 : i32 to vector<16xi32>
    %add3A_282 = arith.addi %mul3A_276, %add3A_281 : vector<16xi32>
    %gather3A_283 = tpu.vector_load_idx %arg8[%add3A_282] : memref<16xf32, #tpu.memory_space<vmem>>[vector<16xi32>], vector<16xf32>,
    %swap3A_284 = arith.constant 256 : index
    %swap3A_285 = tpu.vector_load %arg10[%swap3A_284] {strides = array<i32>} : memref<512xf32, #tpu.memory_space<vmem>>, vector<16xf32>,
    tpu.vector_store %arg10[%swap3A_284], %gather3A_283 {strides = array<i32>} : memref<512xf32, #tpu.memory_space<vmem>>, vector<16xf32>,
    %get3A_286 = arith.constant 272 : index
    %get3A_287 = tpu.vector_load %arg7[%get3A_286] {strides = array<i32>} : memref<512xi32, #tpu.memory_space<vmem>>, vector<16xi32>,
    %and3A_288 = arith.constant 7 : i32
    %and3A_289 = vector.broadcast %and3A_288 : i32 to vector<16xi32>
    %and3A_290 = arith.andi %get3A_287, %and3A_289 : vector<16xi32>
    %mul3A_291 = arith.constant 2 : i32
    %mul3A_292 = vector.broadcast %mul3A_291 : i32 to vector<16xi32>
    %mul3A_293 = arith.muli %and3A_290, %mul3A_292 : vector<16xi32>
    %gather3A_294 = tpu.vector_load_idx %arg8[%mul3A_293] : memref<16xf32, #tpu.memory_space<vmem>>[vector<16xi32>], vector<16xf32>,
    %swap3A_295 = arith.constant 272 : index
    %swap3A_296 = tpu.vector_load %arg9[%swap3A_295] {strides = array<i32>} : memref<512xf32, #tpu.memory_space<vmem>>, vector<16xf32>,
    tpu.vector_store %arg9[%swap3A_295], %gather3A_294 {strides = array<i32>} : memref<512xf32, #tpu.memory_space<vmem>>, vector<16xf32>,
    %add3A_297 = arith.constant 1 : i32
    %add3A_298 = vector.broadcast %add3A_297 : i32 to vector<16xi32>
    %add3A_299 = arith.addi %mul3A_293, %add3A_298 : vector<16xi32>
    %gather3A_300 = tpu.vector_load_idx %arg8[%add3A_299] : memref<16xf32, #tpu.memory_space<vmem>>[vector<16xi32>], vector<16xf32>,
    %swap3A_301 = arith.constant 272 : index
    %swap3A_302 = tpu.vector_load %arg10[%swap3A_301] {strides = array<i32>} : memref<512xf32, #tpu.memory_space<vmem>>, vector<16xf32>,
    tpu.vector_store %arg10[%swap3A_301], %gather3A_300 {strides = array<i32>} : memref<512xf32, #tpu.memory_space<vmem>>, vector<16xf32>,
    %get3A_303 = arith.constant 288 : index
    %get3A_304 = tpu.vector_load %arg7[%get3A_303] {strides = array<i32>} : memref<512xi32, #tpu.memory_space<vmem>>, vector<16xi32>,
    %and3A_305 = arith.constant 7 : i32
    %and3A_306 = vector.broadcast %and3A_305 : i32 to vector<16xi32>
    %and3A_307 = arith.andi %get3A_304, %and3A_306 : vector<16xi32>
    %mul3A_308 = arith.constant 2 : i32
    %mul3A_309 = vector.broadcast %mul3A_308 : i32 to vector<16xi32>
    %mul3A_310 = arith.muli %and3A_307, %mul3A_309 : vector<16xi32>
    %gather3A_311 = tpu.vector_load_idx %arg8[%mul3A_310] : memref<16xf32, #tpu.memory_space<vmem>>[vector<16xi32>], vector<16xf32>,
    %swap3A_312 = arith.constant 288 : index
    %swap3A_313 = tpu.vector_load %arg9[%swap3A_312] {strides = array<i32>} : memref<512xf32, #tpu.memory_space<vmem>>, vector<16xf32>,
    tpu.vector_store %arg9[%swap3A_312], %gather3A_311 {strides = array<i32>} : memref<512xf32, #tpu.memory_space<vmem>>, vector<16xf32>,
    %add3A_314 = arith.constant 1 : i32
    %add3A_315 = vector.broadcast %add3A_314 : i32 to vector<16xi32>
    %add3A_316 = arith.addi %mul3A_310, %add3A_315 : vector<16xi32>
    %gather3A_317 = tpu.vector_load_idx %arg8[%add3A_316] : memref<16xf32, #tpu.memory_space<vmem>>[vector<16xi32>], vector<16xf32>,
    %swap3A_318 = arith.constant 288 : index
    %swap3A_319 = tpu.vector_load %arg10[%swap3A_318] {strides = array<i32>} : memref<512xf32, #tpu.memory_space<vmem>>, vector<16xf32>,
    tpu.vector_store %arg10[%swap3A_318], %gather3A_317 {strides = array<i32>} : memref<512xf32, #tpu.memory_space<vmem>>, vector<16xf32>,
    %get3A_320 = arith.constant 304 : index
    %get3A_321 = tpu.vector_load %arg7[%get3A_320] {strides = array<i32>} : memref<512xi32, #tpu.memory_space<vmem>>, vector<16xi32>,
    %and3A_322 = arith.constant 7 : i32
    %and3A_323 = vector.broadcast %and3A_322 : i32 to vector<16xi32>
    %and3A_324 = arith.andi %get3A_321, %and3A_323 : vector<16xi32>
    %mul3A_325 = arith.constant 2 : i32
    %mul3A_326 = vector.broadcast %mul3A_325 : i32 to vector<16xi32>
    %mul3A_327 = arith.muli %and3A_324, %mul3A_326 : vector<16xi32>
    %gather3A_328 = tpu.vector_load_idx %arg8[%mul3A_327] : memref<16xf32, #tpu.memory_space<vmem>>[vector<16xi32>], vector<16xf32>,
    %swap3A_329 = arith.constant 304 : index
    %swap3A_330 = tpu.vector_load %arg9[%swap3A_329] {strides = array<i32>} : memref<512xf32, #tpu.memory_space<vmem>>, vector<16xf32>,
    tpu.vector_store %arg9[%swap3A_329], %gather3A_328 {strides = array<i32>} : memref<512xf32, #tpu.memory_space<vmem>>, vector<16xf32>,
    %add3A_331 = arith.constant 1 : i32
    %add3A_332 = vector.broadcast %add3A_331 : i32 to vector<16xi32>
    %add3A_333 = arith.addi %mul3A_327, %add3A_332 : vector<16xi32>
    %gather3A_334 = tpu.vector_load_idx %arg8[%add3A_333] : memref<16xf32, #tpu.memory_space<vmem>>[vector<16xi32>], vector<16xf32>,
    %swap3A_335 = arith.constant 304 : index
    %swap3A_336 = tpu.vector_load %arg10[%swap3A_335] {strides = array<i32>} : memref<512xf32, #tpu.memory_space<vmem>>, vector<16xf32>,
    tpu.vector_store %arg10[%swap3A_335], %gather3A_334 {strides = array<i32>} : memref<512xf32, #tpu.memory_space<vmem>>, vector<16xf32>,
    %get3A_337 = arith.constant 320 : index
    %get3A_338 = tpu.vector_load %arg7[%get3A_337] {strides = array<i32>} : memref<512xi32, #tpu.memory_space<vmem>>, vector<16xi32>,
    %and3A_339 = arith.constant 7 : i32
    %and3A_340 = vector.broadcast %and3A_339 : i32 to vector<16xi32>
    %and3A_341 = arith.andi %get3A_338, %and3A_340 : vector<16xi32>
    %mul3A_342 = arith.constant 2 : i32
    %mul3A_343 = vector.broadcast %mul3A_342 : i32 to vector<16xi32>
    %mul3A_344 = arith.muli %and3A_341, %mul3A_343 : vector<16xi32>
    %gather3A_345 = tpu.vector_load_idx %arg8[%mul3A_344] : memref<16xf32, #tpu.memory_space<vmem>>[vector<16xi32>], vector<16xf32>,
    %swap3A_346 = arith.constant 320 : index
    %swap3A_347 = tpu.vector_load %arg9[%swap3A_346] {strides = array<i32>} : memref<512xf32, #tpu.memory_space<vmem>>, vector<16xf32>,
    tpu.vector_store %arg9[%swap3A_346], %gather3A_345 {strides = array<i32>} : memref<512xf32, #tpu.memory_space<vmem>>, vector<16xf32>,
    %add3A_348 = arith.constant 1 : i32
    %add3A_349 = vector.broadcast %add3A_348 : i32 to vector<16xi32>
    %add3A_350 = arith.addi %mul3A_344, %add3A_349 : vector<16xi32>
    %gather3A_351 = tpu.vector_load_idx %arg8[%add3A_350] : memref<16xf32, #tpu.memory_space<vmem>>[vector<16xi32>], vector<16xf32>,
    %swap3A_352 = arith.constant 320 : index
    %swap3A_353 = tpu.vector_load %arg10[%swap3A_352] {strides = array<i32>} : memref<512xf32, #tpu.memory_space<vmem>>, vector<16xf32>,
    tpu.vector_store %arg10[%swap3A_352], %gather3A_351 {strides = array<i32>} : memref<512xf32, #tpu.memory_space<vmem>>, vector<16xf32>,
    %get3A_354 = arith.constant 336 : index
    %get3A_355 = tpu.vector_load %arg7[%get3A_354] {strides = array<i32>} : memref<512xi32, #tpu.memory_space<vmem>>, vector<16xi32>,
    %and3A_356 = arith.constant 7 : i32
    %and3A_357 = vector.broadcast %and3A_356 : i32 to vector<16xi32>
    %and3A_358 = arith.andi %get3A_355, %and3A_357 : vector<16xi32>
    %mul3A_359 = arith.constant 2 : i32
    %mul3A_360 = vector.broadcast %mul3A_359 : i32 to vector<16xi32>
    %mul3A_361 = arith.muli %and3A_358, %mul3A_360 : vector<16xi32>
    %gather3A_362 = tpu.vector_load_idx %arg8[%mul3A_361] : memref<16xf32, #tpu.memory_space<vmem>>[vector<16xi32>], vector<16xf32>,
    %swap3A_363 = arith.constant 336 : index
    %swap3A_364 = tpu.vector_load %arg9[%swap3A_363] {strides = array<i32>} : memref<512xf32, #tpu.memory_space<vmem>>, vector<16xf32>,
    tpu.vector_store %arg9[%swap3A_363], %gather3A_362 {strides = array<i32>} : memref<512xf32, #tpu.memory_space<vmem>>, vector<16xf32>,
    %add3A_365 = arith.constant 1 : i32
    %add3A_366 = vector.broadcast %add3A_365 : i32 to vector<16xi32>
    %add3A_367 = arith.addi %mul3A_361, %add3A_366 : vector<16xi32>
    %gather3A_368 = tpu.vector_load_idx %arg8[%add3A_367] : memref<16xf32, #tpu.memory_space<vmem>>[vector<16xi32>], vector<16xf32>,
    %swap3A_369 = arith.constant 336 : index
    %swap3A_370 = tpu.vector_load %arg10[%swap3A_369] {strides = array<i32>} : memref<512xf32, #tpu.memory_space<vmem>>, vector<16xf32>,
    tpu.vector_store %arg10[%swap3A_369], %gather3A_368 {strides = array<i32>} : memref<512xf32, #tpu.memory_space<vmem>>, vector<16xf32>,
    %get3A_371 = arith.constant 352 : index
    %get3A_372 = tpu.vector_load %arg7[%get3A_371] {strides = array<i32>} : memref<512xi32, #tpu.memory_space<vmem>>, vector<16xi32>,
    %and3A_373 = arith.constant 7 : i32
    %and3A_374 = vector.broadcast %and3A_373 : i32 to vector<16xi32>
    %and3A_375 = arith.andi %get3A_372, %and3A_374 : vector<16xi32>
    %mul3A_376 = arith.constant 2 : i32
    %mul3A_377 = vector.broadcast %mul3A_376 : i32 to vector<16xi32>
    %mul3A_378 = arith.muli %and3A_375, %mul3A_377 : vector<16xi32>
    %gather3A_379 = tpu.vector_load_idx %arg8[%mul3A_378] : memref<16xf32, #tpu.memory_space<vmem>>[vector<16xi32>], vector<16xf32>,
    %swap3A_380 = arith.constant 352 : index
    %swap3A_381 = tpu.vector_load %arg9[%swap3A_380] {strides = array<i32>} : memref<512xf32, #tpu.memory_space<vmem>>, vector<16xf32>,
    tpu.vector_store %arg9[%swap3A_380], %gather3A_379 {strides = array<i32>} : memref<512xf32, #tpu.memory_space<vmem>>, vector<16xf32>,
    %add3A_382 = arith.constant 1 : i32
    %add3A_383 = vector.broadcast %add3A_382 : i32 to vector<16xi32>
    %add3A_384 = arith.addi %mul3A_378, %add3A_383 : vector<16xi32>
    %gather3A_385 = tpu.vector_load_idx %arg8[%add3A_384] : memref<16xf32, #tpu.memory_space<vmem>>[vector<16xi32>], vector<16xf32>,
    %swap3A_386 = arith.constant 352 : index
    %swap3A_387 = tpu.vector_load %arg10[%swap3A_386] {strides = array<i32>} : memref<512xf32, #tpu.memory_space<vmem>>, vector<16xf32>,
    tpu.vector_store %arg10[%swap3A_386], %gather3A_385 {strides = array<i32>} : memref<512xf32, #tpu.memory_space<vmem>>, vector<16xf32>,
    %get3A_388 = arith.constant 368 : index
    %get3A_389 = tpu.vector_load %arg7[%get3A_388] {strides = array<i32>} : memref<512xi32, #tpu.memory_space<vmem>>, vector<16xi32>,
    %and3A_390 = arith.constant 7 : i32
    %and3A_391 = vector.broadcast %and3A_390 : i32 to vector<16xi32>
    %and3A_392 = arith.andi %get3A_389, %and3A_391 : vector<16xi32>
    %mul3A_393 = arith.constant 2 : i32
    %mul3A_394 = vector.broadcast %mul3A_393 : i32 to vector<16xi32>
    %mul3A_395 = arith.muli %and3A_392, %mul3A_394 : vector<16xi32>
    %gather3A_396 = tpu.vector_load_idx %arg8[%mul3A_395] : memref<16xf32, #tpu.memory_space<vmem>>[vector<16xi32>], vector<16xf32>,
    %swap3A_397 = arith.constant 368 : index
    %swap3A_398 = tpu.vector_load %arg9[%swap3A_397] {strides = array<i32>} : memref<512xf32, #tpu.memory_space<vmem>>, vector<16xf32>,
    tpu.vector_store %arg9[%swap3A_397], %gather3A_396 {strides = array<i32>} : memref<512xf32, #tpu.memory_space<vmem>>, vector<16xf32>,
    %add3A_399 = arith.constant 1 : i32
    %add3A_400 = vector.broadcast %add3A_399 : i32 to vector<16xi32>
    %add3A_401 = arith.addi %mul3A_395, %add3A_400 : vector<16xi32>
    %gather3A_402 = tpu.vector_load_idx %arg8[%add3A_401] : memref<16xf32, #tpu.memory_space<vmem>>[vector<16xi32>], vector<16xf32>,
    %swap3A_403 = arith.constant 368 : index
    %swap3A_404 = tpu.vector_load %arg10[%swap3A_403] {strides = array<i32>} : memref<512xf32, #tpu.memory_space<vmem>>, vector<16xf32>,
    tpu.vector_store %arg10[%swap3A_403], %gather3A_402 {strides = array<i32>} : memref<512xf32, #tpu.memory_space<vmem>>, vector<16xf32>,
    %get3A_405 = arith.constant 384 : index
    %get3A_406 = tpu.vector_load %arg7[%get3A_405] {strides = array<i32>} : memref<512xi32, #tpu.memory_space<vmem>>, vector<16xi32>,
    %and3A_407 = arith.constant 7 : i32
    %and3A_408 = vector.broadcast %and3A_407 : i32 to vector<16xi32>
    %and3A_409 = arith.andi %get3A_406, %and3A_408 : vector<16xi32>
    %mul3A_410 = arith.constant 2 : i32
    %mul3A_411 = vector.broadcast %mul3A_410 : i32 to vector<16xi32>
    %mul3A_412 = arith.muli %and3A_409, %mul3A_411 : vector<16xi32>
    %gather3A_413 = tpu.vector_load_idx %arg8[%mul3A_412] : memref<16xf32, #tpu.memory_space<vmem>>[vector<16xi32>], vector<16xf32>,
    %swap3A_414 = arith.constant 384 : index
    %swap3A_415 = tpu.vector_load %arg9[%swap3A_414] {strides = array<i32>} : memref<512xf32, #tpu.memory_space<vmem>>, vector<16xf32>,
    tpu.vector_store %arg9[%swap3A_414], %gather3A_413 {strides = array<i32>} : memref<512xf32, #tpu.memory_space<vmem>>, vector<16xf32>,
    %add3A_416 = arith.constant 1 : i32
    %add3A_417 = vector.broadcast %add3A_416 : i32 to vector<16xi32>
    %add3A_418 = arith.addi %mul3A_412, %add3A_417 : vector<16xi32>
    %gather3A_419 = tpu.vector_load_idx %arg8[%add3A_418] : memref<16xf32, #tpu.memory_space<vmem>>[vector<16xi32>], vector<16xf32>,
    %swap3A_420 = arith.constant 384 : index
    %swap3A_421 = tpu.vector_load %arg10[%swap3A_420] {strides = array<i32>} : memref<512xf32, #tpu.memory_space<vmem>>, vector<16xf32>,
    tpu.vector_store %arg10[%swap3A_420], %gather3A_419 {strides = array<i32>} : memref<512xf32, #tpu.memory_space<vmem>>, vector<16xf32>,
    %get3A_422 = arith.constant 400 : index
    %get3A_423 = tpu.vector_load %arg7[%get3A_422] {strides = array<i32>} : memref<512xi32, #tpu.memory_space<vmem>>, vector<16xi32>,
    %and3A_424 = arith.constant 7 : i32
    %and3A_425 = vector.broadcast %and3A_424 : i32 to vector<16xi32>
    %and3A_426 = arith.andi %get3A_423, %and3A_425 : vector<16xi32>
    %mul3A_427 = arith.constant 2 : i32
    %mul3A_428 = vector.broadcast %mul3A_427 : i32 to vector<16xi32>
    %mul3A_429 = arith.muli %and3A_426, %mul3A_428 : vector<16xi32>
    %gather3A_430 = tpu.vector_load_idx %arg8[%mul3A_429] : memref<16xf32, #tpu.memory_space<vmem>>[vector<16xi32>], vector<16xf32>,
    %swap3A_431 = arith.constant 400 : index
    %swap3A_432 = tpu.vector_load %arg9[%swap3A_431] {strides = array<i32>} : memref<512xf32, #tpu.memory_space<vmem>>, vector<16xf32>,
    tpu.vector_store %arg9[%swap3A_431], %gather3A_430 {strides = array<i32>} : memref<512xf32, #tpu.memory_space<vmem>>, vector<16xf32>,
    %add3A_433 = arith.constant 1 : i32
    %add3A_434 = vector.broadcast %add3A_433 : i32 to vector<16xi32>
    %add3A_435 = arith.addi %mul3A_429, %add3A_434 : vector<16xi32>
    %gather3A_436 = tpu.vector_load_idx %arg8[%add3A_435] : memref<16xf32, #tpu.memory_space<vmem>>[vector<16xi32>], vector<16xf32>,
    %swap3A_437 = arith.constant 400 : index
    %swap3A_438 = tpu.vector_load %arg10[%swap3A_437] {strides = array<i32>} : memref<512xf32, #tpu.memory_space<vmem>>, vector<16xf32>,
    tpu.vector_store %arg10[%swap3A_437], %gather3A_436 {strides = array<i32>} : memref<512xf32, #tpu.memory_space<vmem>>, vector<16xf32>,
    %get3A_439 = arith.constant 416 : index
    %get3A_440 = tpu.vector_load %arg7[%get3A_439] {strides = array<i32>} : memref<512xi32, #tpu.memory_space<vmem>>, vector<16xi32>,
    %and3A_441 = arith.constant 7 : i32
    %and3A_442 = vector.broadcast %and3A_441 : i32 to vector<16xi32>
    %and3A_443 = arith.andi %get3A_440, %and3A_442 : vector<16xi32>
    %mul3A_444 = arith.constant 2 : i32
    %mul3A_445 = vector.broadcast %mul3A_444 : i32 to vector<16xi32>
    %mul3A_446 = arith.muli %and3A_443, %mul3A_445 : vector<16xi32>
    %gather3A_447 = tpu.vector_load_idx %arg8[%mul3A_446] : memref<16xf32, #tpu.memory_space<vmem>>[vector<16xi32>], vector<16xf32>,
    %swap3A_448 = arith.constant 416 : index
    %swap3A_449 = tpu.vector_load %arg9[%swap3A_448] {strides = array<i32>} : memref<512xf32, #tpu.memory_space<vmem>>, vector<16xf32>,
    tpu.vector_store %arg9[%swap3A_448], %gather3A_447 {strides = array<i32>} : memref<512xf32, #tpu.memory_space<vmem>>, vector<16xf32>,
    %add3A_450 = arith.constant 1 : i32
    %add3A_451 = vector.broadcast %add3A_450 : i32 to vector<16xi32>
    %add3A_452 = arith.addi %mul3A_446, %add3A_451 : vector<16xi32>
    %gather3A_453 = tpu.vector_load_idx %arg8[%add3A_452] : memref<16xf32, #tpu.memory_space<vmem>>[vector<16xi32>], vector<16xf32>,
    %swap3A_454 = arith.constant 416 : index
    %swap3A_455 = tpu.vector_load %arg10[%swap3A_454] {strides = array<i32>} : memref<512xf32, #tpu.memory_space<vmem>>, vector<16xf32>,
    tpu.vector_store %arg10[%swap3A_454], %gather3A_453 {strides = array<i32>} : memref<512xf32, #tpu.memory_space<vmem>>, vector<16xf32>,
    %get3A_456 = arith.constant 432 : index
    %get3A_457 = tpu.vector_load %arg7[%get3A_456] {strides = array<i32>} : memref<512xi32, #tpu.memory_space<vmem>>, vector<16xi32>,
    %and3A_458 = arith.constant 7 : i32
    %and3A_459 = vector.broadcast %and3A_458 : i32 to vector<16xi32>
    %and3A_460 = arith.andi %get3A_457, %and3A_459 : vector<16xi32>
    %mul3A_461 = arith.constant 2 : i32
    %mul3A_462 = vector.broadcast %mul3A_461 : i32 to vector<16xi32>
    %mul3A_463 = arith.muli %and3A_460, %mul3A_462 : vector<16xi32>
    %gather3A_464 = tpu.vector_load_idx %arg8[%mul3A_463] : memref<16xf32, #tpu.memory_space<vmem>>[vector<16xi32>], vector<16xf32>,
    %swap3A_465 = arith.constant 432 : index
    %swap3A_466 = tpu.vector_load %arg9[%swap3A_465] {strides = array<i32>} : memref<512xf32, #tpu.memory_space<vmem>>, vector<16xf32>,
    tpu.vector_store %arg9[%swap3A_465], %gather3A_464 {strides = array<i32>} : memref<512xf32, #tpu.memory_space<vmem>>, vector<16xf32>,
    %add3A_467 = arith.constant 1 : i32
    %add3A_468 = vector.broadcast %add3A_467 : i32 to vector<16xi32>
    %add3A_469 = arith.addi %mul3A_463, %add3A_468 : vector<16xi32>
    %gather3A_470 = tpu.vector_load_idx %arg8[%add3A_469] : memref<16xf32, #tpu.memory_space<vmem>>[vector<16xi32>], vector<16xf32>,
    %swap3A_471 = arith.constant 432 : index
    %swap3A_472 = tpu.vector_load %arg10[%swap3A_471] {strides = array<i32>} : memref<512xf32, #tpu.memory_space<vmem>>, vector<16xf32>,
    tpu.vector_store %arg10[%swap3A_471], %gather3A_470 {strides = array<i32>} : memref<512xf32, #tpu.memory_space<vmem>>, vector<16xf32>,
    %get3A_473 = arith.constant 448 : index
    %get3A_474 = tpu.vector_load %arg7[%get3A_473] {strides = array<i32>} : memref<512xi32, #tpu.memory_space<vmem>>, vector<16xi32>,
    %and3A_475 = arith.constant 7 : i32
    %and3A_476 = vector.broadcast %and3A_475 : i32 to vector<16xi32>
    %and3A_477 = arith.andi %get3A_474, %and3A_476 : vector<16xi32>
    %mul3A_478 = arith.constant 2 : i32
    %mul3A_479 = vector.broadcast %mul3A_478 : i32 to vector<16xi32>
    %mul3A_480 = arith.muli %and3A_477, %mul3A_479 : vector<16xi32>
    %gather3A_481 = tpu.vector_load_idx %arg8[%mul3A_480] : memref<16xf32, #tpu.memory_space<vmem>>[vector<16xi32>], vector<16xf32>,
    %swap3A_482 = arith.constant 448 : index
    %swap3A_483 = tpu.vector_load %arg9[%swap3A_482] {strides = array<i32>} : memref<512xf32, #tpu.memory_space<vmem>>, vector<16xf32>,
    tpu.vector_store %arg9[%swap3A_482], %gather3A_481 {strides = array<i32>} : memref<512xf32, #tpu.memory_space<vmem>>, vector<16xf32>,
    %add3A_484 = arith.constant 1 : i32
    %add3A_485 = vector.broadcast %add3A_484 : i32 to vector<16xi32>
    %add3A_486 = arith.addi %mul3A_480, %add3A_485 : vector<16xi32>
    %gather3A_487 = tpu.vector_load_idx %arg8[%add3A_486] : memref<16xf32, #tpu.memory_space<vmem>>[vector<16xi32>], vector<16xf32>,
    %swap3A_488 = arith.constant 448 : index
    %swap3A_489 = tpu.vector_load %arg10[%swap3A_488] {strides = array<i32>} : memref<512xf32, #tpu.memory_space<vmem>>, vector<16xf32>,
    tpu.vector_store %arg10[%swap3A_488], %gather3A_487 {strides = array<i32>} : memref<512xf32, #tpu.memory_space<vmem>>, vector<16xf32>,
    %get3A_490 = arith.constant 464 : index
    %get3A_491 = tpu.vector_load %arg7[%get3A_490] {strides = array<i32>} : memref<512xi32, #tpu.memory_space<vmem>>, vector<16xi32>,
    %and3A_492 = arith.constant 7 : i32
    %and3A_493 = vector.broadcast %and3A_492 : i32 to vector<16xi32>
    %and3A_494 = arith.andi %get3A_491, %and3A_493 : vector<16xi32>
    %mul3A_495 = arith.constant 2 : i32
    %mul3A_496 = vector.broadcast %mul3A_495 : i32 to vector<16xi32>
    %mul3A_497 = arith.muli %and3A_494, %mul3A_496 : vector<16xi32>
    %gather3A_498 = tpu.vector_load_idx %arg8[%mul3A_497] : memref<16xf32, #tpu.memory_space<vmem>>[vector<16xi32>], vector<16xf32>,
    %swap3A_499 = arith.constant 464 : index
    %swap3A_500 = tpu.vector_load %arg9[%swap3A_499] {strides = array<i32>} : memref<512xf32, #tpu.memory_space<vmem>>, vector<16xf32>,
    tpu.vector_store %arg9[%swap3A_499], %gather3A_498 {strides = array<i32>} : memref<512xf32, #tpu.memory_space<vmem>>, vector<16xf32>,
    %add3A_501 = arith.constant 1 : i32
    %add3A_502 = vector.broadcast %add3A_501 : i32 to vector<16xi32>
    %add3A_503 = arith.addi %mul3A_497, %add3A_502 : vector<16xi32>
    %gather3A_504 = tpu.vector_load_idx %arg8[%add3A_503] : memref<16xf32, #tpu.memory_space<vmem>>[vector<16xi32>], vector<16xf32>,
    %swap3A_505 = arith.constant 464 : index
    %swap3A_506 = tpu.vector_load %arg10[%swap3A_505] {strides = array<i32>} : memref<512xf32, #tpu.memory_space<vmem>>, vector<16xf32>,
    tpu.vector_store %arg10[%swap3A_505], %gather3A_504 {strides = array<i32>} : memref<512xf32, #tpu.memory_space<vmem>>, vector<16xf32>,
    %get3A_507 = arith.constant 480 : index
    %get3A_508 = tpu.vector_load %arg7[%get3A_507] {strides = array<i32>} : memref<512xi32, #tpu.memory_space<vmem>>, vector<16xi32>,
    %and3A_509 = arith.constant 7 : i32
    %and3A_510 = vector.broadcast %and3A_509 : i32 to vector<16xi32>
    %and3A_511 = arith.andi %get3A_508, %and3A_510 : vector<16xi32>
    %mul3A_512 = arith.constant 2 : i32
    %mul3A_513 = vector.broadcast %mul3A_512 : i32 to vector<16xi32>
    %mul3A_514 = arith.muli %and3A_511, %mul3A_513 : vector<16xi32>
    %gather3A_515 = tpu.vector_load_idx %arg8[%mul3A_514] : memref<16xf32, #tpu.memory_space<vmem>>[vector<16xi32>], vector<16xf32>,
    %swap3A_516 = arith.constant 480 : index
    %swap3A_517 = tpu.vector_load %arg9[%swap3A_516] {strides = array<i32>} : memref<512xf32, #tpu.memory_space<vmem>>, vector<16xf32>,
    tpu.vector_store %arg9[%swap3A_516], %gather3A_515 {strides = array<i32>} : memref<512xf32, #tpu.memory_space<vmem>>, vector<16xf32>,
    %add3A_518 = arith.constant 1 : i32
    %add3A_519 = vector.broadcast %add3A_518 : i32 to vector<16xi32>
    %add3A_520 = arith.addi %mul3A_514, %add3A_519 : vector<16xi32>
    %gather3A_521 = tpu.vector_load_idx %arg8[%add3A_520] : memref<16xf32, #tpu.memory_space<vmem>>[vector<16xi32>], vector<16xf32>,
    %swap3A_522 = arith.constant 480 : index
    %swap3A_523 = tpu.vector_load %arg10[%swap3A_522] {strides = array<i32>} : memref<512xf32, #tpu.memory_space<vmem>>, vector<16xf32>,
    tpu.vector_store %arg10[%swap3A_522], %gather3A_521 {strides = array<i32>} : memref<512xf32, #tpu.memory_space<vmem>>, vector<16xf32>,
    %get3A_524 = arith.constant 496 : index
    %get3A_525 = tpu.vector_load %arg7[%get3A_524] {strides = array<i32>} : memref<512xi32, #tpu.memory_space<vmem>>, vector<16xi32>,
    %and3A_526 = arith.constant 7 : i32
    %and3A_527 = vector.broadcast %and3A_526 : i32 to vector<16xi32>
    %and3A_528 = arith.andi %get3A_525, %and3A_527 : vector<16xi32>
    %mul3A_529 = arith.constant 2 : i32
    %mul3A_530 = vector.broadcast %mul3A_529 : i32 to vector<16xi32>
    %mul3A_531 = arith.muli %and3A_528, %mul3A_530 : vector<16xi32>
    %gather3A_532 = tpu.vector_load_idx %arg8[%mul3A_531] : memref<16xf32, #tpu.memory_space<vmem>>[vector<16xi32>], vector<16xf32>,
    %swap3A_533 = arith.constant 496 : index
    %swap3A_534 = tpu.vector_load %arg9[%swap3A_533] {strides = array<i32>} : memref<512xf32, #tpu.memory_space<vmem>>, vector<16xf32>,
    tpu.vector_store %arg9[%swap3A_533], %gather3A_532 {strides = array<i32>} : memref<512xf32, #tpu.memory_space<vmem>>, vector<16xf32>,
    %add3A_535 = arith.constant 1 : i32
    %add3A_536 = vector.broadcast %add3A_535 : i32 to vector<16xi32>
    %add3A_537 = arith.addi %mul3A_531, %add3A_536 : vector<16xi32>
    %gather3A_538 = tpu.vector_load_idx %arg8[%add3A_537] : memref<16xf32, #tpu.memory_space<vmem>>[vector<16xi32>], vector<16xf32>,
    %swap3A_539 = arith.constant 496 : index
    %swap3A_540 = tpu.vector_load %arg10[%swap3A_539] {strides = array<i32>} : memref<512xf32, #tpu.memory_space<vmem>>, vector<16xf32>,
    tpu.vector_store %arg10[%swap3A_539], %gather3A_538 {strides = array<i32>} : memref<512xf32, #tpu.memory_space<vmem>>, vector<16xf32>,
    %mul3A_541 = arith.constant 131072 : i32
    %mul3A_542 = arith.muli %add3A, %mul3A_541 : i32
    %add3A_543 = arith.constant 0 : i32
    %add3A_544 = arith.addi %mul3A_542, %add3A_543 : i32
    %dma_start3A = arith.constant 0 : i32
    %dma_start3A_545 = arith.constant 0 : i32
    %dma_start3A_546 = arith.constant 0 : i32
    %dma_start3A_547 = tpu.memref_slice %arg11[%dma_start3A, %dma_start3A_546] : memref<2x8192xf32, #tpu.memory_space<vmem>> -> memref<1x8192xf32, #tpu.memory_space<vmem>>
    %dma_start3A_548 = tpu.memref_squeeze %dma_start3A_547 : memref<1x8192xf32, #tpu.memory_space<vmem>> -> memref<8192xf32, #tpu.memory_space<vmem>>
    %dma_start3A_549 = tpu.memref_slice %arg2[%add3A_544] : memref<4194304xf32, #tpu.memory_space<hbm>> -> memref<8192xf32, #tpu.memory_space<hbm>>
    %dma_start3A_550 = tpu.memref_slice %arg14[%dma_start3A_545] : memref<2x!tpu.dma_semaphore, #tpu.memory_space<semaphore_mem>> -> memref<1x!tpu.dma_semaphore, #tpu.memory_space<semaphore_mem>>
    %dma_start3A_551 = tpu.memref_squeeze %dma_start3A_550 : memref<1x!tpu.dma_semaphore, #tpu.memory_space<semaphore_mem>> -> memref<!tpu.dma_semaphore, #tpu.memory_space<semaphore_mem>>
    %dma_start3A_552 = arith.constant 0 : i32
    %dma_start3A_553 = tpu.memref_slice %arg11[%dma_start3A, %dma_start3A_552] : memref<2x8192xf32, #tpu.memory_space<vmem>> -> memref<1x8192xf32, #tpu.memory_space<vmem>>
    %dma_start3A_554 = tpu.memref_squeeze %dma_start3A_553 : memref<1x8192xf32, #tpu.memory_space<vmem>> -> memref<8192xf32, #tpu.memory_space<vmem>>
    %dma_start3A_555 = tpu.memref_slice %arg2[%add3A_544] : memref<4194304xf32, #tpu.memory_space<hbm>> -> memref<8192xf32, #tpu.memory_space<hbm>>
    tpu.enqueue_dma source(%dma_start3A_555 : memref<8192xf32, #tpu.memory_space<hbm>>) target(%dma_start3A_554 : memref<8192xf32, #tpu.memory_space<vmem>>) target_semaphore(%dma_start3A_551 : memref<!tpu.dma_semaphore, #tpu.memory_space<semaphore_mem>>)
    %dma_start3A_556 = arith.constant 0 : i32
    %dma_start3A_557 = arith.constant 0 : i32
    %dma_start3A_558 = arith.constant 0 : i32
    %dma_start3A_559 = tpu.memref_slice %arg12[%dma_start3A_556, %dma_start3A_558] : memref<2x8192xf32, #tpu.memory_space<vmem>> -> memref<1x8192xf32, #tpu.memory_space<vmem>>
    %dma_start3A_560 = tpu.memref_squeeze %dma_start3A_559 : memref<1x8192xf32, #tpu.memory_space<vmem>> -> memref<8192xf32, #tpu.memory_space<vmem>>
    %dma_start3A_561 = tpu.memref_slice %arg3[%add3A_544] : memref<4194304xf32, #tpu.memory_space<hbm>> -> memref<8192xf32, #tpu.memory_space<hbm>>
    %dma_start3A_562 = tpu.memref_slice %arg14[%dma_start3A_557] : memref<2x!tpu.dma_semaphore, #tpu.memory_space<semaphore_mem>> -> memref<1x!tpu.dma_semaphore, #tpu.memory_space<semaphore_mem>>
    %dma_start3A_563 = tpu.memref_squeeze %dma_start3A_562 : memref<1x!tpu.dma_semaphore, #tpu.memory_space<semaphore_mem>> -> memref<!tpu.dma_semaphore, #tpu.memory_space<semaphore_mem>>
    %dma_start3A_564 = arith.constant 0 : i32
    %dma_start3A_565 = tpu.memref_slice %arg12[%dma_start3A_556, %dma_start3A_564] : memref<2x8192xf32, #tpu.memory_space<vmem>> -> memref<1x8192xf32, #tpu.memory_space<vmem>>
    %dma_start3A_566 = tpu.memref_squeeze %dma_start3A_565 : memref<1x8192xf32, #tpu.memory_space<vmem>> -> memref<8192xf32, #tpu.memory_space<vmem>>
    %dma_start3A_567 = tpu.memref_slice %arg3[%add3A_544] : memref<4194304xf32, #tpu.memory_space<hbm>> -> memref<8192xf32, #tpu.memory_space<hbm>>
    tpu.enqueue_dma source(%dma_start3A_567 : memref<8192xf32, #tpu.memory_space<hbm>>) target(%dma_start3A_566 : memref<8192xf32, #tpu.memory_space<vmem>>) target_semaphore(%dma_start3A_563 : memref<!tpu.dma_semaphore, #tpu.memory_space<semaphore_mem>>)
    %add3A_568 = arith.constant 8192 : i32
    %add3A_569 = arith.addi %mul3A_542, %add3A_568 : i32
    %dma_start3A_570 = arith.constant 1 : i32
    %dma_start3A_571 = arith.constant 1 : i32
    %dma_start3A_572 = arith.constant 0 : i32
    %dma_start3A_573 = tpu.memref_slice %arg11[%dma_start3A_570, %dma_start3A_572] : memref<2x8192xf32, #tpu.memory_space<vmem>> -> memref<1x8192xf32, #tpu.memory_space<vmem>>
    %dma_start3A_574 = tpu.memref_squeeze %dma_start3A_573 : memref<1x8192xf32, #tpu.memory_space<vmem>> -> memref<8192xf32, #tpu.memory_space<vmem>>
    %dma_start3A_575 = tpu.memref_slice %arg2[%add3A_569] : memref<4194304xf32, #tpu.memory_space<hbm>> -> memref<8192xf32, #tpu.memory_space<hbm>>
    %dma_start3A_576 = tpu.memref_slice %arg14[%dma_start3A_571] : memref<2x!tpu.dma_semaphore, #tpu.memory_space<semaphore_mem>> -> memref<1x!tpu.dma_semaphore, #tpu.memory_space<semaphore_mem>>
    %dma_start3A_577 = tpu.memref_squeeze %dma_start3A_576 : memref<1x!tpu.dma_semaphore, #tpu.memory_space<semaphore_mem>> -> memref<!tpu.dma_semaphore, #tpu.memory_space<semaphore_mem>>
    %dma_start3A_578 = arith.constant 0 : i32
    %dma_start3A_579 = tpu.memref_slice %arg11[%dma_start3A_570, %dma_start3A_578] : memref<2x8192xf32, #tpu.memory_space<vmem>> -> memref<1x8192xf32, #tpu.memory_space<vmem>>
    %dma_start3A_580 = tpu.memref_squeeze %dma_start3A_579 : memref<1x8192xf32, #tpu.memory_space<vmem>> -> memref<8192xf32, #tpu.memory_space<vmem>>
    %dma_start3A_581 = tpu.memref_slice %arg2[%add3A_569] : memref<4194304xf32, #tpu.memory_space<hbm>> -> memref<8192xf32, #tpu.memory_space<hbm>>
    tpu.enqueue_dma source(%dma_start3A_581 : memref<8192xf32, #tpu.memory_space<hbm>>) target(%dma_start3A_580 : memref<8192xf32, #tpu.memory_space<vmem>>) target_semaphore(%dma_start3A_577 : memref<!tpu.dma_semaphore, #tpu.memory_space<semaphore_mem>>)
    %dma_start3A_582 = arith.constant 1 : i32
    %dma_start3A_583 = arith.constant 1 : i32
    %dma_start3A_584 = arith.constant 0 : i32
    %dma_start3A_585 = tpu.memref_slice %arg12[%dma_start3A_582, %dma_start3A_584] : memref<2x8192xf32, #tpu.memory_space<vmem>> -> memref<1x8192xf32, #tpu.memory_space<vmem>>
    %dma_start3A_586 = tpu.memref_squeeze %dma_start3A_585 : memref<1x8192xf32, #tpu.memory_space<vmem>> -> memref<8192xf32, #tpu.memory_space<vmem>>
    %dma_start3A_587 = tpu.memref_slice %arg3[%add3A_569] : memref<4194304xf32, #tpu.memory_space<hbm>> -> memref<8192xf32, #tpu.memory_space<hbm>>
    %dma_start3A_588 = tpu.memref_slice %arg14[%dma_start3A_583] : memref<2x!tpu.dma_semaphore, #tpu.memory_space<semaphore_mem>> -> memref<1x!tpu.dma_semaphore, #tpu.memory_space<semaphore_mem>>
    %dma_start3A_589 = tpu.memref_squeeze %dma_start3A_588 : memref<1x!tpu.dma_semaphore, #tpu.memory_space<semaphore_mem>> -> memref<!tpu.dma_semaphore, #tpu.memory_space<semaphore_mem>>
    %dma_start3A_590 = arith.constant 0 : i32
    %dma_start3A_591 = tpu.memref_slice %arg12[%dma_start3A_582, %dma_start3A_590] : memref<2x8192xf32, #tpu.memory_space<vmem>> -> memref<1x8192xf32, #tpu.memory_space<vmem>>
    %dma_start3A_592 = tpu.memref_squeeze %dma_start3A_591 : memref<1x8192xf32, #tpu.memory_space<vmem>> -> memref<8192xf32, #tpu.memory_space<vmem>>
    %dma_start3A_593 = tpu.memref_slice %arg3[%add3A_569] : memref<4194304xf32, #tpu.memory_space<hbm>> -> memref<8192xf32, #tpu.memory_space<hbm>>
    tpu.enqueue_dma source(%dma_start3A_593 : memref<8192xf32, #tpu.memory_space<hbm>>) target(%dma_start3A_592 : memref<8192xf32, #tpu.memory_space<vmem>>) target_semaphore(%dma_start3A_589 : memref<!tpu.dma_semaphore, #tpu.memory_space<semaphore_mem>>)
    %scan3A = arith.constant 0 : i32
    %scan3A_594 = arith.constant 0 : i32
    %scan3A_595 = arith.constant 8 : i32
    %scan3A_596 = arith.addi %scan3A_594, %scan3A_595 : i32
    %scan3A_597 = arith.constant 1 : i32
    scf.for %scan3A_626 = %scan3A_594 to %scan3A_596 step %scan3A_597  : i32 {
      %mul3A_627 = arith.constant 2 : i32
      %mul3A_628 = arith.muli %scan3A_626, %mul3A_627 : i32
      %add3A_629 = arith.constant 0 : i32
      %add3A_630 = arith.addi %mul3A_628, %add3A_629 : i32
      %mul3A_631 = arith.constant 8192 : i32
      %mul3A_632 = arith.muli %add3A_630, %mul3A_631 : i32
      %add3A_633 = arith.addi %mul3A_542, %mul3A_632 : i32
      %dma_wait3A_634 = arith.constant 0 : i32
      %dma_wait3A_635 = arith.constant 0 : i32
      %dma_wait3A_636 = arith.constant 0 : i32
      %dma_wait3A_637 = tpu.memref_slice %arg11[%dma_wait3A_634, %dma_wait3A_636] : memref<2x8192xf32, #tpu.memory_space<vmem>> -> memref<1x8192xf32, #tpu.memory_space<vmem>>
      %dma_wait3A_638 = tpu.memref_squeeze %dma_wait3A_637 : memref<1x8192xf32, #tpu.memory_space<vmem>> -> memref<8192xf32, #tpu.memory_space<vmem>>
      %dma_wait3A_639 = tpu.memref_slice %arg2[%add3A_633] : memref<4194304xf32, #tpu.memory_space<hbm>> -> memref<8192xf32, #tpu.memory_space<hbm>>
      %dma_wait3A_640 = tpu.memref_slice %arg14[%dma_wait3A_635] : memref<2x!tpu.dma_semaphore, #tpu.memory_space<semaphore_mem>> -> memref<1x!tpu.dma_semaphore, #tpu.memory_space<semaphore_mem>>
      %dma_wait3A_641 = tpu.memref_squeeze %dma_wait3A_640 : memref<1x!tpu.dma_semaphore, #tpu.memory_space<semaphore_mem>> -> memref<!tpu.dma_semaphore, #tpu.memory_space<semaphore_mem>>
      %dma_wait3A_642 = arith.constant 0 : i32
      %dma_wait3A_643 = tpu.memref_slice %arg11[%dma_wait3A_634, %dma_wait3A_642] : memref<2x8192xf32, #tpu.memory_space<vmem>> -> memref<1x8192xf32, #tpu.memory_space<vmem>>
      %dma_wait3A_644 = tpu.memref_squeeze %dma_wait3A_643 : memref<1x8192xf32, #tpu.memory_space<vmem>> -> memref<8192xf32, #tpu.memory_space<vmem>>
      %dma_wait3A_645 = tpu.memref_slice %arg2[%add3A_633] : memref<4194304xf32, #tpu.memory_space<hbm>> -> memref<8192xf32, #tpu.memory_space<hbm>>
      tpu.wait_dma2 semaphore(%dma_wait3A_641 : memref<!tpu.dma_semaphore, #tpu.memory_space<semaphore_mem>>) src(%dma_wait3A_645 : memref<8192xf32, #tpu.memory_space<hbm>>) dst(%dma_wait3A_644 : memref<8192xf32, #tpu.memory_space<vmem>>)
      %dma_wait3A_646 = arith.constant 0 : i32
      %dma_wait3A_647 = arith.constant 0 : i32
      %dma_wait3A_648 = arith.constant 0 : i32
      %dma_wait3A_649 = tpu.memref_slice %arg12[%dma_wait3A_646, %dma_wait3A_648] : memref<2x8192xf32, #tpu.memory_space<vmem>> -> memref<1x8192xf32, #tpu.memory_space<vmem>>
      %dma_wait3A_650 = tpu.memref_squeeze %dma_wait3A_649 : memref<1x8192xf32, #tpu.memory_space<vmem>> -> memref<8192xf32, #tpu.memory_space<vmem>>
      %dma_wait3A_651 = tpu.memref_slice %arg3[%add3A_633] : memref<4194304xf32, #tpu.memory_space<hbm>> -> memref<8192xf32, #tpu.memory_space<hbm>>
      %dma_wait3A_652 = tpu.memref_slice %arg14[%dma_wait3A_647] : memref<2x!tpu.dma_semaphore, #tpu.memory_space<semaphore_mem>> -> memref<1x!tpu.dma_semaphore, #tpu.memory_space<semaphore_mem>>
      %dma_wait3A_653 = tpu.memref_squeeze %dma_wait3A_652 : memref<1x!tpu.dma_semaphore, #tpu.memory_space<semaphore_mem>> -> memref<!tpu.dma_semaphore, #tpu.memory_space<semaphore_mem>>
      %dma_wait3A_654 = arith.constant 0 : i32
      %dma_wait3A_655 = tpu.memref_slice %arg12[%dma_wait3A_646, %dma_wait3A_654] : memref<2x8192xf32, #tpu.memory_space<vmem>> -> memref<1x8192xf32, #tpu.memory_space<vmem>>
      %dma_wait3A_656 = tpu.memref_squeeze %dma_wait3A_655 : memref<1x8192xf32, #tpu.memory_space<vmem>> -> memref<8192xf32, #tpu.memory_space<vmem>>
      %dma_wait3A_657 = tpu.memref_slice %arg3[%add3A_633] : memref<4194304xf32, #tpu.memory_space<hbm>> -> memref<8192xf32, #tpu.memory_space<hbm>>
      tpu.wait_dma2 semaphore(%dma_wait3A_653 : memref<!tpu.dma_semaphore, #tpu.memory_space<semaphore_mem>>) src(%dma_wait3A_657 : memref<8192xf32, #tpu.memory_space<hbm>>) dst(%dma_wait3A_656 : memref<8192xf32, #tpu.memory_space<vmem>>)
      %gt3A = arith.constant 0 : i32
      %gt3A_658 = arith.cmpi sgt, %scan3A_626, %gt3A : i32
      %convert_element_type3A = arith.extui %gt3A_658 : i1 to i32
      %cond3A = arith.constant 0 : i32
      %cond3A_659 = arith.cmpi ne, %convert_element_type3A, %cond3A : i32
      scf.if %cond3A_659 {
        %dma_wait3A_734 = arith.constant 0 : i32
        %dma_wait3A_735 = arith.constant 0 : i32
        %dma_wait3A_736 = arith.constant 0 : i32
        %dma_wait3A_737 = tpu.memref_slice %arg13[%dma_wait3A_734, %dma_wait3A_736] : memref<2x8192xf32, #tpu.memory_space<vmem>> -> memref<1x8192xf32, #tpu.memory_space<vmem>>
        %dma_wait3A_738 = tpu.memref_squeeze %dma_wait3A_737 : memref<1x8192xf32, #tpu.memory_space<vmem>> -> memref<8192xf32, #tpu.memory_space<vmem>>
        %dma_wait3A_739 = tpu.memref_slice %arg6[%add3A_633] : memref<4194304xf32, #tpu.memory_space<hbm>> -> memref<8192xf32, #tpu.memory_space<hbm>>
        %dma_wait3A_740 = tpu.memref_slice %arg15[%dma_wait3A_735] : memref<2x!tpu.dma_semaphore, #tpu.memory_space<semaphore_mem>> -> memref<1x!tpu.dma_semaphore, #tpu.memory_space<semaphore_mem>>
        %dma_wait3A_741 = tpu.memref_squeeze %dma_wait3A_740 : memref<1x!tpu.dma_semaphore, #tpu.memory_space<semaphore_mem>> -> memref<!tpu.dma_semaphore, #tpu.memory_space<semaphore_mem>>
        %dma_wait3A_742 = tpu.memref_slice %arg6[%add3A_633] : memref<4194304xf32, #tpu.memory_space<hbm>> -> memref<8192xf32, #tpu.memory_space<hbm>>
        %dma_wait3A_743 = arith.constant 0 : i32
        %dma_wait3A_744 = tpu.memref_slice %arg13[%dma_wait3A_734, %dma_wait3A_743] : memref<2x8192xf32, #tpu.memory_space<vmem>> -> memref<1x8192xf32, #tpu.memory_space<vmem>>
        %dma_wait3A_745 = tpu.memref_squeeze %dma_wait3A_744 : memref<1x8192xf32, #tpu.memory_space<vmem>> -> memref<8192xf32, #tpu.memory_space<vmem>>
        tpu.wait_dma2 semaphore(%dma_wait3A_741 : memref<!tpu.dma_semaphore, #tpu.memory_space<semaphore_mem>>) src(%dma_wait3A_745 : memref<8192xf32, #tpu.memory_space<vmem>>) dst(%dma_wait3A_742 : memref<8192xf32, #tpu.memory_space<hbm>>)
      } else {
      }
      %parallel_loop3A = arith.constant 0 : i32
      %parallel_loop3A_660 = arith.constant 8192 : i32
      %parallel_loop3A_661 = arith.constant 16 : i32
      scf.for %parallel_loop3A_734 = %parallel_loop3A to %parallel_loop3A_660 step %parallel_loop3A_661  : i32 {
        %parallel_loop3A_735 = arith.constant 0 : i32
        %parallel_loop3A_736 = arith.index_cast %parallel_loop3A_735 : i32 to index
        %parallel_loop3A_737 = arith.index_cast %parallel_loop3A_734 : i32 to index
        %parallel_loop3A_738 = tpu.vector_load %arg11[%parallel_loop3A_736, %parallel_loop3A_737] {strides = array<i32>} : memref<2x8192xf32, #tpu.memory_space<vmem>>, vector<16xf32>,
        %parallel_loop3A_739 = arith.constant 0 : i32
        %parallel_loop3A_740 = arith.index_cast %parallel_loop3A_739 : i32 to index
        %parallel_loop3A_741 = arith.index_cast %parallel_loop3A_734 : i32 to index
        %parallel_loop3A_742 = tpu.vector_load %arg12[%parallel_loop3A_740, %parallel_loop3A_741] {strides = array<i32>} : memref<2x8192xf32, #tpu.memory_space<vmem>>, vector<16xf32>,
        %parallel_loop3A_743 = arith.fptosi %parallel_loop3A_738 : vector<16xf32> to vector<16xi32>
        %parallel_loop3A_744 = arith.sitofp %parallel_loop3A_743 : vector<16xi32> to vector<16xf32>
        %parallel_loop3A_745 = arith.cmpf olt, %parallel_loop3A_738, %parallel_loop3A_744 : vector<16xf32>
        %parallel_loop3A_746 = arith.constant 1 : i32
        %parallel_loop3A_747 = vector.broadcast %parallel_loop3A_746 : i32 to vector<16xi32>
        %parallel_loop3A_748 = arith.subi %parallel_loop3A_743, %parallel_loop3A_747 : vector<16xi32>
        %parallel_loop3A_749 = arith.select %parallel_loop3A_745, %parallel_loop3A_748, %parallel_loop3A_743 : vector<16xi1>, vector<16xi32>
        %parallel_loop3A_750 = arith.sitofp %parallel_loop3A_749 : vector<16xi32> to vector<16xf32>
        %parallel_loop3A_751 = arith.subf %parallel_loop3A_738, %parallel_loop3A_750 : vector<16xf32>
        %parallel_loop3A_752 = arith.fptosi %parallel_loop3A_742 : vector<16xf32> to vector<16xi32>
        %parallel_loop3A_753 = arith.sitofp %parallel_loop3A_752 : vector<16xi32> to vector<16xf32>
        %parallel_loop3A_754 = arith.cmpf olt, %parallel_loop3A_742, %parallel_loop3A_753 : vector<16xf32>
        %parallel_loop3A_755 = arith.constant 1 : i32
        %parallel_loop3A_756 = vector.broadcast %parallel_loop3A_755 : i32 to vector<16xi32>
        %parallel_loop3A_757 = arith.subi %parallel_loop3A_752, %parallel_loop3A_756 : vector<16xi32>
        %parallel_loop3A_758 = arith.select %parallel_loop3A_754, %parallel_loop3A_757, %parallel_loop3A_752 : vector<16xi1>, vector<16xi32>
        %parallel_loop3A_759 = arith.sitofp %parallel_loop3A_758 : vector<16xi32> to vector<16xf32>
        %parallel_loop3A_760 = arith.subf %parallel_loop3A_742, %parallel_loop3A_759 : vector<16xf32>
        %parallel_loop3A_761 = arith.mulf %parallel_loop3A_751, %parallel_loop3A_751 : vector<16xf32>
        %parallel_loop3A_762 = arith.mulf %parallel_loop3A_761, %parallel_loop3A_751 : vector<16xf32>
        %parallel_loop3A_763 = arith.constant 6.000000e+00 : f32
        %parallel_loop3A_764 = vector.broadcast %parallel_loop3A_763 : f32 to vector<16xf32>
        %parallel_loop3A_765 = arith.mulf %parallel_loop3A_751, %parallel_loop3A_764 : vector<16xf32>
        %parallel_loop3A_766 = arith.constant 1.500000e+01 : f32
        %parallel_loop3A_767 = vector.broadcast %parallel_loop3A_766 : f32 to vector<16xf32>
        %parallel_loop3A_768 = arith.subf %parallel_loop3A_765, %parallel_loop3A_767 : vector<16xf32>
        %parallel_loop3A_769 = arith.mulf %parallel_loop3A_751, %parallel_loop3A_768 : vector<16xf32>
        %parallel_loop3A_770 = arith.constant 1.000000e+01 : f32
        %parallel_loop3A_771 = vector.broadcast %parallel_loop3A_770 : f32 to vector<16xf32>
        %parallel_loop3A_772 = arith.addf %parallel_loop3A_769, %parallel_loop3A_771 : vector<16xf32>
        %parallel_loop3A_773 = arith.mulf %parallel_loop3A_762, %parallel_loop3A_772 : vector<16xf32>
        %parallel_loop3A_774 = arith.mulf %parallel_loop3A_760, %parallel_loop3A_760 : vector<16xf32>
        %parallel_loop3A_775 = arith.mulf %parallel_loop3A_774, %parallel_loop3A_760 : vector<16xf32>
        %parallel_loop3A_776 = arith.constant 6.000000e+00 : f32
        %parallel_loop3A_777 = vector.broadcast %parallel_loop3A_776 : f32 to vector<16xf32>
        %parallel_loop3A_778 = arith.mulf %parallel_loop3A_760, %parallel_loop3A_777 : vector<16xf32>
        %parallel_loop3A_779 = arith.constant 1.500000e+01 : f32
        %parallel_loop3A_780 = vector.broadcast %parallel_loop3A_779 : f32 to vector<16xf32>
        %parallel_loop3A_781 = arith.subf %parallel_loop3A_778, %parallel_loop3A_780 : vector<16xf32>
        %parallel_loop3A_782 = arith.mulf %parallel_loop3A_760, %parallel_loop3A_781 : vector<16xf32>
        %parallel_loop3A_783 = arith.constant 1.000000e+01 : f32
        %parallel_loop3A_784 = vector.broadcast %parallel_loop3A_783 : f32 to vector<16xf32>
        %parallel_loop3A_785 = arith.addf %parallel_loop3A_782, %parallel_loop3A_784 : vector<16xf32>
        %parallel_loop3A_786 = arith.mulf %parallel_loop3A_775, %parallel_loop3A_785 : vector<16xf32>
        %parallel_loop3A_787 = arith.constant 255 : i32
        %parallel_loop3A_788 = vector.broadcast %parallel_loop3A_787 : i32 to vector<16xi32>
        %parallel_loop3A_789 = arith.andi %parallel_loop3A_749, %parallel_loop3A_788 : vector<16xi32>
        %parallel_loop3A_790 = arith.constant 255 : i32
        %parallel_loop3A_791 = vector.broadcast %parallel_loop3A_790 : i32 to vector<16xi32>
        %parallel_loop3A_792 = arith.andi %parallel_loop3A_758, %parallel_loop3A_791 : vector<16xi32>
        %parallel_loop3A_793 = tpu.vector_load_idx %arg7[%parallel_loop3A_789] : memref<512xi32, #tpu.memory_space<vmem>>[vector<16xi32>], vector<16xi32>,
        %parallel_loop3A_794 = arith.constant 1 : i32
        %parallel_loop3A_795 = vector.broadcast %parallel_loop3A_794 : i32 to vector<16xi32>
        %parallel_loop3A_796 = arith.addi %parallel_loop3A_789, %parallel_loop3A_795 : vector<16xi32>
        %parallel_loop3A_797 = tpu.vector_load_idx %arg7[%parallel_loop3A_796] : memref<512xi32, #tpu.memory_space<vmem>>[vector<16xi32>], vector<16xi32>,
        %parallel_loop3A_798 = arith.addi %parallel_loop3A_793, %parallel_loop3A_792 : vector<16xi32>
        %parallel_loop3A_799 = arith.addi %parallel_loop3A_797, %parallel_loop3A_792 : vector<16xi32>
        %parallel_loop3A_800 = arith.constant 1.000000e+00 : f32
        %parallel_loop3A_801 = vector.broadcast %parallel_loop3A_800 : f32 to vector<16xf32>
        %parallel_loop3A_802 = arith.subf %parallel_loop3A_751, %parallel_loop3A_801 : vector<16xf32>
        %parallel_loop3A_803 = arith.constant 1.000000e+00 : f32
        %parallel_loop3A_804 = vector.broadcast %parallel_loop3A_803 : f32 to vector<16xf32>
        %parallel_loop3A_805 = arith.subf %parallel_loop3A_760, %parallel_loop3A_804 : vector<16xf32>
        %parallel_loop3A_806 = tpu.vector_load_idx %arg9[%parallel_loop3A_798] : memref<512xf32, #tpu.memory_space<vmem>>[vector<16xi32>], vector<16xf32>,
        %parallel_loop3A_807 = arith.mulf %parallel_loop3A_806, %parallel_loop3A_751 : vector<16xf32>
        %parallel_loop3A_808 = tpu.vector_load_idx %arg10[%parallel_loop3A_798] : memref<512xf32, #tpu.memory_space<vmem>>[vector<16xi32>], vector<16xf32>,
        %parallel_loop3A_809 = arith.mulf %parallel_loop3A_808, %parallel_loop3A_760 : vector<16xf32>
        %parallel_loop3A_810 = arith.addf %parallel_loop3A_807, %parallel_loop3A_809 : vector<16xf32>
        %parallel_loop3A_811 = arith.constant 1 : i32
        %parallel_loop3A_812 = vector.broadcast %parallel_loop3A_811 : i32 to vector<16xi32>
        %parallel_loop3A_813 = arith.addi %parallel_loop3A_798, %parallel_loop3A_812 : vector<16xi32>
        %parallel_loop3A_814 = tpu.vector_load_idx %arg9[%parallel_loop3A_813] : memref<512xf32, #tpu.memory_space<vmem>>[vector<16xi32>], vector<16xf32>,
        %parallel_loop3A_815 = arith.mulf %parallel_loop3A_814, %parallel_loop3A_751 : vector<16xf32>
        %parallel_loop3A_816 = arith.constant 1 : i32
        %parallel_loop3A_817 = vector.broadcast %parallel_loop3A_816 : i32 to vector<16xi32>
        %parallel_loop3A_818 = arith.addi %parallel_loop3A_798, %parallel_loop3A_817 : vector<16xi32>
        %parallel_loop3A_819 = tpu.vector_load_idx %arg10[%parallel_loop3A_818] : memref<512xf32, #tpu.memory_space<vmem>>[vector<16xi32>], vector<16xf32>,
        %parallel_loop3A_820 = arith.mulf %parallel_loop3A_819, %parallel_loop3A_805 : vector<16xf32>
        %parallel_loop3A_821 = arith.addf %parallel_loop3A_815, %parallel_loop3A_820 : vector<16xf32>
        %parallel_loop3A_822 = tpu.vector_load_idx %arg9[%parallel_loop3A_799] : memref<512xf32, #tpu.memory_space<vmem>>[vector<16xi32>], vector<16xf32>,
        %parallel_loop3A_823 = arith.mulf %parallel_loop3A_822, %parallel_loop3A_802 : vector<16xf32>
        %parallel_loop3A_824 = tpu.vector_load_idx %arg10[%parallel_loop3A_799] : memref<512xf32, #tpu.memory_space<vmem>>[vector<16xi32>], vector<16xf32>,
        %parallel_loop3A_825 = arith.mulf %parallel_loop3A_824, %parallel_loop3A_760 : vector<16xf32>
        %parallel_loop3A_826 = arith.addf %parallel_loop3A_823, %parallel_loop3A_825 : vector<16xf32>
        %parallel_loop3A_827 = arith.constant 1 : i32
        %parallel_loop3A_828 = vector.broadcast %parallel_loop3A_827 : i32 to vector<16xi32>
        %parallel_loop3A_829 = arith.addi %parallel_loop3A_799, %parallel_loop3A_828 : vector<16xi32>
        %parallel_loop3A_830 = tpu.vector_load_idx %arg9[%parallel_loop3A_829] : memref<512xf32, #tpu.memory_space<vmem>>[vector<16xi32>], vector<16xf32>,
        %parallel_loop3A_831 = arith.mulf %parallel_loop3A_830, %parallel_loop3A_802 : vector<16xf32>
        %parallel_loop3A_832 = arith.constant 1 : i32
        %parallel_loop3A_833 = vector.broadcast %parallel_loop3A_832 : i32 to vector<16xi32>
        %parallel_loop3A_834 = arith.addi %parallel_loop3A_799, %parallel_loop3A_833 : vector<16xi32>
        %parallel_loop3A_835 = tpu.vector_load_idx %arg10[%parallel_loop3A_834] : memref<512xf32, #tpu.memory_space<vmem>>[vector<16xi32>], vector<16xf32>,
        %parallel_loop3A_836 = arith.mulf %parallel_loop3A_835, %parallel_loop3A_805 : vector<16xf32>
        %parallel_loop3A_837 = arith.addf %parallel_loop3A_831, %parallel_loop3A_836 : vector<16xf32>
        %parallel_loop3A_838 = arith.subf %parallel_loop3A_826, %parallel_loop3A_810 : vector<16xf32>
        %parallel_loop3A_839 = arith.mulf %parallel_loop3A_773, %parallel_loop3A_838 : vector<16xf32>
        %parallel_loop3A_840 = arith.addf %parallel_loop3A_810, %parallel_loop3A_839 : vector<16xf32>
        %parallel_loop3A_841 = arith.subf %parallel_loop3A_837, %parallel_loop3A_821 : vector<16xf32>
        %parallel_loop3A_842 = arith.mulf %parallel_loop3A_773, %parallel_loop3A_841 : vector<16xf32>
        %parallel_loop3A_843 = arith.addf %parallel_loop3A_821, %parallel_loop3A_842 : vector<16xf32>
        %parallel_loop3A_844 = arith.subf %parallel_loop3A_843, %parallel_loop3A_840 : vector<16xf32>
        %parallel_loop3A_845 = arith.mulf %parallel_loop3A_786, %parallel_loop3A_844 : vector<16xf32>
        %parallel_loop3A_846 = arith.addf %parallel_loop3A_840, %parallel_loop3A_845 : vector<16xf32>
        %parallel_loop3A_847 = arith.constant 0 : i32
        %parallel_loop3A_848 = arith.index_cast %parallel_loop3A_847 : i32 to index
        %parallel_loop3A_849 = arith.index_cast %parallel_loop3A_734 : i32 to index
        %parallel_loop3A_850 = tpu.vector_load %arg13[%parallel_loop3A_848, %parallel_loop3A_849] {strides = array<i32>} : memref<2x8192xf32, #tpu.memory_space<vmem>>, vector<16xf32>,
        tpu.vector_store %arg13[%parallel_loop3A_848, %parallel_loop3A_849], %parallel_loop3A_846 {strides = array<i32>} : memref<2x8192xf32, #tpu.memory_space<vmem>>, vector<16xf32>,
      } {sc.loop_unroll_factor = 4 : i64, sc.parallel_access}
      %dma_start3A_662 = arith.constant 0 : i32
      %dma_start3A_663 = arith.constant 0 : i32
      %dma_start3A_664 = arith.constant 0 : i32
      %dma_start3A_665 = tpu.memref_slice %arg13[%dma_start3A_662, %dma_start3A_664] : memref<2x8192xf32, #tpu.memory_space<vmem>> -> memref<1x8192xf32, #tpu.memory_space<vmem>>
      %dma_start3A_666 = tpu.memref_squeeze %dma_start3A_665 : memref<1x8192xf32, #tpu.memory_space<vmem>> -> memref<8192xf32, #tpu.memory_space<vmem>>
      %dma_start3A_667 = tpu.memref_slice %arg6[%add3A_633] : memref<4194304xf32, #tpu.memory_space<hbm>> -> memref<8192xf32, #tpu.memory_space<hbm>>
      %dma_start3A_668 = tpu.memref_slice %arg15[%dma_start3A_663] : memref<2x!tpu.dma_semaphore, #tpu.memory_space<semaphore_mem>> -> memref<1x!tpu.dma_semaphore, #tpu.memory_space<semaphore_mem>>
      %dma_start3A_669 = tpu.memref_squeeze %dma_start3A_668 : memref<1x!tpu.dma_semaphore, #tpu.memory_space<semaphore_mem>> -> memref<!tpu.dma_semaphore, #tpu.memory_space<semaphore_mem>>
      %dma_start3A_670 = tpu.memref_slice %arg6[%add3A_633] : memref<4194304xf32, #tpu.memory_space<hbm>> -> memref<8192xf32, #tpu.memory_space<hbm>>
      %dma_start3A_671 = arith.constant 0 : i32
      %dma_start3A_672 = tpu.memref_slice %arg13[%dma_start3A_662, %dma_start3A_671] : memref<2x8192xf32, #tpu.memory_space<vmem>> -> memref<1x8192xf32, #tpu.memory_space<vmem>>
      %dma_start3A_673 = tpu.memref_squeeze %dma_start3A_672 : memref<1x8192xf32, #tpu.memory_space<vmem>> -> memref<8192xf32, #tpu.memory_space<vmem>>
      tpu.enqueue_dma source(%dma_start3A_673 : memref<8192xf32, #tpu.memory_space<vmem>>) target(%dma_start3A_670 : memref<8192xf32, #tpu.memory_space<hbm>>) target_semaphore(%dma_start3A_669 : memref<!tpu.dma_semaphore, #tpu.memory_space<semaphore_mem>>)
      %lt3A = arith.constant 7 : i32
      %lt3A_674 = arith.cmpi slt, %scan3A_626, %lt3A : i32
      %convert_element_type3A_675 = arith.extui %lt3A_674 : i1 to i32
      %cond3A_676 = arith.constant 0 : i32
      %cond3A_677 = arith.cmpi ne, %convert_element_type3A_675, %cond3A_676 : i32
      scf.if %cond3A_677 {
        %add3A_734 = arith.constant 2 : i32
        %add3A_735 = arith.addi %add3A_630, %add3A_734 : i32
        %mul3A_736 = arith.constant 8192 : i32
        %mul3A_737 = arith.muli %add3A_735, %mul3A_736 : i32
        %add3A_738 = arith.addi %mul3A_542, %mul3A_737 : i32
        %dma_start3A_739 = arith.constant 0 : i32
        %dma_start3A_740 = arith.constant 0 : i32
        %dma_start3A_741 = arith.constant 0 : i32
        %dma_start3A_742 = tpu.memref_slice %arg11[%dma_start3A_739, %dma_start3A_741] : memref<2x8192xf32, #tpu.memory_space<vmem>> -> memref<1x8192xf32, #tpu.memory_space<vmem>>
        %dma_start3A_743 = tpu.memref_squeeze %dma_start3A_742 : memref<1x8192xf32, #tpu.memory_space<vmem>> -> memref<8192xf32, #tpu.memory_space<vmem>>
        %dma_start3A_744 = tpu.memref_slice %arg2[%add3A_738] : memref<4194304xf32, #tpu.memory_space<hbm>> -> memref<8192xf32, #tpu.memory_space<hbm>>
        %dma_start3A_745 = tpu.memref_slice %arg14[%dma_start3A_740] : memref<2x!tpu.dma_semaphore, #tpu.memory_space<semaphore_mem>> -> memref<1x!tpu.dma_semaphore, #tpu.memory_space<semaphore_mem>>
        %dma_start3A_746 = tpu.memref_squeeze %dma_start3A_745 : memref<1x!tpu.dma_semaphore, #tpu.memory_space<semaphore_mem>> -> memref<!tpu.dma_semaphore, #tpu.memory_space<semaphore_mem>>
        %dma_start3A_747 = arith.constant 0 : i32
        %dma_start3A_748 = tpu.memref_slice %arg11[%dma_start3A_739, %dma_start3A_747] : memref<2x8192xf32, #tpu.memory_space<vmem>> -> memref<1x8192xf32, #tpu.memory_space<vmem>>
        %dma_start3A_749 = tpu.memref_squeeze %dma_start3A_748 : memref<1x8192xf32, #tpu.memory_space<vmem>> -> memref<8192xf32, #tpu.memory_space<vmem>>
        %dma_start3A_750 = tpu.memref_slice %arg2[%add3A_738] : memref<4194304xf32, #tpu.memory_space<hbm>> -> memref<8192xf32, #tpu.memory_space<hbm>>
        tpu.enqueue_dma source(%dma_start3A_750 : memref<8192xf32, #tpu.memory_space<hbm>>) target(%dma_start3A_749 : memref<8192xf32, #tpu.memory_space<vmem>>) target_semaphore(%dma_start3A_746 : memref<!tpu.dma_semaphore, #tpu.memory_space<semaphore_mem>>)
        %dma_start3A_751 = arith.constant 0 : i32
        %dma_start3A_752 = arith.constant 0 : i32
        %dma_start3A_753 = arith.constant 0 : i32
        %dma_start3A_754 = tpu.memref_slice %arg12[%dma_start3A_751, %dma_start3A_753] : memref<2x8192xf32, #tpu.memory_space<vmem>> -> memref<1x8192xf32, #tpu.memory_space<vmem>>
        %dma_start3A_755 = tpu.memref_squeeze %dma_start3A_754 : memref<1x8192xf32, #tpu.memory_space<vmem>> -> memref<8192xf32, #tpu.memory_space<vmem>>
        %dma_start3A_756 = tpu.memref_slice %arg3[%add3A_738] : memref<4194304xf32, #tpu.memory_space<hbm>> -> memref<8192xf32, #tpu.memory_space<hbm>>
        %dma_start3A_757 = tpu.memref_slice %arg14[%dma_start3A_752] : memref<2x!tpu.dma_semaphore, #tpu.memory_space<semaphore_mem>> -> memref<1x!tpu.dma_semaphore, #tpu.memory_space<semaphore_mem>>
        %dma_start3A_758 = tpu.memref_squeeze %dma_start3A_757 : memref<1x!tpu.dma_semaphore, #tpu.memory_space<semaphore_mem>> -> memref<!tpu.dma_semaphore, #tpu.memory_space<semaphore_mem>>
        %dma_start3A_759 = arith.constant 0 : i32
        %dma_start3A_760 = tpu.memref_slice %arg12[%dma_start3A_751, %dma_start3A_759] : memref<2x8192xf32, #tpu.memory_space<vmem>> -> memref<1x8192xf32, #tpu.memory_space<vmem>>
        %dma_start3A_761 = tpu.memref_squeeze %dma_start3A_760 : memref<1x8192xf32, #tpu.memory_space<vmem>> -> memref<8192xf32, #tpu.memory_space<vmem>>
        %dma_start3A_762 = tpu.memref_slice %arg3[%add3A_738] : memref<4194304xf32, #tpu.memory_space<hbm>> -> memref<8192xf32, #tpu.memory_space<hbm>>
        tpu.enqueue_dma source(%dma_start3A_762 : memref<8192xf32, #tpu.memory_space<hbm>>) target(%dma_start3A_761 : memref<8192xf32, #tpu.memory_space<vmem>>) target_semaphore(%dma_start3A_758 : memref<!tpu.dma_semaphore, #tpu.memory_space<semaphore_mem>>)
      } else {
      }
      %mul3A_678 = arith.constant 2 : i32
      %mul3A_679 = arith.muli %scan3A_626, %mul3A_678 : i32
      %add3A_680 = arith.constant 1 : i32
      %add3A_681 = arith.addi %mul3A_679, %add3A_680 : i32
      %mul3A_682 = arith.constant 8192 : i32
      %mul3A_683 = arith.muli %add3A_681, %mul3A_682 : i32
      %add3A_684 = arith.addi %mul3A_542, %mul3A_683 : i32
      %dma_wait3A_685 = arith.constant 1 : i32
      %dma_wait3A_686 = arith.constant 1 : i32
      %dma_wait3A_687 = arith.constant 0 : i32
      %dma_wait3A_688 = tpu.memref_slice %arg11[%dma_wait3A_685, %dma_wait3A_687] : memref<2x8192xf32, #tpu.memory_space<vmem>> -> memref<1x8192xf32, #tpu.memory_space<vmem>>
      %dma_wait3A_689 = tpu.memref_squeeze %dma_wait3A_688 : memref<1x8192xf32, #tpu.memory_space<vmem>> -> memref<8192xf32, #tpu.memory_space<vmem>>
      %dma_wait3A_690 = tpu.memref_slice %arg2[%add3A_684] : memref<4194304xf32, #tpu.memory_space<hbm>> -> memref<8192xf32, #tpu.memory_space<hbm>>
      %dma_wait3A_691 = tpu.memref_slice %arg14[%dma_wait3A_686] : memref<2x!tpu.dma_semaphore, #tpu.memory_space<semaphore_mem>> -> memref<1x!tpu.dma_semaphore, #tpu.memory_space<semaphore_mem>>
      %dma_wait3A_692 = tpu.memref_squeeze %dma_wait3A_691 : memref<1x!tpu.dma_semaphore, #tpu.memory_space<semaphore_mem>> -> memref<!tpu.dma_semaphore, #tpu.memory_space<semaphore_mem>>
      %dma_wait3A_693 = arith.constant 0 : i32
      %dma_wait3A_694 = tpu.memref_slice %arg11[%dma_wait3A_685, %dma_wait3A_693] : memref<2x8192xf32, #tpu.memory_space<vmem>> -> memref<1x8192xf32, #tpu.memory_space<vmem>>
      %dma_wait3A_695 = tpu.memref_squeeze %dma_wait3A_694 : memref<1x8192xf32, #tpu.memory_space<vmem>> -> memref<8192xf32, #tpu.memory_space<vmem>>
      %dma_wait3A_696 = tpu.memref_slice %arg2[%add3A_684] : memref<4194304xf32, #tpu.memory_space<hbm>> -> memref<8192xf32, #tpu.memory_space<hbm>>
      tpu.wait_dma2 semaphore(%dma_wait3A_692 : memref<!tpu.dma_semaphore, #tpu.memory_space<semaphore_mem>>) src(%dma_wait3A_696 : memref<8192xf32, #tpu.memory_space<hbm>>) dst(%dma_wait3A_695 : memref<8192xf32, #tpu.memory_space<vmem>>)
      %dma_wait3A_697 = arith.constant 1 : i32
      %dma_wait3A_698 = arith.constant 1 : i32
      %dma_wait3A_699 = arith.constant 0 : i32
      %dma_wait3A_700 = tpu.memref_slice %arg12[%dma_wait3A_697, %dma_wait3A_699] : memref<2x8192xf32, #tpu.memory_space<vmem>> -> memref<1x8192xf32, #tpu.memory_space<vmem>>
      %dma_wait3A_701 = tpu.memref_squeeze %dma_wait3A_700 : memref<1x8192xf32, #tpu.memory_space<vmem>> -> memref<8192xf32, #tpu.memory_space<vmem>>
      %dma_wait3A_702 = tpu.memref_slice %arg3[%add3A_684] : memref<4194304xf32, #tpu.memory_space<hbm>> -> memref<8192xf32, #tpu.memory_space<hbm>>
      %dma_wait3A_703 = tpu.memref_slice %arg14[%dma_wait3A_698] : memref<2x!tpu.dma_semaphore, #tpu.memory_space<semaphore_mem>> -> memref<1x!tpu.dma_semaphore, #tpu.memory_space<semaphore_mem>>
      %dma_wait3A_704 = tpu.memref_squeeze %dma_wait3A_703 : memref<1x!tpu.dma_semaphore, #tpu.memory_space<semaphore_mem>> -> memref<!tpu.dma_semaphore, #tpu.memory_space<semaphore_mem>>
      %dma_wait3A_705 = arith.constant 0 : i32
      %dma_wait3A_706 = tpu.memref_slice %arg12[%dma_wait3A_697, %dma_wait3A_705] : memref<2x8192xf32, #tpu.memory_space<vmem>> -> memref<1x8192xf32, #tpu.memory_space<vmem>>
      %dma_wait3A_707 = tpu.memref_squeeze %dma_wait3A_706 : memref<1x8192xf32, #tpu.memory_space<vmem>> -> memref<8192xf32, #tpu.memory_space<vmem>>
      %dma_wait3A_708 = tpu.memref_slice %arg3[%add3A_684] : memref<4194304xf32, #tpu.memory_space<hbm>> -> memref<8192xf32, #tpu.memory_space<hbm>>
      tpu.wait_dma2 semaphore(%dma_wait3A_704 : memref<!tpu.dma_semaphore, #tpu.memory_space<semaphore_mem>>) src(%dma_wait3A_708 : memref<8192xf32, #tpu.memory_space<hbm>>) dst(%dma_wait3A_707 : memref<8192xf32, #tpu.memory_space<vmem>>)
      %gt3A_709 = arith.constant 0 : i32
      %gt3A_710 = arith.cmpi sgt, %scan3A_626, %gt3A_709 : i32
      %convert_element_type3A_711 = arith.extui %gt3A_710 : i1 to i32
      %cond3A_712 = arith.constant 0 : i32
      %cond3A_713 = arith.cmpi ne, %convert_element_type3A_711, %cond3A_712 : i32
      scf.if %cond3A_713 {
        %dma_wait3A_734 = arith.constant 1 : i32
        %dma_wait3A_735 = arith.constant 1 : i32
        %dma_wait3A_736 = arith.constant 0 : i32
        %dma_wait3A_737 = tpu.memref_slice %arg13[%dma_wait3A_734, %dma_wait3A_736] : memref<2x8192xf32, #tpu.memory_space<vmem>> -> memref<1x8192xf32, #tpu.memory_space<vmem>>
        %dma_wait3A_738 = tpu.memref_squeeze %dma_wait3A_737 : memref<1x8192xf32, #tpu.memory_space<vmem>> -> memref<8192xf32, #tpu.memory_space<vmem>>
        %dma_wait3A_739 = tpu.memref_slice %arg6[%add3A_684] : memref<4194304xf32, #tpu.memory_space<hbm>> -> memref<8192xf32, #tpu.memory_space<hbm>>
        %dma_wait3A_740 = tpu.memref_slice %arg15[%dma_wait3A_735] : memref<2x!tpu.dma_semaphore, #tpu.memory_space<semaphore_mem>> -> memref<1x!tpu.dma_semaphore, #tpu.memory_space<semaphore_mem>>
        %dma_wait3A_741 = tpu.memref_squeeze %dma_wait3A_740 : memref<1x!tpu.dma_semaphore, #tpu.memory_space<semaphore_mem>> -> memref<!tpu.dma_semaphore, #tpu.memory_space<semaphore_mem>>
        %dma_wait3A_742 = tpu.memref_slice %arg6[%add3A_684] : memref<4194304xf32, #tpu.memory_space<hbm>> -> memref<8192xf32, #tpu.memory_space<hbm>>
        %dma_wait3A_743 = arith.constant 0 : i32
        %dma_wait3A_744 = tpu.memref_slice %arg13[%dma_wait3A_734, %dma_wait3A_743] : memref<2x8192xf32, #tpu.memory_space<vmem>> -> memref<1x8192xf32, #tpu.memory_space<vmem>>
        %dma_wait3A_745 = tpu.memref_squeeze %dma_wait3A_744 : memref<1x8192xf32, #tpu.memory_space<vmem>> -> memref<8192xf32, #tpu.memory_space<vmem>>
        tpu.wait_dma2 semaphore(%dma_wait3A_741 : memref<!tpu.dma_semaphore, #tpu.memory_space<semaphore_mem>>) src(%dma_wait3A_745 : memref<8192xf32, #tpu.memory_space<vmem>>) dst(%dma_wait3A_742 : memref<8192xf32, #tpu.memory_space<hbm>>)
      } else {
      }
      %parallel_loop3A_714 = arith.constant 0 : i32
      %parallel_loop3A_715 = arith.constant 8192 : i32
      %parallel_loop3A_716 = arith.constant 16 : i32
      scf.for %parallel_loop3A_734 = %parallel_loop3A_714 to %parallel_loop3A_715 step %parallel_loop3A_716  : i32 {
        %parallel_loop3A_735 = arith.constant 1 : i32
        %parallel_loop3A_736 = arith.index_cast %parallel_loop3A_735 : i32 to index
        %parallel_loop3A_737 = arith.index_cast %parallel_loop3A_734 : i32 to index
        %parallel_loop3A_738 = tpu.vector_load %arg11[%parallel_loop3A_736, %parallel_loop3A_737] {strides = array<i32>} : memref<2x8192xf32, #tpu.memory_space<vmem>>, vector<16xf32>,
        %parallel_loop3A_739 = arith.constant 1 : i32
        %parallel_loop3A_740 = arith.index_cast %parallel_loop3A_739 : i32 to index
        %parallel_loop3A_741 = arith.index_cast %parallel_loop3A_734 : i32 to index
        %parallel_loop3A_742 = tpu.vector_load %arg12[%parallel_loop3A_740, %parallel_loop3A_741] {strides = array<i32>} : memref<2x8192xf32, #tpu.memory_space<vmem>>, vector<16xf32>,
        %parallel_loop3A_743 = arith.fptosi %parallel_loop3A_738 : vector<16xf32> to vector<16xi32>
        %parallel_loop3A_744 = arith.sitofp %parallel_loop3A_743 : vector<16xi32> to vector<16xf32>
        %parallel_loop3A_745 = arith.cmpf olt, %parallel_loop3A_738, %parallel_loop3A_744 : vector<16xf32>
        %parallel_loop3A_746 = arith.constant 1 : i32
        %parallel_loop3A_747 = vector.broadcast %parallel_loop3A_746 : i32 to vector<16xi32>
        %parallel_loop3A_748 = arith.subi %parallel_loop3A_743, %parallel_loop3A_747 : vector<16xi32>
        %parallel_loop3A_749 = arith.select %parallel_loop3A_745, %parallel_loop3A_748, %parallel_loop3A_743 : vector<16xi1>, vector<16xi32>
        %parallel_loop3A_750 = arith.sitofp %parallel_loop3A_749 : vector<16xi32> to vector<16xf32>
        %parallel_loop3A_751 = arith.subf %parallel_loop3A_738, %parallel_loop3A_750 : vector<16xf32>
        %parallel_loop3A_752 = arith.fptosi %parallel_loop3A_742 : vector<16xf32> to vector<16xi32>
        %parallel_loop3A_753 = arith.sitofp %parallel_loop3A_752 : vector<16xi32> to vector<16xf32>
        %parallel_loop3A_754 = arith.cmpf olt, %parallel_loop3A_742, %parallel_loop3A_753 : vector<16xf32>
        %parallel_loop3A_755 = arith.constant 1 : i32
        %parallel_loop3A_756 = vector.broadcast %parallel_loop3A_755 : i32 to vector<16xi32>
        %parallel_loop3A_757 = arith.subi %parallel_loop3A_752, %parallel_loop3A_756 : vector<16xi32>
        %parallel_loop3A_758 = arith.select %parallel_loop3A_754, %parallel_loop3A_757, %parallel_loop3A_752 : vector<16xi1>, vector<16xi32>
        %parallel_loop3A_759 = arith.sitofp %parallel_loop3A_758 : vector<16xi32> to vector<16xf32>
        %parallel_loop3A_760 = arith.subf %parallel_loop3A_742, %parallel_loop3A_759 : vector<16xf32>
        %parallel_loop3A_761 = arith.mulf %parallel_loop3A_751, %parallel_loop3A_751 : vector<16xf32>
        %parallel_loop3A_762 = arith.mulf %parallel_loop3A_761, %parallel_loop3A_751 : vector<16xf32>
        %parallel_loop3A_763 = arith.constant 6.000000e+00 : f32
        %parallel_loop3A_764 = vector.broadcast %parallel_loop3A_763 : f32 to vector<16xf32>
        %parallel_loop3A_765 = arith.mulf %parallel_loop3A_751, %parallel_loop3A_764 : vector<16xf32>
        %parallel_loop3A_766 = arith.constant 1.500000e+01 : f32
        %parallel_loop3A_767 = vector.broadcast %parallel_loop3A_766 : f32 to vector<16xf32>
        %parallel_loop3A_768 = arith.subf %parallel_loop3A_765, %parallel_loop3A_767 : vector<16xf32>
        %parallel_loop3A_769 = arith.mulf %parallel_loop3A_751, %parallel_loop3A_768 : vector<16xf32>
        %parallel_loop3A_770 = arith.constant 1.000000e+01 : f32
        %parallel_loop3A_771 = vector.broadcast %parallel_loop3A_770 : f32 to vector<16xf32>
        %parallel_loop3A_772 = arith.addf %parallel_loop3A_769, %parallel_loop3A_771 : vector<16xf32>
        %parallel_loop3A_773 = arith.mulf %parallel_loop3A_762, %parallel_loop3A_772 : vector<16xf32>
        %parallel_loop3A_774 = arith.mulf %parallel_loop3A_760, %parallel_loop3A_760 : vector<16xf32>
        %parallel_loop3A_775 = arith.mulf %parallel_loop3A_774, %parallel_loop3A_760 : vector<16xf32>
        %parallel_loop3A_776 = arith.constant 6.000000e+00 : f32
        %parallel_loop3A_777 = vector.broadcast %parallel_loop3A_776 : f32 to vector<16xf32>
        %parallel_loop3A_778 = arith.mulf %parallel_loop3A_760, %parallel_loop3A_777 : vector<16xf32>
        %parallel_loop3A_779 = arith.constant 1.500000e+01 : f32
        %parallel_loop3A_780 = vector.broadcast %parallel_loop3A_779 : f32 to vector<16xf32>
        %parallel_loop3A_781 = arith.subf %parallel_loop3A_778, %parallel_loop3A_780 : vector<16xf32>
        %parallel_loop3A_782 = arith.mulf %parallel_loop3A_760, %parallel_loop3A_781 : vector<16xf32>
        %parallel_loop3A_783 = arith.constant 1.000000e+01 : f32
        %parallel_loop3A_784 = vector.broadcast %parallel_loop3A_783 : f32 to vector<16xf32>
        %parallel_loop3A_785 = arith.addf %parallel_loop3A_782, %parallel_loop3A_784 : vector<16xf32>
        %parallel_loop3A_786 = arith.mulf %parallel_loop3A_775, %parallel_loop3A_785 : vector<16xf32>
        %parallel_loop3A_787 = arith.constant 255 : i32
        %parallel_loop3A_788 = vector.broadcast %parallel_loop3A_787 : i32 to vector<16xi32>
        %parallel_loop3A_789 = arith.andi %parallel_loop3A_749, %parallel_loop3A_788 : vector<16xi32>
        %parallel_loop3A_790 = arith.constant 255 : i32
        %parallel_loop3A_791 = vector.broadcast %parallel_loop3A_790 : i32 to vector<16xi32>
        %parallel_loop3A_792 = arith.andi %parallel_loop3A_758, %parallel_loop3A_791 : vector<16xi32>
        %parallel_loop3A_793 = tpu.vector_load_idx %arg7[%parallel_loop3A_789] : memref<512xi32, #tpu.memory_space<vmem>>[vector<16xi32>], vector<16xi32>,
        %parallel_loop3A_794 = arith.constant 1 : i32
        %parallel_loop3A_795 = vector.broadcast %parallel_loop3A_794 : i32 to vector<16xi32>
        %parallel_loop3A_796 = arith.addi %parallel_loop3A_789, %parallel_loop3A_795 : vector<16xi32>
        %parallel_loop3A_797 = tpu.vector_load_idx %arg7[%parallel_loop3A_796] : memref<512xi32, #tpu.memory_space<vmem>>[vector<16xi32>], vector<16xi32>,
        %parallel_loop3A_798 = arith.addi %parallel_loop3A_793, %parallel_loop3A_792 : vector<16xi32>
        %parallel_loop3A_799 = arith.addi %parallel_loop3A_797, %parallel_loop3A_792 : vector<16xi32>
        %parallel_loop3A_800 = arith.constant 1.000000e+00 : f32
        %parallel_loop3A_801 = vector.broadcast %parallel_loop3A_800 : f32 to vector<16xf32>
        %parallel_loop3A_802 = arith.subf %parallel_loop3A_751, %parallel_loop3A_801 : vector<16xf32>
        %parallel_loop3A_803 = arith.constant 1.000000e+00 : f32
        %parallel_loop3A_804 = vector.broadcast %parallel_loop3A_803 : f32 to vector<16xf32>
        %parallel_loop3A_805 = arith.subf %parallel_loop3A_760, %parallel_loop3A_804 : vector<16xf32>
        %parallel_loop3A_806 = tpu.vector_load_idx %arg9[%parallel_loop3A_798] : memref<512xf32, #tpu.memory_space<vmem>>[vector<16xi32>], vector<16xf32>,
        %parallel_loop3A_807 = arith.mulf %parallel_loop3A_806, %parallel_loop3A_751 : vector<16xf32>
        %parallel_loop3A_808 = tpu.vector_load_idx %arg10[%parallel_loop3A_798] : memref<512xf32, #tpu.memory_space<vmem>>[vector<16xi32>], vector<16xf32>,
        %parallel_loop3A_809 = arith.mulf %parallel_loop3A_808, %parallel_loop3A_760 : vector<16xf32>
        %parallel_loop3A_810 = arith.addf %parallel_loop3A_807, %parallel_loop3A_809 : vector<16xf32>
        %parallel_loop3A_811 = arith.constant 1 : i32
        %parallel_loop3A_812 = vector.broadcast %parallel_loop3A_811 : i32 to vector<16xi32>
        %parallel_loop3A_813 = arith.addi %parallel_loop3A_798, %parallel_loop3A_812 : vector<16xi32>
        %parallel_loop3A_814 = tpu.vector_load_idx %arg9[%parallel_loop3A_813] : memref<512xf32, #tpu.memory_space<vmem>>[vector<16xi32>], vector<16xf32>,
        %parallel_loop3A_815 = arith.mulf %parallel_loop3A_814, %parallel_loop3A_751 : vector<16xf32>
        %parallel_loop3A_816 = arith.constant 1 : i32
        %parallel_loop3A_817 = vector.broadcast %parallel_loop3A_816 : i32 to vector<16xi32>
        %parallel_loop3A_818 = arith.addi %parallel_loop3A_798, %parallel_loop3A_817 : vector<16xi32>
        %parallel_loop3A_819 = tpu.vector_load_idx %arg10[%parallel_loop3A_818] : memref<512xf32, #tpu.memory_space<vmem>>[vector<16xi32>], vector<16xf32>,
        %parallel_loop3A_820 = arith.mulf %parallel_loop3A_819, %parallel_loop3A_805 : vector<16xf32>
        %parallel_loop3A_821 = arith.addf %parallel_loop3A_815, %parallel_loop3A_820 : vector<16xf32>
        %parallel_loop3A_822 = tpu.vector_load_idx %arg9[%parallel_loop3A_799] : memref<512xf32, #tpu.memory_space<vmem>>[vector<16xi32>], vector<16xf32>,
        %parallel_loop3A_823 = arith.mulf %parallel_loop3A_822, %parallel_loop3A_802 : vector<16xf32>
        %parallel_loop3A_824 = tpu.vector_load_idx %arg10[%parallel_loop3A_799] : memref<512xf32, #tpu.memory_space<vmem>>[vector<16xi32>], vector<16xf32>,
        %parallel_loop3A_825 = arith.mulf %parallel_loop3A_824, %parallel_loop3A_760 : vector<16xf32>
        %parallel_loop3A_826 = arith.addf %parallel_loop3A_823, %parallel_loop3A_825 : vector<16xf32>
        %parallel_loop3A_827 = arith.constant 1 : i32
        %parallel_loop3A_828 = vector.broadcast %parallel_loop3A_827 : i32 to vector<16xi32>
        %parallel_loop3A_829 = arith.addi %parallel_loop3A_799, %parallel_loop3A_828 : vector<16xi32>
        %parallel_loop3A_830 = tpu.vector_load_idx %arg9[%parallel_loop3A_829] : memref<512xf32, #tpu.memory_space<vmem>>[vector<16xi32>], vector<16xf32>,
        %parallel_loop3A_831 = arith.mulf %parallel_loop3A_830, %parallel_loop3A_802 : vector<16xf32>
        %parallel_loop3A_832 = arith.constant 1 : i32
        %parallel_loop3A_833 = vector.broadcast %parallel_loop3A_832 : i32 to vector<16xi32>
        %parallel_loop3A_834 = arith.addi %parallel_loop3A_799, %parallel_loop3A_833 : vector<16xi32>
        %parallel_loop3A_835 = tpu.vector_load_idx %arg10[%parallel_loop3A_834] : memref<512xf32, #tpu.memory_space<vmem>>[vector<16xi32>], vector<16xf32>,
        %parallel_loop3A_836 = arith.mulf %parallel_loop3A_835, %parallel_loop3A_805 : vector<16xf32>
        %parallel_loop3A_837 = arith.addf %parallel_loop3A_831, %parallel_loop3A_836 : vector<16xf32>
        %parallel_loop3A_838 = arith.subf %parallel_loop3A_826, %parallel_loop3A_810 : vector<16xf32>
        %parallel_loop3A_839 = arith.mulf %parallel_loop3A_773, %parallel_loop3A_838 : vector<16xf32>
        %parallel_loop3A_840 = arith.addf %parallel_loop3A_810, %parallel_loop3A_839 : vector<16xf32>
        %parallel_loop3A_841 = arith.subf %parallel_loop3A_837, %parallel_loop3A_821 : vector<16xf32>
        %parallel_loop3A_842 = arith.mulf %parallel_loop3A_773, %parallel_loop3A_841 : vector<16xf32>
        %parallel_loop3A_843 = arith.addf %parallel_loop3A_821, %parallel_loop3A_842 : vector<16xf32>
        %parallel_loop3A_844 = arith.subf %parallel_loop3A_843, %parallel_loop3A_840 : vector<16xf32>
        %parallel_loop3A_845 = arith.mulf %parallel_loop3A_786, %parallel_loop3A_844 : vector<16xf32>
        %parallel_loop3A_846 = arith.addf %parallel_loop3A_840, %parallel_loop3A_845 : vector<16xf32>
        %parallel_loop3A_847 = arith.constant 1 : i32
        %parallel_loop3A_848 = arith.index_cast %parallel_loop3A_847 : i32 to index
        %parallel_loop3A_849 = arith.index_cast %parallel_loop3A_734 : i32 to index
        %parallel_loop3A_850 = tpu.vector_load %arg13[%parallel_loop3A_848, %parallel_loop3A_849] {strides = array<i32>} : memref<2x8192xf32, #tpu.memory_space<vmem>>, vector<16xf32>,
        tpu.vector_store %arg13[%parallel_loop3A_848, %parallel_loop3A_849], %parallel_loop3A_846 {strides = array<i32>} : memref<2x8192xf32, #tpu.memory_space<vmem>>, vector<16xf32>,
      } {sc.loop_unroll_factor = 4 : i64, sc.parallel_access}
      %dma_start3A_717 = arith.constant 1 : i32
      %dma_start3A_718 = arith.constant 1 : i32
      %dma_start3A_719 = arith.constant 0 : i32
      %dma_start3A_720 = tpu.memref_slice %arg13[%dma_start3A_717, %dma_start3A_719] : memref<2x8192xf32, #tpu.memory_space<vmem>> -> memref<1x8192xf32, #tpu.memory_space<vmem>>
      %dma_start3A_721 = tpu.memref_squeeze %dma_start3A_720 : memref<1x8192xf32, #tpu.memory_space<vmem>> -> memref<8192xf32, #tpu.memory_space<vmem>>
      %dma_start3A_722 = tpu.memref_slice %arg6[%add3A_684] : memref<4194304xf32, #tpu.memory_space<hbm>> -> memref<8192xf32, #tpu.memory_space<hbm>>
      %dma_start3A_723 = tpu.memref_slice %arg15[%dma_start3A_718] : memref<2x!tpu.dma_semaphore, #tpu.memory_space<semaphore_mem>> -> memref<1x!tpu.dma_semaphore, #tpu.memory_space<semaphore_mem>>
      %dma_start3A_724 = tpu.memref_squeeze %dma_start3A_723 : memref<1x!tpu.dma_semaphore, #tpu.memory_space<semaphore_mem>> -> memref<!tpu.dma_semaphore, #tpu.memory_space<semaphore_mem>>
      %dma_start3A_725 = tpu.memref_slice %arg6[%add3A_684] : memref<4194304xf32, #tpu.memory_space<hbm>> -> memref<8192xf32, #tpu.memory_space<hbm>>
      %dma_start3A_726 = arith.constant 0 : i32
      %dma_start3A_727 = tpu.memref_slice %arg13[%dma_start3A_717, %dma_start3A_726] : memref<2x8192xf32, #tpu.memory_space<vmem>> -> memref<1x8192xf32, #tpu.memory_space<vmem>>
      %dma_start3A_728 = tpu.memref_squeeze %dma_start3A_727 : memref<1x8192xf32, #tpu.memory_space<vmem>> -> memref<8192xf32, #tpu.memory_space<vmem>>
      tpu.enqueue_dma source(%dma_start3A_728 : memref<8192xf32, #tpu.memory_space<vmem>>) target(%dma_start3A_725 : memref<8192xf32, #tpu.memory_space<hbm>>) target_semaphore(%dma_start3A_724 : memref<!tpu.dma_semaphore, #tpu.memory_space<semaphore_mem>>)
      %lt3A_729 = arith.constant 7 : i32
      %lt3A_730 = arith.cmpi slt, %scan3A_626, %lt3A_729 : i32
      %convert_element_type3A_731 = arith.extui %lt3A_730 : i1 to i32
      %cond3A_732 = arith.constant 0 : i32
      %cond3A_733 = arith.cmpi ne, %convert_element_type3A_731, %cond3A_732 : i32
      scf.if %cond3A_733 {
        %add3A_734 = arith.constant 2 : i32
        %add3A_735 = arith.addi %add3A_681, %add3A_734 : i32
        %mul3A_736 = arith.constant 8192 : i32
        %mul3A_737 = arith.muli %add3A_735, %mul3A_736 : i32
        %add3A_738 = arith.addi %mul3A_542, %mul3A_737 : i32
        %dma_start3A_739 = arith.constant 1 : i32
        %dma_start3A_740 = arith.constant 1 : i32
        %dma_start3A_741 = arith.constant 0 : i32
        %dma_start3A_742 = tpu.memref_slice %arg11[%dma_start3A_739, %dma_start3A_741] : memref<2x8192xf32, #tpu.memory_space<vmem>> -> memref<1x8192xf32, #tpu.memory_space<vmem>>
        %dma_start3A_743 = tpu.memref_squeeze %dma_start3A_742 : memref<1x8192xf32, #tpu.memory_space<vmem>> -> memref<8192xf32, #tpu.memory_space<vmem>>
        %dma_start3A_744 = tpu.memref_slice %arg2[%add3A_738] : memref<4194304xf32, #tpu.memory_space<hbm>> -> memref<8192xf32, #tpu.memory_space<hbm>>
        %dma_start3A_745 = tpu.memref_slice %arg14[%dma_start3A_740] : memref<2x!tpu.dma_semaphore, #tpu.memory_space<semaphore_mem>> -> memref<1x!tpu.dma_semaphore, #tpu.memory_space<semaphore_mem>>
        %dma_start3A_746 = tpu.memref_squeeze %dma_start3A_745 : memref<1x!tpu.dma_semaphore, #tpu.memory_space<semaphore_mem>> -> memref<!tpu.dma_semaphore, #tpu.memory_space<semaphore_mem>>
        %dma_start3A_747 = arith.constant 0 : i32
        %dma_start3A_748 = tpu.memref_slice %arg11[%dma_start3A_739, %dma_start3A_747] : memref<2x8192xf32, #tpu.memory_space<vmem>> -> memref<1x8192xf32, #tpu.memory_space<vmem>>
        %dma_start3A_749 = tpu.memref_squeeze %dma_start3A_748 : memref<1x8192xf32, #tpu.memory_space<vmem>> -> memref<8192xf32, #tpu.memory_space<vmem>>
        %dma_start3A_750 = tpu.memref_slice %arg2[%add3A_738] : memref<4194304xf32, #tpu.memory_space<hbm>> -> memref<8192xf32, #tpu.memory_space<hbm>>
        tpu.enqueue_dma source(%dma_start3A_750 : memref<8192xf32, #tpu.memory_space<hbm>>) target(%dma_start3A_749 : memref<8192xf32, #tpu.memory_space<vmem>>) target_semaphore(%dma_start3A_746 : memref<!tpu.dma_semaphore, #tpu.memory_space<semaphore_mem>>)
        %dma_start3A_751 = arith.constant 1 : i32
        %dma_start3A_752 = arith.constant 1 : i32
        %dma_start3A_753 = arith.constant 0 : i32
        %dma_start3A_754 = tpu.memref_slice %arg12[%dma_start3A_751, %dma_start3A_753] : memref<2x8192xf32, #tpu.memory_space<vmem>> -> memref<1x8192xf32, #tpu.memory_space<vmem>>
        %dma_start3A_755 = tpu.memref_squeeze %dma_start3A_754 : memref<1x8192xf32, #tpu.memory_space<vmem>> -> memref<8192xf32, #tpu.memory_space<vmem>>
        %dma_start3A_756 = tpu.memref_slice %arg3[%add3A_738] : memref<4194304xf32, #tpu.memory_space<hbm>> -> memref<8192xf32, #tpu.memory_space<hbm>>
        %dma_start3A_757 = tpu.memref_slice %arg14[%dma_start3A_752] : memref<2x!tpu.dma_semaphore, #tpu.memory_space<semaphore_mem>> -> memref<1x!tpu.dma_semaphore, #tpu.memory_space<semaphore_mem>>
        %dma_start3A_758 = tpu.memref_squeeze %dma_start3A_757 : memref<1x!tpu.dma_semaphore, #tpu.memory_space<semaphore_mem>> -> memref<!tpu.dma_semaphore, #tpu.memory_space<semaphore_mem>>
        %dma_start3A_759 = arith.constant 0 : i32
        %dma_start3A_760 = tpu.memref_slice %arg12[%dma_start3A_751, %dma_start3A_759] : memref<2x8192xf32, #tpu.memory_space<vmem>> -> memref<1x8192xf32, #tpu.memory_space<vmem>>
        %dma_start3A_761 = tpu.memref_squeeze %dma_start3A_760 : memref<1x8192xf32, #tpu.memory_space<vmem>> -> memref<8192xf32, #tpu.memory_space<vmem>>
        %dma_start3A_762 = tpu.memref_slice %arg3[%add3A_738] : memref<4194304xf32, #tpu.memory_space<hbm>> -> memref<8192xf32, #tpu.memory_space<hbm>>
        tpu.enqueue_dma source(%dma_start3A_762 : memref<8192xf32, #tpu.memory_space<hbm>>) target(%dma_start3A_761 : memref<8192xf32, #tpu.memory_space<vmem>>) target_semaphore(%dma_start3A_758 : memref<!tpu.dma_semaphore, #tpu.memory_space<semaphore_mem>>)
      } else {
      }
    }
    %scan3A_598 = arith.constant 8 : i32
    %add3A_599 = arith.constant 114688 : i32
    %add3A_600 = arith.addi %mul3A_542, %add3A_599 : i32
    %dma_wait3A = arith.constant 0 : i32
    %dma_wait3A_601 = arith.constant 0 : i32
    %dma_wait3A_602 = arith.constant 0 : i32
    %dma_wait3A_603 = tpu.memref_slice %arg13[%dma_wait3A, %dma_wait3A_602] : memref<2x8192xf32, #tpu.memory_space<vmem>> -> memref<1x8192xf32, #tpu.memory_space<vmem>>
    %dma_wait3A_604 = tpu.memref_squeeze %dma_wait3A_603 : memref<1x8192xf32, #tpu.memory_space<vmem>> -> memref<8192xf32, #tpu.memory_space<vmem>>
    %dma_wait3A_605 = tpu.memref_slice %arg6[%add3A_600] : memref<4194304xf32, #tpu.memory_space<hbm>> -> memref<8192xf32, #tpu.memory_space<hbm>>
    %dma_wait3A_606 = tpu.memref_slice %arg15[%dma_wait3A_601] : memref<2x!tpu.dma_semaphore, #tpu.memory_space<semaphore_mem>> -> memref<1x!tpu.dma_semaphore, #tpu.memory_space<semaphore_mem>>
    %dma_wait3A_607 = tpu.memref_squeeze %dma_wait3A_606 : memref<1x!tpu.dma_semaphore, #tpu.memory_space<semaphore_mem>> -> memref<!tpu.dma_semaphore, #tpu.memory_space<semaphore_mem>>
    %dma_wait3A_608 = tpu.memref_slice %arg6[%add3A_600] : memref<4194304xf32, #tpu.memory_space<hbm>> -> memref<8192xf32, #tpu.memory_space<hbm>>
    %dma_wait3A_609 = arith.constant 0 : i32
    %dma_wait3A_610 = tpu.memref_slice %arg13[%dma_wait3A, %dma_wait3A_609] : memref<2x8192xf32, #tpu.memory_space<vmem>> -> memref<1x8192xf32, #tpu.memory_space<vmem>>
    %dma_wait3A_611 = tpu.memref_squeeze %dma_wait3A_610 : memref<1x8192xf32, #tpu.memory_space<vmem>> -> memref<8192xf32, #tpu.memory_space<vmem>>
    tpu.wait_dma2 semaphore(%dma_wait3A_607 : memref<!tpu.dma_semaphore, #tpu.memory_space<semaphore_mem>>) src(%dma_wait3A_611 : memref<8192xf32, #tpu.memory_space<vmem>>) dst(%dma_wait3A_608 : memref<8192xf32, #tpu.memory_space<hbm>>)
    %add3A_612 = arith.constant 122880 : i32
    %add3A_613 = arith.addi %mul3A_542, %add3A_612 : i32
    %dma_wait3A_614 = arith.constant 1 : i32
    %dma_wait3A_615 = arith.constant 1 : i32
    %dma_wait3A_616 = arith.constant 0 : i32
    %dma_wait3A_617 = tpu.memref_slice %arg13[%dma_wait3A_614, %dma_wait3A_616] : memref<2x8192xf32, #tpu.memory_space<vmem>> -> memref<1x8192xf32, #tpu.memory_space<vmem>>
    %dma_wait3A_618 = tpu.memref_squeeze %dma_wait3A_617 : memref<1x8192xf32, #tpu.memory_space<vmem>> -> memref<8192xf32, #tpu.memory_space<vmem>>
    %dma_wait3A_619 = tpu.memref_slice %arg6[%add3A_613] : memref<4194304xf32, #tpu.memory_space<hbm>> -> memref<8192xf32, #tpu.memory_space<hbm>>
    %dma_wait3A_620 = tpu.memref_slice %arg15[%dma_wait3A_615] : memref<2x!tpu.dma_semaphore, #tpu.memory_space<semaphore_mem>> -> memref<1x!tpu.dma_semaphore, #tpu.memory_space<semaphore_mem>>
    %dma_wait3A_621 = tpu.memref_squeeze %dma_wait3A_620 : memref<1x!tpu.dma_semaphore, #tpu.memory_space<semaphore_mem>> -> memref<!tpu.dma_semaphore, #tpu.memory_space<semaphore_mem>>
    %dma_wait3A_622 = tpu.memref_slice %arg6[%add3A_613] : memref<4194304xf32, #tpu.memory_space<hbm>> -> memref<8192xf32, #tpu.memory_space<hbm>>
    %dma_wait3A_623 = arith.constant 0 : i32
    %dma_wait3A_624 = tpu.memref_slice %arg13[%dma_wait3A_614, %dma_wait3A_623] : memref<2x8192xf32, #tpu.memory_space<vmem>> -> memref<1x8192xf32, #tpu.memory_space<vmem>>
    %dma_wait3A_625 = tpu.memref_squeeze %dma_wait3A_624 : memref<1x8192xf32, #tpu.memory_space<vmem>> -> memref<8192xf32, #tpu.memory_space<vmem>>
    tpu.wait_dma2 semaphore(%dma_wait3A_621 : memref<!tpu.dma_semaphore, #tpu.memory_space<semaphore_mem>>) src(%dma_wait3A_625 : memref<8192xf32, #tpu.memory_space<vmem>>) dst(%dma_wait3A_622 : memref<8192xf32, #tpu.memory_space<hbm>>)
    return
  }
}

</mosaic_0001>

<sc_bundles>
// kernel: kernel.3.cloned.1.call-start
scs
__scs_entry_jumppad:
0x0: {  	(pc) =	sbr.rel $0x88, $3  }
0x1: {  	(tag) =	ssettag $0x0;
	lr =	simm.s32 $0x1  }
0x2: {  	[smem:$0x3F9D] =	sst lr;
	_ =	strace $0xD0000000  }
0x3: {  	_ = 	snop  }
0x4: {  	_ = 	snop  }
0x5: {  	_ = 	snop  }
0x6: {  	_ = 	snop  }
0x7: {  	_ = 	snop  }
__scs_overlays_trampoline_lowered:
0x8: {  	[smem:$0x3FAC] =	sst s0  }
0x9: {  	[smem:$0x3FAD] =	sst s1  }
0xa: {  	[smem:$0x3FAE] =	sst s2  }
0xb: {  	[smem:$0x3FAF] =	sst s3  }
0xc: {  	[smem:$0x3FB0] =	sst s4  }
0xd: {  	[smem:$0x3FB1] =	sst s5  }
0xe: {  	[smem:$0x3FB2] =	sst s6  }
0xf: {  	[smem:$0x3FB3] =	sst s7  }
0x10: {  	[smem:$0x3FB4] =	sst s8  }
0x11: {  	[smem:$0x3FB5] =	sst s9;
	s0 =	simm.s32 @!p0 $0x0  }
0x12: {  	s1 =	sld [smem:$0x3F9B];
	s0 =	simm.s32 @p0 $0x1  }
0x13: {  	[smem:$0x3FB6] =	sst s0;
	s0 =	simm.s32 @!p1 $0x0  }
0x14: {  	s2 =	sld [smem:$0x3F9A];
	s0 =	simm.s32 @p1 $0x1  }
0x15: {  	[smem:$0x3FB7] =	sst s0;
	s0 =	simm.s32 @!p2 $0x0  }
0x16: {  	s3 =	sld [smem:$0x3FDB];
	s0 =	simm.s32 @p2 $0x1  }
0x17: {  	s4 =	simm.s32 $0x1BF5;
	[smem:$0x3FB9] =	sst s0  }
0x18: {  	s0 =	sld [smem:$0x3F9C];
	_ =	swait.ge [sflag:s4], $0x0  }
0x19: {  	s7 =	sld [smem:$0x3F9D]  }
0x1a: {  	s8 =	sadd.s32 $0xFFFFE003, lr  }
0x1b: {  	s9 =	sadd.s32 $0xFFFFFEF7, lr;
	s5 =	simm.s32 $0xFFFFFFFF;
	p2 =	slt.u32 s8, $0xFFFFF086  }
0x1c: {  	p1 =	slt.u32 s9, $0xF7A;
	s5 =	simm.s32 @!p2 $0x0  }
0x1d: {  	s5 =	simm.s32 @p1 $0x1;
	p0 =	seq.s32 s7, s2  }
0x1e: {  	s7 =	smul.u32 @!p0 $0xF7A, s2;
	p2 =	seq.s32 @!p0 s5, $0x0  }
0x1f: {  	s9 =	smul.u32 $0xF7A, s1;
	s8 =	simm.s32 @!p0 $0x1BF5;
	p2 =	por !p2, p0  }
0x20: {  	[sflag:s8] =	ssyncset.s32 @!p0 $0xFFFFF086;
	s6 =	sadd.s32 @!p0 s3, s7;
	s7 =	simm.s32 @!p0 $0x108  }
0x21: {  	s3 =	sadd.s32 s3, s9;
	s6 =	sadd.s32 @!p0 $0x88, s6;
	s7 =	simm.s32 @p2 $0x1082  }
0x22: {  	[simem:s7], [sflag:s8] =	dma.local @!p0 [hbm:s6], $0xF7A  }
0x23: {  	s9 =	sor.u32 $0xD0000000, s2;
	s6 =	simm.s32 $0x108;
	_ =	swait.ge @!p0 [sflag:s8], $0x0  }
0x24: {  	s3 =	sadd.s32 $0x88, s3;
	s6 =	simm.s32 @!p1 $0x1082;
	[sflag:s4] =	ssyncset.s32 $0xFFFFF086  }
0x25: {  	[simem:s6], [sflag:s4] =	dma.local [hbm:s3], $0xF7A  }
0x26: {  	[smem:$0x3F9D] =	sst s1;
	(tag) =	ssettag s2;
	_ =	strace s9  }
0x27: {  	s1 =	sld [smem:$0x3FAD]  }
0x28: {  	s2 =	sld [smem:$0x3FAE]  }
0x29: {  	s4 =	sld [smem:$0x3FB0]  }
0x2a: {  	p0 =	seq.s32 s5, $0x0;
	s5 =	sld [smem:$0x3FB1]  }
0x2b: {  	s6 =	sld [smem:$0x3FB2]  }
0x2c: {  	s7 =	sld [smem:$0x3FB3]  }
0x2d: {  	s3 =	simm.s32 $0x108;
	s8 =	sld [smem:$0x3FB4]  }
0x2e: {  	s3 =	simm.s32 @!p0 $0x1082;
	s9 =	sld [smem:$0x3FB5]  }
0x2f: {  	lr =	sadd.s32 s0, s3;
	s0 =	sld [smem:$0x3FAC]  }
0x30: {  	s3 =	sld [smem:$0x3FAF]  }
0x31: {  	[smem:$0x3FB8] =	sst s10  }
0x32: {  	s10 =	sld [smem:$0x3FB6];
	_ =	sdelay $0x3  }
0x33: {  	p0 =	seq.s32 s10, $0x1;
	s10 =	sld [smem:$0x3FB8];
	_ =	sdelay $0x3  }
0x34: {  	[smem:$0x3FB8] =	sst s10  }
0x35: {  	s10 =	sld [smem:$0x3FB7];
	_ =	sdelay $0x3  }
0x36: {  	p1 =	seq.s32 s10, $0x1;
	s10 =	sld [smem:$0x3FB8];
	_ =	sdelay $0x3  }
0x37: {  	[smem:$0x3FB8] =	sst s10  }
0x38: {  	s10 =	sld [smem:$0x3FB9]  }
0x39: {  	_ = 	snop;
	(pc) =	sbr.ind lr, $3  }
0x3a: {  	_ = 	snop  }
0x3b: {  	_ = 	snop  }
0x3c: {  	p2 =	seq.s32 s10, $0x1;
	s10 =	sld [smem:$0x3FB8]  }
0x3d: {  	_ =	shalt  }
0x3e: {  	_ =	shalt  }
0x3f: {  	_ =	shalt  }
0x40: {  	_ =	shalt  }
0x41: {  	_ =	shalt  }
0x42: {  	_ =	shalt  }
0x43: {  	_ =	shalt  }
0x44: {  	_ =	shalt  }
0x45: {  	_ =	shalt  }
0x46: {  	_ =	shalt  }
0x47: {  	_ =	shalt  }
0x48: {  	_ =	shalt  }
0x49: {  	_ =	shalt  }
0x4a: {  	_ =	shalt  }
0x4b: {  	_ =	shalt  }
0x4c: {  	_ =	shalt  }
0x4d: {  	_ =	shalt  }
0x4e: {  	_ =	shalt  }
0x4f: {  	_ =	shalt  }
0x50: {  	_ =	shalt  }
0x51: {  	_ =	shalt  }
0x52: {  	_ =	shalt  }
0x53: {  	_ =	shalt  }
0x54: {  	_ =	shalt  }
0x55: {  	_ =	shalt  }
0x56: {  	_ =	shalt  }
0x57: {  	_ =	shalt  }
0x58: {  	_ =	shalt  }
0x59: {  	_ =	shalt  }
0x5a: {  	_ =	shalt  }
0x5b: {  	_ =	shalt  }
0x5c: {  	_ =	shalt  }
0x5d: {  	_ =	shalt  }
0x5e: {  	_ =	shalt  }
0x5f: {  	_ =	shalt  }
0x60: {  	_ =	shalt  }
0x61: {  	_ =	shalt  }
0x62: {  	_ =	shalt  }
0x63: {  	_ =	shalt  }
0x64: {  	_ =	shalt  }
0x65: {  	_ =	shalt  }
0x66: {  	_ =	shalt  }
0x67: {  	_ =	shalt  }
0x68: {  	_ =	shalt  }
0x69: {  	_ =	shalt  }
0x6a: {  	_ =	shalt  }
0x6b: {  	_ =	shalt  }
0x6c: {  	_ =	shalt  }
0x6d: {  	_ =	shalt  }
0x6e: {  	_ =	shalt  }
0x6f: {  	_ =	shalt  }
0x70: {  	_ =	shalt  }
0x71: {  	_ =	shalt  }
0x72: {  	_ =	shalt  }
0x73: {  	_ =	shalt  }
0x74: {  	_ =	shalt  }
0x75: {  	_ =	shalt  }
0x76: {  	_ =	shalt  }
0x77: {  	_ =	shalt  }
0x78: {  	_ =	shalt  }
0x79: {  	_ =	shalt  }
0x7a: {  	_ =	shalt  }
0x7b: {  	_ =	shalt  }
0x7c: {  	_ =	shalt  }
0x7d: {  	_ =	shalt  }
0x7e: {  	_ =	shalt  }
0x7f: {  	_ =	shalt  }
0x80: {  	_ =	shalt  }
0x81: {  	_ =	shalt  }
0x82: {  	_ =	shalt  }
0x83: {  	_ =	shalt  }
0x84: {  	_ =	shalt  }
0x85: {  	_ =	shalt  }
0x86: {  	_ =	shalt  }
0x87: {  	_ =	shalt  }
.Lfunc_end0:
.L_simem_size_0:
called_computation_lowered:
.L_overlay_start_0:
0x88: {  	s2 =	sld [smem:$0x3FD9]  }
0x89: {  	s3 =	sld [smem:$0x3FFE];
	_ =	sdelay $0x1  }
0x8a: {  	s1 =	srdreg.scid  }
0x8b: {  	s0 =	sand.u32 $0x1, s1  }
0x8c: {  	s17 =	sshll.u32 s0, $0xA;
	s2 =	sadd.s32 s3, s2  }
0x8d: {  	s2 =	sadd.s32 s2, s17  }
0x8e: {  	[smem:$0x3FC4] =	sst s2  }
0x8f: {  	_ = 	snop  }
0x90: {  	s2 =	sld [smem:$0x3FC9]  }
0x91: {  	s18 =	sld [smem:$0x3FC8]  }
0x92: {  	s4 =	sld [smem:$0x3FC7]  }
0x93: {  	s5 =	sld [smem:$0x3FD0];
	(tm) =	ssettm $0x1  }
0x94: {  	s6 =	sld [smem:$0x3FFB];
	_ =	sdelay $0x3  }
0x95: {  	_ =	strace s6  }
0x96: {  	s6 =	sld [smem:$0x3FFC];
	_ =	sdelay $0x3  }
0x97: {  	_ =	strace s6  }
0x98: {  	s6 =	sld [smem:$0x3FFD];
	_ =	sdelay $0x3  }
0x99: {  	_ =	strace s6  }
0x9a: {  	_ =	strace $0x8FFFFFFF  }
0x9b: {  	s19 =	sld [smem:$0x3FDB];
	_ =	sdelay $0x1  }
0x9c: {  	s7 =	simm.s32 $_scs_section_size  }
0x9d: {  	s8 =	simm.s32 $_size__tile_overlayer_lowered;
	s9 =	simm.s32 $_tile_overlayer_lowered  }
0x9e: {  	s22 =	simm.s32 $0x1BFF;
	s21 =	sshll.u32 s9, $0x1;
	s6 =	sadd.s32 s7, s19  }
0x9f: {  	s10 =	simm.s32 $0x0;
	s20 =	sshll.u32 s8, $0x1;
	s8 =	sadd.s32 s21, s6  }
0xa0: {  	[timem:s10], [sflag:s22] =	dma.local [hbm:s8], s20  }
0xa1: {  	_ =	swait.ge [sflag:s22], s20  }
0xa2: {  	s7 =	ssub.s32 $0x0, s20;
	[sflag:s22] =	ssyncset.done $0x0  }
0xa3: {  	[sflag:s22] =	ssyncadd.s32 s7;
	_ =	sdelay $0x1  }
0xa4: {  	s23 =	simm.s32 $0x1B8B  }
0xa5: {  	_ =	swait.ge [sflag:s23], $0x1  }
0xa6: {  	[sflag:s23] =	ssyncset.done $0x0  }
0xa7: {  	s25 =	simm.s32 $0x1B8E;
	s24 =	sld [smem:$0x3FFE];
	[sflag:s23] =	ssyncadd.s32 $0xFFFFFFFF  }
0xa8: {  	s26 =	simm.s32 $execute0_lowered;
	[smem:$0x3FD2] =	sst s25  }
0xa9: {  	s8 =	sshll.u32 s26, $0x1;
	_ =	strace $0x80000046;
	[dreg:$0x1] =	wrdreg $0xFFFFFFFF  }
0xaa: {  	s28 =	simm.s32 $_size_execute0_lowered;
	s6 =	sadd.s32 s6, s8;
	[dreg:$0x0] =	wrdreg $0x0  }
0xab: {  	s8 =	sshll.u32 s28, $0x1;
	[dreg:$0x2] =	wrdreg s6  }
0xac: {  	[dreg:$0x3] =	wrdreg s8  }
0xad: {  	[dreg:$0x4] =	wrdreg $0xC0  }
0xae: {  	_ =	task [dreg:s10], $0x5FFFF  }
0xaf: {  	[dreg:$0x1] =	wrdreg $0xFFFFFFFF  }
0xb0: {  	[dreg:$0x0] =	wrdreg $0x60  }
0xb1: {  	[dreg:$0x2] =	wrdreg s2  }
0xb2: {  	[dreg:$0x3] =	wrdreg s18  }
0xb3: {  	[dreg:$0x4] =	wrdreg s4  }
0xb4: {  	[dreg:$0x5] =	wrdreg s24  }
0xb5: {  	[dreg:$0x6] =	wrdreg s5  }
0xb6: {  	[dreg:$0x7] =	wrdreg $0x9  }
0xb7: {  	_ =	task.clear_ibuf [dreg:s10], $0x8FFFF;
	_ =	strace $0x90000046  }
0xb8: {  	s29 =	simm.s32 $0x9;
	_ =	strace $0x80000048  }
0xb9: {  	_ =	swait.ge [sflag:s29], $0x1  }
0xba: {  	[sflag:s29] =	ssyncadd.s32 $0xFFFFFFFF  }
0xbb: {  	_ =	strace $0x90000048  }
0xbc: {  	_ =	sfence  }
0xbd: {  	s30 =	sld [smem:$0x0];
	_ =	sdelay $0x2  }
0xbe: {  	s31 =	sshll.u32 s1, $0xD;
	s1 =	sshrl.u32 s1, $0x2  }
0xbf: {  	s3 =	sand.u32 $0x4000, s31;
	s1 =	sadd.s32 s1, s30  }
0xc0: {  	s0 =	sor.u32 s3, s0;
	s1 =	sshll.u32 s1, $0x11  }
0xc1: {  	s0 =	sor.u32 s1, s0  }
0xc2: {  	s0 =	sadd.s32 $0x8F2B, s0  }
0xc3: {  	[sflag:s0] =	ssyncadd.remote.s32 $0x1  }
0xc4: {  	_ =	sfence.sel $0xFFFF  }
0xc5: {  	[dreg:$0x0] =	wrdreg $0xFFFFFFFF;
	(pc) =	sbr.abs _section_cstart, $3  }
0xc6: {  	[dreg:$0x1] =	wrdreg $0xFFFFFFFF  }
0xc7: {  	_ =	task.clear_ibuf [dreg:s10], $0x2FFFF;
	_ =	strace $0x9FFFFFFF  }
0xc8: {  	(tm) =	ssettm $0x7FFFFFFF  }
0xc9: {  	_ =	shalt  }
tec
execute0_lowered:
.L_overlay_start_1:
0x0: {  	(tag) =	ssettag $0x1  }
0x1: {  	s1 =	rddreg [dreg:$0x0]  }
0x2: {  	s2 =	rddreg [dreg:$0x1]  }
0x3: {  	s0 =	rddreg [dreg:$0x3]  }
0x4: {  	s5 =	rddreg [dreg:$0x4];
	s3 =	srdreg.scid  }
0x5: {  	s6 =	simm.s32 $0x0;
	s4 =	stileid.u32;
	s17 =	simm.s32 $0x200  }
0x6: {  	s18 =	simm.s32 $0x1;
	s19 =	simm.s32 $0x280;
	s20 =	simm.s32 $0x480  }
0x7: {  	s21 =	simm.s32 $0x2;
	s3 =	sand.u32 $0x1, s3;
	[smem:$0x7FF] =	sst s6  }
0x8: {  	s4 =	sshll.u32 s4, $0x12;
	s0 =	sadd.s32 $0x400, s0;
	s7 =	sshll.u32 s3, $0x11  }
0x9: {  	_ =	strace $0x80000047;
	s3 =	ssub.s32 $0x2, s3;
	[dreg:$0x6] =	wrdreg s0  }
.Ltmp0:
0xa: {  	s7 =	sor.u32 s7, s4;
	s30 =	sshrl.u32 s3, $0x1;
	(pc) =	sbr.rel .LBB2_1-.Ltmp0, $4  }
0xb: {  	s4 =	sshrl.u32 s7, $0x3;
	s0 =	ssub.s32 s3, s30;
	s13 =	sor.u32 $0x4000, s7  }
0xc: {  	s14 =	sor.u32 $0x6000, s7;
	s9 =	sadd.s32 s1, s4;
	s31 =	sor.u32 $0x400, s4  }
0xd: {  	s10 =	sadd.s32 s2, s4;
	s0 =	smax.u32 s0, $0x1;
	s4 =	simm.s32 $0x0  }
0xe: {  	v0 =	vimm.s32 $0x0;
	s11 =	sadd.s32 s1, s31;
	s12 =	sadd.s32 s2, s31;
	[dreg:$0x7] =	wrdreg s0  }
.LBB2_30:
0xf: {  	s0 =	simm.s32 $0x3  }
0x10: {  	_ =	swait.ge [sflag:s0], $0x2000  }
0x11: {  	[sflag:s0] =	ssyncset.done $0x0  }
0x12: {  	s3 =	simm.s32 $0x4;
	[sflag:s0] =	ssyncadd.s32 $0xFFFFE000  }
0x13: {  	_ =	swait.ge [sflag:s3], $0x2000  }
0x14: {  	s4 =	rddreg [dreg:$0x8]  }
0x15: {  	s31 =	rddreg [dreg:$0x7];
	s4 =	sadd.s32 $0x1, s4  }
0x16: {  	p0 =	sne.s32 s4, s31  }
.Ltmp1:
0x17: {  	_ = 	snop;
	(pc) =	sbr.rel @!p0 .LBB2_31-.Ltmp1, $3  }
0x18: {  	_ =	sdelay $0x1  }
0x19: {  	[sflag:s3] =	ssyncset.done $0x0  }
0x1a: {  	[sflag:s3] =	ssyncadd.s32 $0xFFFFE000  }
.LBB2_1:
0x1b: {  	[dreg:$0x8] =	wrdreg s4  }
0x1c: {  	s0 =	rddreg [dreg:$0x2];
	s3 =	simm.s32 $0x5  }
0x1d: {  	[tilespmem:s6], [sflag:$0x5] =	stream.linear.gather [hbm4b:s0+s6], $0x200, $0x38;
	[tilespmem:$0xC680] =	vst v63  }
0x1e: {  	_ =	swait.ge [sflag:s3], $0x200  }
0x1f: {  	[sflag:s3] =	ssyncset.done $0x0  }
0x20: {  	s31 =	rddreg [dreg:$0x6];
	[sflag:s3] =	ssyncadd.s32 $0xFFFFFE00  }
0x21: {  	[tilespmem:s17], [sflag:$0x5] =	stream.linear.gather [hbm4b:s31+s6], $0x80, $0x38;
	[tilespmem:$0xC680] =	vst v63  }
0x22: {  	_ =	swait.ge [sflag:s3], $0x80  }
0x23: {  	[sflag:s3] =	ssyncset.done $0x0  }
0x24: {  	[sflag:s3] =	ssyncadd.s32 $0xFFFFFF80  }
0x25: {  	v1 =	vld [tilespmem:$0x0];
	_ =	sdelay $0x4  }
0x26: {  	v1 =	vshll.u32 v1, $0x1  }
0x27: {  	v1 =	vand.u32 $0xE, v1;
	_ =	sdelay $0x4  }
0x28: {  	v2 =	vld.idx.msk [tilespmem:v1+s17+$0x0], $0xffff  }
0x29: {  	v3 =	vld [tilespmem:$0x10];
	v1 =	vor.u32 $0x1, v1;
	_ =	sdelay $0x3  }
0x2a: {  	[tilespmem:$0x280] =	vst v2  }
0x2b: {  	v2 =	vshll.u32 v3, $0x1;
	v1 =	vld.idx.msk [tilespmem:v1+s17+$0x0], $0xffff  }
0x2c: {  	v2 =	vand.u32 $0xE, v2;
	_ =	sdelay $0x3  }
0x2d: {  	[tilespmem:$0x480] =	vst v1  }
0x2e: {  	v1 =	vld.idx.msk [tilespmem:v2+s17+$0x0], $0xffff  }
0x2f: {  	v3 =	vld [tilespmem:$0x20];
	v2 =	vor.u32 $0x1, v2;
	_ =	sdelay $0x3  }
0x30: {  	[tilespmem:$0x290] =	vst v1  }
0x31: {  	v1 =	vld.idx.msk [tilespmem:v2+s17+$0x0], $0xffff;
	v2 =	vshll.u32 v3, $0x1  }
0x32: {  	v2 =	vand.u32 $0xE, v2;
	_ =	sdelay $0x3  }
0x33: {  	[tilespmem:$0x490] =	vst v1  }
0x34: {  	v1 =	vld.idx.msk [tilespmem:v2+s17+$0x0], $0xffff  }
0x35: {  	v3 =	vld [tilespmem:$0x30];
	v2 =	vor.u32 $0x1, v2;
	_ =	sdelay $0x3  }
0x36: {  	[tilespmem:$0x2A0] =	vst v1  }
0x37: {  	v1 =	vld.idx.msk [tilespmem:v2+s17+$0x0], $0xffff;
	v2 =	vshll.u32 v3, $0x1  }
0x38: {  	v2 =	vand.u32 $0xE, v2;
	_ =	sdelay $0x3  }
0x39: {  	[tilespmem:$0x4A0] =	vst v1  }
0x3a: {  	v1 =	vld.idx.msk [tilespmem:v2+s17+$0x0], $0xffff  }
0x3b: {  	v3 =	vld [tilespmem:$0x40];
	v2 =	vor.u32 $0x1, v2;
	_ =	sdelay $0x3  }
0x3c: {  	[tilespmem:$0x2B0] =	vst v1  }
0x3d: {  	v1 =	vld.idx.msk [tilespmem:v2+s17+$0x0], $0xffff;
	v2 =	vshll.u32 v3, $0x1  }
0x3e: {  	v2 =	vand.u32 $0xE, v2;
	_ =	sdelay $0x3  }
0x3f: {  	[tilespmem:$0x4B0] =	vst v1  }
0x40: {  	v1 =	vld.idx.msk [tilespmem:v2+s17+$0x0], $0xffff  }
0x41: {  	v3 =	vld [tilespmem:$0x50];
	v2 =	vor.u32 $0x1, v2;
	_ =	sdelay $0x3  }
0x42: {  	[tilespmem:$0x2C0] =	vst v1  }
0x43: {  	v1 =	vld.idx.msk [tilespmem:v2+s17+$0x0], $0xffff;
	v2 =	vshll.u32 v3, $0x1  }
0x44: {  	v2 =	vand.u32 $0xE, v2;
	_ =	sdelay $0x3  }
0x45: {  	[tilespmem:$0x4C0] =	vst v1  }
0x46: {  	v1 =	vld.idx.msk [tilespmem:v2+s17+$0x0], $0xffff  }
0x47: {  	v3 =	vld [tilespmem:$0x60];
	v2 =	vor.u32 $0x1, v2;
	_ =	sdelay $0x3  }
0x48: {  	[tilespmem:$0x2D0] =	vst v1  }
0x49: {  	v1 =	vld.idx.msk [tilespmem:v2+s17+$0x0], $0xffff;
	v2 =	vshll.u32 v3, $0x1  }
0x4a: {  	v2 =	vand.u32 $0xE, v2;
	_ =	sdelay $0x3  }
0x4b: {  	[tilespmem:$0x4D0] =	vst v1  }
0x4c: {  	v1 =	vld.idx.msk [tilespmem:v2+s17+$0x0], $0xffff  }
0x4d: {  	v3 =	vld [tilespmem:$0x70];
	v2 =	vor.u32 $0x1, v2;
	_ =	sdelay $0x3  }
0x4e: {  	[tilespmem:$0x2E0] =	vst v1  }
0x4f: {  	v1 =	vld.idx.msk [tilespmem:v2+s17+$0x0], $0xffff;
	v2 =	vshll.u32 v3, $0x1  }
0x50: {  	v2 =	vand.u32 $0xE, v2;
	_ =	sdelay $0x3  }
0x51: {  	[tilespmem:$0x4E0] =	vst v1  }
0x52: {  	v1 =	vld.idx.msk [tilespmem:v2+s17+$0x0], $0xffff  }
0x53: {  	v3 =	vld [tilespmem:$0x80];
	v2 =	vor.u32 $0x1, v2;
	_ =	sdelay $0x3  }
0x54: {  	[tilespmem:$0x2F0] =	vst v1  }
0x55: {  	v1 =	vld.idx.msk [tilespmem:v2+s17+$0x0], $0xffff;
	v2 =	vshll.u32 v3, $0x1  }
0x56: {  	v2 =	vand.u32 $0xE, v2;
	_ =	sdelay $0x3  }
0x57: {  	[tilespmem:$0x4F0] =	vst v1  }
0x58: {  	v1 =	vld.idx.msk [tilespmem:v2+s17+$0x0], $0xffff  }
0x59: {  	v3 =	vld [tilespmem:$0x90];
	v2 =	vor.u32 $0x1, v2;
	_ =	sdelay $0x3  }
0x5a: {  	[tilespmem:$0x300] =	vst v1  }
0x5b: {  	v1 =	vld.idx.msk [tilespmem:v2+s17+$0x0], $0xffff;
	v2 =	vshll.u32 v3, $0x1  }
0x5c: {  	v2 =	vand.u32 $0xE, v2;
	_ =	sdelay $0x3  }
0x5d: {  	[tilespmem:$0x500] =	vst v1  }
0x5e: {  	v1 =	vld.idx.msk [tilespmem:v2+s17+$0x0], $0xffff  }
0x5f: {  	v3 =	vld [tilespmem:$0xA0];
	v2 =	vor.u32 $0x1, v2;
	_ =	sdelay $0x3  }
0x60: {  	[tilespmem:$0x310] =	vst v1  }
0x61: {  	v1 =	vld.idx.msk [tilespmem:v2+s17+$0x0], $0xffff;
	v2 =	vshll.u32 v3, $0x1  }
0x62: {  	v2 =	vand.u32 $0xE, v2;
	_ =	sdelay $0x3  }
0x63: {  	[tilespmem:$0x510] =	vst v1  }
0x64: {  	v1 =	vld.idx.msk [tilespmem:v2+s17+$0x0], $0xffff  }
0x65: {  	v3 =	vld [tilespmem:$0xB0];
	v2 =	vor.u32 $0x1, v2;
	_ =	sdelay $0x3  }
0x66: {  	[tilespmem:$0x320] =	vst v1  }
0x67: {  	v1 =	vld.idx.msk [tilespmem:v2+s17+$0x0], $0xffff;
	v2 =	vshll.u32 v3, $0x1  }
0x68: {  	v2 =	vand.u32 $0xE, v2;
	_ =	sdelay $0x3  }
0x69: {  	[tilespmem:$0x520] =	vst v1  }
0x6a: {  	v1 =	vld.idx.msk [tilespmem:v2+s17+$0x0], $0xffff  }
0x6b: {  	v3 =	vld [tilespmem:$0xC0];
	v2 =	vor.u32 $0x1, v2;
	_ =	sdelay $0x3  }
0x6c: {  	[tilespmem:$0x330] =	vst v1  }
0x6d: {  	v1 =	vld.idx.msk [tilespmem:v2+s17+$0x0], $0xffff;
	v2 =	vshll.u32 v3, $0x1  }
0x6e: {  	v2 =	vand.u32 $0xE, v2;
	_ =	sdelay $0x3  }
0x6f: {  	[tilespmem:$0x530] =	vst v1  }
0x70: {  	v1 =	vld.idx.msk [tilespmem:v2+s17+$0x0], $0xffff  }
0x71: {  	v3 =	vld [tilespmem:$0xD0];
	v2 =	vor.u32 $0x1, v2;
	_ =	sdelay $0x3  }
0x72: {  	[tilespmem:$0x340] =	vst v1  }
0x73: {  	v1 =	vld.idx.msk [tilespmem:v2+s17+$0x0], $0xffff;
	v2 =	vshll.u32 v3, $0x1  }
0x74: {  	v2 =	vand.u32 $0xE, v2;
	_ =	sdelay $0x3  }
0x75: {  	[tilespmem:$0x540] =	vst v1  }
0x76: {  	v1 =	vld.idx.msk [tilespmem:v2+s17+$0x0], $0xffff  }
0x77: {  	v3 =	vld [tilespmem:$0xE0];
	v2 =	vor.u32 $0x1, v2;
	_ =	sdelay $0x3  }
0x78: {  	[tilespmem:$0x350] =	vst v1  }
0x79: {  	v1 =	vld.idx.msk [tilespmem:v2+s17+$0x0], $0xffff;
	v2 =	vshll.u32 v3, $0x1  }
0x7a: {  	v2 =	vand.u32 $0xE, v2;
	_ =	sdelay $0x3  }
0x7b: {  	[tilespmem:$0x550] =	vst v1  }
0x7c: {  	v1 =	vld.idx.msk [tilespmem:v2+s17+$0x0], $0xffff  }
0x7d: {  	v3 =	vld [tilespmem:$0xF0];
	v2 =	vor.u32 $0x1, v2;
	_ =	sdelay $0x3  }
0x7e: {  	[tilespmem:$0x360] =	vst v1  }
0x7f: {  	v1 =	vld.idx.msk [tilespmem:v2+s17+$0x0], $0xffff;
	v2 =	vshll.u32 v3, $0x1  }
0x80: {  	v2 =	vand.u32 $0xE, v2;
	_ =	sdelay $0x3  }
0x81: {  	[tilespmem:$0x560] =	vst v1  }
0x82: {  	v1 =	vld.idx.msk [tilespmem:v2+s17+$0x0], $0xffff  }
0x83: {  	v3 =	vld [tilespmem:$0x100];
	v2 =	vor.u32 $0x1, v2;
	_ =	sdelay $0x3  }
0x84: {  	[tilespmem:$0x370] =	vst v1  }
0x85: {  	v1 =	vld.idx.msk [tilespmem:v2+s17+$0x0], $0xffff;
	v2 =	vshll.u32 v3, $0x1  }
0x86: {  	v2 =	vand.u32 $0xE, v2;
	_ =	sdelay $0x3  }
0x87: {  	[tilespmem:$0x570] =	vst v1  }
0x88: {  	v1 =	vld.idx.msk [tilespmem:v2+s17+$0x0], $0xffff  }
0x89: {  	v3 =	vld [tilespmem:$0x110];
	v2 =	vor.u32 $0x1, v2;
	_ =	sdelay $0x3  }
0x8a: {  	[tilespmem:$0x380] =	vst v1  }
0x8b: {  	v1 =	vld.idx.msk [tilespmem:v2+s17+$0x0], $0xffff;
	v2 =	vshll.u32 v3, $0x1  }
0x8c: {  	v2 =	vand.u32 $0xE, v2;
	_ =	sdelay $0x3  }
0x8d: {  	[tilespmem:$0x580] =	vst v1  }
0x8e: {  	v1 =	vld.idx.msk [tilespmem:v2+s17+$0x0], $0xffff  }
0x8f: {  	v3 =	vld [tilespmem:$0x120];
	v2 =	vor.u32 $0x1, v2;
	_ =	sdelay $0x3  }
0x90: {  	[tilespmem:$0x390] =	vst v1  }
0x91: {  	v1 =	vld.idx.msk [tilespmem:v2+s17+$0x0], $0xffff;
	v2 =	vshll.u32 v3, $0x1  }
0x92: {  	v2 =	vand.u32 $0xE, v2;
	_ =	sdelay $0x3  }
0x93: {  	[tilespmem:$0x590] =	vst v1  }
0x94: {  	v1 =	vld.idx.msk [tilespmem:v2+s17+$0x0], $0xffff  }
0x95: {  	v3 =	vld [tilespmem:$0x130];
	v2 =	vor.u32 $0x1, v2;
	_ =	sdelay $0x3  }
0x96: {  	[tilespmem:$0x3A0] =	vst v1  }
0x97: {  	v1 =	vld.idx.msk [tilespmem:v2+s17+$0x0], $0xffff;
	v2 =	vshll.u32 v3, $0x1  }
0x98: {  	v2 =	vand.u32 $0xE, v2;
	_ =	sdelay $0x3  }
0x99: {  	[tilespmem:$0x5A0] =	vst v1  }
0x9a: {  	v1 =	vld.idx.msk [tilespmem:v2+s17+$0x0], $0xffff  }
0x9b: {  	v3 =	vld [tilespmem:$0x140];
	v2 =	vor.u32 $0x1, v2;
	_ =	sdelay $0x3  }
0x9c: {  	[tilespmem:$0x3B0] =	vst v1  }
0x9d: {  	v1 =	vld.idx.msk [tilespmem:v2+s17+$0x0], $0xffff;
	v2 =	vshll.u32 v3, $0x1  }
0x9e: {  	v2 =	vand.u32 $0xE, v2;
	_ =	sdelay $0x3  }
0x9f: {  	[tilespmem:$0x5B0] =	vst v1  }
0xa0: {  	v1 =	vld.idx.msk [tilespmem:v2+s17+$0x0], $0xffff  }
0xa1: {  	v3 =	vld [tilespmem:$0x150];
	v2 =	vor.u32 $0x1, v2;
	_ =	sdelay $0x3  }
0xa2: {  	[tilespmem:$0x3C0] =	vst v1  }
0xa3: {  	v1 =	vld.idx.msk [tilespmem:v2+s17+$0x0], $0xffff;
	v2 =	vshll.u32 v3, $0x1  }
0xa4: {  	v2 =	vand.u32 $0xE, v2;
	_ =	sdelay $0x3  }
0xa5: {  	[tilespmem:$0x5C0] =	vst v1  }
0xa6: {  	v1 =	vld.idx.msk [tilespmem:v2+s17+$0x0], $0xffff  }
0xa7: {  	v3 =	vld [tilespmem:$0x160];
	v2 =	vor.u32 $0x1, v2;
	_ =	sdelay $0x3  }
0xa8: {  	[tilespmem:$0x3D0] =	vst v1  }
0xa9: {  	v1 =	vld.idx.msk [tilespmem:v2+s17+$0x0], $0xffff;
	v2 =	vshll.u32 v3, $0x1  }
0xaa: {  	v2 =	vand.u32 $0xE, v2;
	_ =	sdelay $0x3  }
0xab: {  	[tilespmem:$0x5D0] =	vst v1  }
0xac: {  	v1 =	vld.idx.msk [tilespmem:v2+s17+$0x0], $0xffff  }
0xad: {  	v3 =	vld [tilespmem:$0x170];
	v2 =	vor.u32 $0x1, v2;
	_ =	sdelay $0x3  }
0xae: {  	[tilespmem:$0x3E0] =	vst v1  }
0xaf: {  	v1 =	vld.idx.msk [tilespmem:v2+s17+$0x0], $0xffff;
	v2 =	vshll.u32 v3, $0x1  }
0xb0: {  	v2 =	vand.u32 $0xE, v2;
	_ =	sdelay $0x3  }
0xb1: {  	[tilespmem:$0x5E0] =	vst v1  }
0xb2: {  	v1 =	vld.idx.msk [tilespmem:v2+s17+$0x0], $0xffff  }
0xb3: {  	v3 =	vld [tilespmem:$0x180];
	v2 =	vor.u32 $0x1, v2;
	_ =	sdelay $0x3  }
0xb4: {  	[tilespmem:$0x3F0] =	vst v1  }
0xb5: {  	v1 =	vld.idx.msk [tilespmem:v2+s17+$0x0], $0xffff;
	v2 =	vshll.u32 v3, $0x1  }
0xb6: {  	v2 =	vand.u32 $0xE, v2;
	_ =	sdelay $0x3  }
0xb7: {  	[tilespmem:$0x5F0] =	vst v1  }
0xb8: {  	v1 =	vld.idx.msk [tilespmem:v2+s17+$0x0], $0xffff  }
0xb9: {  	v3 =	vld [tilespmem:$0x190];
	v2 =	vor.u32 $0x1, v2;
	_ =	sdelay $0x3  }
0xba: {  	[tilespmem:$0x400] =	vst v1  }
0xbb: {  	v1 =	vld.idx.msk [tilespmem:v2+s17+$0x0], $0xffff;
	v2 =	vshll.u32 v3, $0x1  }
0xbc: {  	v2 =	vand.u32 $0xE, v2;
	_ =	sdelay $0x3  }
0xbd: {  	[tilespmem:$0x600] =	vst v1  }
0xbe: {  	v1 =	vld.idx.msk [tilespmem:v2+s17+$0x0], $0xffff  }
0xbf: {  	v3 =	vld [tilespmem:$0x1A0];
	v2 =	vor.u32 $0x1, v2;
	_ =	sdelay $0x3  }
0xc0: {  	[tilespmem:$0x410] =	vst v1  }
0xc1: {  	v1 =	vld.idx.msk [tilespmem:v2+s17+$0x0], $0xffff;
	v2 =	vshll.u32 v3, $0x1  }
0xc2: {  	v2 =	vand.u32 $0xE, v2;
	_ =	sdelay $0x3  }
0xc3: {  	[tilespmem:$0x610] =	vst v1  }
0xc4: {  	v1 =	vld.idx.msk [tilespmem:v2+s17+$0x0], $0xffff  }
0xc5: {  	v3 =	vld [tilespmem:$0x1B0];
	v2 =	vor.u32 $0x1, v2;
	_ =	sdelay $0x3  }
0xc6: {  	[tilespmem:$0x420] =	vst v1  }
0xc7: {  	v1 =	vld.idx.msk [tilespmem:v2+s17+$0x0], $0xffff;
	v2 =	vshll.u32 v3, $0x1  }
0xc8: {  	v2 =	vand.u32 $0xE, v2;
	_ =	sdelay $0x3  }
0xc9: {  	[tilespmem:$0x620] =	vst v1  }
0xca: {  	v1 =	vld.idx.msk [tilespmem:v2+s17+$0x0], $0xffff  }
0xcb: {  	v3 =	vld [tilespmem:$0x1C0];
	v2 =	vor.u32 $0x1, v2;
	_ =	sdelay $0x3  }
0xcc: {  	[tilespmem:$0x430] =	vst v1  }
0xcd: {  	v1 =	vld.idx.msk [tilespmem:v2+s17+$0x0], $0xffff;
	v2 =	vshll.u32 v3, $0x1  }
0xce: {  	v2 =	vand.u32 $0xE, v2;
	_ =	sdelay $0x3  }
0xcf: {  	[tilespmem:$0x630] =	vst v1  }
0xd0: {  	v1 =	vld.idx.msk [tilespmem:v2+s17+$0x0], $0xffff  }
0xd1: {  	v3 =	vld [tilespmem:$0x1D0];
	v2 =	vor.u32 $0x1, v2;
	_ =	sdelay $0x3  }
0xd2: {  	[tilespmem:$0x440] =	vst v1  }
0xd3: {  	v1 =	vld.idx.msk [tilespmem:v2+s17+$0x0], $0xffff;
	v2 =	vshll.u32 v3, $0x1  }
0xd4: {  	v2 =	vand.u32 $0xE, v2;
	_ =	sdelay $0x3  }
0xd5: {  	[tilespmem:$0x640] =	vst v1  }
0xd6: {  	v1 =	vld.idx.msk [tilespmem:v2+s17+$0x0], $0xffff  }
0xd7: {  	v3 =	vld [tilespmem:$0x1E0];
	v2 =	vor.u32 $0x1, v2;
	_ =	sdelay $0x3  }
0xd8: {  	[tilespmem:$0x450] =	vst v1  }
0xd9: {  	v1 =	vld.idx.msk [tilespmem:v2+s17+$0x0], $0xffff;
	v2 =	vshll.u32 v3, $0x1  }
0xda: {  	v2 =	vand.u32 $0xE, v2;
	_ =	sdelay $0x3  }
0xdb: {  	[tilespmem:$0x650] =	vst v1  }
0xdc: {  	v1 =	vld.idx.msk [tilespmem:v2+s17+$0x0], $0xffff  }
0xdd: {  	v3 =	vld [tilespmem:$0x1F0];
	v2 =	vor.u32 $0x1, v2;
	_ =	sdelay $0x3  }
0xde: {  	[tilespmem:$0x460] =	vst v1  }
0xdf: {  	v1 =	vld.idx.msk [tilespmem:v2+s17+$0x0], $0xffff;
	v2 =	vshll.u32 v3, $0x1  }
0xe0: {  	v2 =	vand.u32 $0xE, v2;
	_ =	sdelay $0x3  }
0xe1: {  	[tilespmem:$0x660] =	vst v1  }
0xe2: {  	v1 =	vld.idx.msk [tilespmem:v2+s17+$0x0], $0xffff  }
0xe3: {  	v2 =	vor.u32 $0x1, v2;
	_ =	sdelay $0x3  }
0xe4: {  	[tilespmem:$0x470] =	vst v1  }
0xe5: {  	v1 =	vld.idx.msk [tilespmem:v2+s17+$0x0], $0xffff;
	_ =	sdelay $0x3  }
0xe6: {  	s8 =	sadd.s32 $0x0, s9  }
0xe7: {  	s4 =	simm.s32 $0x780;
	s0 =	simm.s32 $0x680;
	s3 =	simm.s32 $0x10;
	[tilespmem:$0x670] =	vst v1  }
.LBB2_2:
0xe8: {  	[tilespmem:s0], [sflag:$0x1] =	stream.linear.gather [hbm4b:s8+s6], $0x80, $0x38;
	[tilespmem:$0xC680] =	vst v63  }
0xe9: {  	s8 =	smov.u32 s3;
	s0 =	smov.u32 s4;
	p0 =	sne.s32 s3, $0x3F0  }
.Ltmp2:
0xea: {  	s3 =	sadd.s32 $0x10, s3;
	(pc) =	sbr.rel @p0 .LBB2_2-.Ltmp2, $2  }
0xeb: {  	_ =	sdelay $0x2  }
0xec: {  	s4 =	sadd.s32 $0x100, s4;
	s8 =	sadd.s32 s8, s9  }
0xed: {  	[tilespmem:s0], [sflag:$0x1] =	stream.linear.gather [hbm4b:s8+s6], $0x80, $0x38;
	[tilespmem:$0xC680] =	vst v63  }
0xee: {  	s0 =	simm.s32 $0x4680  }
0xef: {  	s3 =	simm.s32 $0x10;
	s8 =	sadd.s32 $0x0, s10;
	s4 =	simm.s32 $0x4780  }
.LBB2_4:
0xf0: {  	[tilespmem:s0], [sflag:$0x1] =	stream.linear.gather [hbm4b:s8+s6], $0x80, $0x38;
	[tilespmem:$0xC680] =	vst v63  }
0xf1: {  	s8 =	smov.u32 s3;
	s0 =	smov.u32 s4;
	p0 =	sne.s32 s3, $0x3F0  }
.Ltmp3:
0xf2: {  	s3 =	sadd.s32 $0x10, s3;
	(pc) =	sbr.rel @p0 .LBB2_4-.Ltmp3, $2  }
0xf3: {  	_ =	sdelay $0x2  }
0xf4: {  	s4 =	sadd.s32 $0x100, s4;
	s8 =	sadd.s32 s8, s10  }
0xf5: {  	[tilespmem:s0], [sflag:$0x1] =	stream.linear.gather [hbm4b:s8+s6], $0x80, $0x38;
	[tilespmem:$0xC680] =	vst v63  }
0xf6: {  	s0 =	simm.s32 $0x700  }
0xf7: {  	s3 =	simm.s32 $0x10;
	s8 =	sadd.s32 $0x0, s11;
	s4 =	simm.s32 $0x800  }
.LBB2_6:
0xf8: {  	[tilespmem:s0], [sflag:$0x2] =	stream.linear.gather [hbm4b:s8+s6], $0x80, $0x38;
	[tilespmem:$0xC680] =	vst v63  }
0xf9: {  	s8 =	smov.u32 s3;
	s0 =	smov.u32 s4;
	p0 =	sne.s32 s3, $0x3F0  }
.Ltmp4:
0xfa: {  	s3 =	sadd.s32 $0x10, s3;
	(pc) =	sbr.rel @p0 .LBB2_6-.Ltmp4, $2  }
0xfb: {  	_ =	sdelay $0x2  }
0xfc: {  	s4 =	sadd.s32 $0x100, s4;
	s8 =	sadd.s32 s8, s11  }
0xfd: {  	[tilespmem:s0], [sflag:$0x2] =	stream.linear.gather [hbm4b:s8+s6], $0x80, $0x38;
	[tilespmem:$0xC680] =	vst v63  }
0xfe: {  	s25 =	simm.s32 $0x0;
	s0 =	simm.s32 $0x4700  }
0xff: {  	s3 =	simm.s32 $0x10;
	s8 =	sadd.s32 $0x0, s12;
	s4 =	simm.s32 $0x4800  }
.LBB2_8:
0x100: {  	[tilespmem:s0], [sflag:$0x2] =	stream.linear.gather [hbm4b:s8+s25], $0x80, $0x38;
	[tilespmem:$0xC680] =	vst v63  }
0x101: {  	s8 =	smov.u32 s3;
	s0 =	smov.u32 s4;
	p0 =	sne.s32 s3, $0x3F0  }
.Ltmp5:
0x102: {  	s3 =	sadd.s32 $0x10, s3;
	(pc) =	sbr.rel @p0 .LBB2_8-.Ltmp5, $2  }
0x103: {  	_ =	sdelay $0x2  }
0x104: {  	s4 =	sadd.s32 $0x100, s4;
	s8 =	sadd.s32 s8, s12  }
0x105: {  	[tilespmem:s0], [sflag:$0x2] =	stream.linear.gather [hbm4b:s8+s25], $0x80, $0x38;
	[tilespmem:$0xC680] =	vst v63  }
.LBB2_10:
0x106: {  	_ =	swait.ge [sflag:s18], $0x2000  }
0x107: {  	[sflag:s18] =	ssyncset.done $0x0  }
0x108: {  	[sflag:s18] =	ssyncadd.s32 $0xFFFFE000  }
0x109: {  	_ =	swait.ge [sflag:s18], $0x2000  }
0x10a: {  	p1 =	seq.s32 s25, $0x0;
	[sflag:s18] =	ssyncset.done $0x0  }
0x10b: {  	s0 =	simm.s32 @!p1 $0x3;
	[sflag:s18] =	ssyncadd.s32 $0xFFFFE000  }
0x10c: {  	s3 =	simm.s32 $0x0;
	s4 =	simm.s32 $0x0;
	_ =	swait.ge @!p1 [sflag:s0], $0x2000  }
0x10d: {  	s4 =	sand.u32 $0x40, s4;
	s3 =	sand.u32 $0x3F00, s3;
	[sflag:s0] =	ssyncset.done @!p1 $0x0  }
0x10e: {  	s28 =	sor.u32 s4, s3;
	[sflag:s0] =	ssyncadd.s32 @!p1 $0xFFFFE000  }
0x10f: {  	v2 =	vld [tilespmem:s28+$0x6B0]  }
0x110: {  	v3 =	vld [tilespmem:s28+$0x680];
	_ =	sdelay $0x1  }
0x111: {  	v5 =	vld [tilespmem:s28+$0x6A0];
	_ =	sdelay $0x1  }
0x112: {  	v4 =	vld [tilespmem:s28+$0x690];
	v1 =	vtrunc.f32 v2  }
0x113: {  	v10 =	vld [tilespmem:s28+$0x4680];
	v6 =	vtrunc.f32 v3;
	v7 =	vcvt.f32.s32 v1;
	vm0 =	vlt.f32 v2, v1  }
0x114: {  	v8 =	vcvt.f32.s32 v6;
	v9 =	vsel vm0, $0xFFFFFFFF, v0  }
0x115: {  	vm7 =	vlt.f32 v3, v6;
	v6 =	vtrunc.f32 v5;
	v7 =	vadd.s32 v7, v9  }
0x116: {  	v12 =	vcvt.f32.s32 v6;
	vm2 =	vlt.f32 v5, v6;
	v6 =	vld [tilespmem:s28+$0x46B0];
	v11 =	vand.u32 $0xFF, v7  }
0x117: {  	v13 =	vsel vm7, $0xFFFFFFFF, v0  }
0x118: {  	v21 =	vtrunc.f32 v10;
	v1 =	vtrunc.f32 v4;
	v8 =	vadd.s32 v8, v13  }
0x119: {  	v14 =	vld [tilespmem:s28+$0x4690];
	vm1 =	vlt.f32 v4, v1;
	v9 =	vcvt.f32.s32 v1;
	v13 =	vand.u32 $0xFF, v8  }
0x11a: {  	v15 =	vsel vm1, $0xFFFFFFFF, v0;
	v16 =	vsel vm2, $0xFFFFFFFF, v0;
	v17 =	vadd.s32 $0x1, v11  }
0x11b: {  	v12 =	vadd.s32 v12, v16;
	v18 =	vadd.s32 $0x1, v13;
	v22 =	vtrunc.f32 v6;
	v11 =	vld.idx.msk [tilespmem:v11+s6+$0x0], $0xffff  }
0x11c: {  	v16 =	vand.u32 $0xFF, v12;
	v24 =	vcvt.f32.s32 v22;
	vm8 =	vlt.f32 v6, v22  }
0x11d: {  	v1 =	vld [tilespmem:s28+$0x46A0];
	v9 =	vadd.s32 v9, v15;
	v20 =	vadd.s32 $0x1, v16;
	v26 =	vsel vm8, $0xFFFFFFFF, v0  }
0x11e: {  	v23 =	vtrunc.f32 v14;
	v15 =	vand.u32 $0xFF, v9;
	v13 =	vld.idx.msk [tilespmem:v13+s6+$0x0], $0xffff;
	v24 =	vadd.s32 v24, v26  }
0x11f: {  	vm9 =	vlt.f32 v10, v21;
	v19 =	vadd.s32 $0x1, v15;
	v17 =	vld.idx.msk [tilespmem:v17+s6+$0x0], $0xffff;
	v26 =	vand.u32 $0xFF, v24  }
0x120: {  	vm10 =	vlt.f32 v14, v23;
	v27 =	vsel vm9, $0xFFFFFFFF, v0;
	v18 =	vld.idx.msk [tilespmem:v18+s6+$0x0], $0xffff;
	v11 =	vadd.s32 v11, v26  }
0x121: {  	v59 =	vsel vm10, $0xFFFFFFFF, v0;
	v8 =	vcvt.s32.f32 v8;
	v7 =	vcvt.s32.f32 v7;
	v16 =	vld.idx.msk [tilespmem:v16+s6+$0x0], $0xffff  }
0x122: {  	v12 =	vcvt.s32.f32 v12;
	v22 =	vcvt.f32.s32 v21;
	v20 =	vld.idx.msk [tilespmem:v20+s6+$0x0], $0xffff;
	v61 =	vadd.s32 $0x1, v11  }
0x123: {  	v9 =	vcvt.s32.f32 v9;
	v2 =	vsub.f32 v2, v7;
	v3 =	vsub.f32 v3, v8;
	v15 =	vld.idx.msk [tilespmem:v15+s6+$0x0], $0xffff  }
0x124: {  	v5 =	vsub.f32 v5, v12;
	v22 =	vadd.s32 v22, v27;
	v19 =	vld.idx.msk [tilespmem:v19+s6+$0x0], $0xffff;
	v17 =	vadd.s32 v17, v26  }
0x125: {  	v25 =	vtrunc.f32 v1;
	v21 =	vcvt.f32.s32 v23;
	v62 =	vand.u32 $0xFF, v22;
	v63 =	vld.idx.msk [tilespmem:v11+s19+$0x0], $0xffff  }
0x126: {  	v34 =	vmul.f32 $6.000000000e+00, v2;
	v44 =	vmul.f32 $6.000000000e+00, v3;
	v18 =	vadd.s32 v18, v62;
	v11 =	vld.idx.msk [tilespmem:v11+s20+$0x0], $0xffff  }
0x127: {  	v37 =	vmul.f32 v2, v2;
	v23 =	vcvt.f32.s32 v25;
	vm11 =	vlt.f32 v1, v25;
	v31 =	vld.idx.msk [tilespmem:v61+s19+$0x0], $0xffff  }
0x128: {  	v39 =	vadd.f32 $-1.000000000e+00, v2;
	v60 =	vsel vm11, $0xFFFFFFFF, v0;
	v41 =	vadd.s32 $0x1, v17;
	v25 =	vld.idx.msk [tilespmem:v61+s20+$0x0], $0xffff  }
0x129: {  	v21 =	vadd.s32 v21, v59;
	v23 =	vadd.s32 v23, v60;
	v24 =	vcvt.s32.f32 v24;
	v33 =	vld.idx.msk [tilespmem:v17+s19+$0x0], $0xffff  }
0x12a: {  	v8 =	vcvt.s32.f32 v22;
	v29 =	vand.u32 $0xFF, v23;
	v30 =	vadd.s32 $0x1, v18;
	v17 =	vld.idx.msk [tilespmem:v17+s20+$0x0], $0xffff  }
0x12b: {  	v4 =	vsub.f32 v4, v9;
	v28 =	vand.u32 $0xFF, v21;
	v20 =	vadd.s32 v20, v29;
	v50 =	vld.idx.msk [tilespmem:v18+s19+$0x0], $0xffff  }
0x12c: {  	v6 =	vsub.f32 v6, v24;
	v8 =	vsub.f32 v10, v8;
	v42 =	vadd.s32 $0x1, v20;
	v10 =	vld.idx.msk [tilespmem:v18+s20+$0x0], $0xffff  }
0x12d: {  	v43 =	vadd.f32 $-1.500000000e+01, v34;
	v48 =	vmul.f32 $6.000000000e+00, v4;
	v15 =	vadd.s32 v15, v28;
	v22 =	vld.idx.msk [tilespmem:v41+s19+$0x0], $0xffff  }
0x12e: {  	v52 =	vadd.f32 $-1.500000000e+01, v44;
	v46 =	vmul.f32 $6.000000000e+00, v6;
	v35 =	vadd.s32 $0x1, v15;
	v27 =	vld.idx.msk [tilespmem:v41+s20+$0x0], $0xffff  }
0x12f: {  	v59 =	vadd.f32 $-1.000000000e+00, v4;
	v21 =	vcvt.s32.f32 v21;
	v24 =	vmul.f32 v43, v2;
	v36 =	vld.idx.msk [tilespmem:v30+s19+$0x0], $0xffff  }
0x130: {  	v13 =	vadd.s32 v13, v62;
	v19 =	vadd.s32 v19, v28;
	v49 =	vadd.f32 $-1.500000000e+01, v46;
	v30 =	vld.idx.msk [tilespmem:v30+s20+$0x0], $0xffff  }
0x131: {  	v14 =	vsub.f32 v14, v21;
	v32 =	vadd.s32 $0x1, v13;
	v16 =	vadd.s32 v16, v29;
	v45 =	vld.idx.msk [tilespmem:v42+s19+$0x0], $0xffff  }
0x132: {  	v38 =	vadd.f32 $-1.000000000e+00, v6;
	v24 =	vadd.f32 $1.000000000e+01, v24;
	v51 =	vmul.f32 v49, v6;
	v28 =	vld.idx.msk [tilespmem:v42+s20+$0x0], $0xffff  }
0x133: {  	v56 =	vadd.f32 $-1.000000000e+00, v8;
	v18 =	vmul.f32 v6, v6;
	v21 =	vld.idx.msk [tilespmem:v35+s19+$0x0], $0xffff;
	v26 =	vmul.f32 v2, v63  }
0x134: {  	v7 =	vadd.s32 $0x1, v19;
	v53 =	vld.idx.msk [tilespmem:v35+s20+$0x0], $0xffff;
	v11 =	vmul.f32 v6, v11;
	v31 =	vmul.f32 v2, v31  }
0x135: {  	v60 =	vadd.f32 $-1.000000000e+00, v14;
	v54 =	vld.idx.msk [tilespmem:v19+s19+$0x0], $0xffff;
	v25 =	vmul.f32 v38, v25;
	v12 =	vmul.f32 v39, v33  }
0x136: {  	v62 =	vadd.f32 $-1.000000000e+00, v5;
	v42 =	vld.idx.msk [tilespmem:v15+s19+$0x0], $0xffff;
	v17 =	vmul.f32 v17, v6;
	v2 =	vmul.f32 v37, v2  }
0x137: {  	v29 =	vadd.s32 $0x1, v16;
	v15 =	vld.idx.msk [tilespmem:v15+s20+$0x0], $0xffff;
	v6 =	vmul.f32 v18, v6;
	v10 =	vmul.f32 v10, v8  }
0x138: {  	v18 =	vld.idx.msk [tilespmem:v19+s20+$0x0], $0xffff;
	v19 =	vadd.f32 $-1.000000000e+00, v3;
	v22 =	vmul.f32 v22, v39;
	v27 =	vmul.f32 v27, v38  }
0x139: {  	v9 =	vld.idx.msk [tilespmem:v7+s19+$0x0], $0xffff;
	v11 =	vadd.f32 v11, v26;
	v30 =	vmul.f32 v30, v56;
	v2 =	vmul.f32 v24, v2  }
0x13a: {  	v7 =	vld.idx.msk [tilespmem:v7+s20+$0x0], $0xffff;
	v25 =	vadd.f32 v25, v31;
	v58 =	vmul.f32 v36, v19;
	v33 =	vmul.f32 v45, v62  }
0x13b: {  	v63 =	vld.idx.msk [tilespmem:v13+s19+$0x0], $0xffff;
	v12 =	vadd.f32 v17, v12;
	v19 =	vmul.f32 v19, v50;
	v21 =	vmul.f32 v4, v21  }
0x13c: {  	v13 =	vld.idx.msk [tilespmem:v13+s20+$0x0], $0xffff;
	v24 =	vadd.f32 $1.000000000e+01, v51;
	v43 =	vmul.f32 v60, v53;
	v31 =	vmul.f32 v59, v54  }
0x13d: {  	v47 =	vld.idx.msk [tilespmem:v32+s19+$0x0], $0xffff;
	v44 =	vmul.f32 v4, v42;
	v15 =	vmul.f32 v14, v15;
	v17 =	vadd.f32 v27, v22  }
0x13e: {  	v55 =	vld.idx.msk [tilespmem:v29+s19+$0x0], $0xffff;
	v22 =	vcvt.s32.f32 v23;
	v9 =	vmul.f32 v9, v59;
	v27 =	vadd.f32 $-1.500000000e+01, v48  }
0x13f: {  	v57 =	vld.idx.msk [tilespmem:v29+s20+$0x0], $0xffff;
	v7 =	vmul.f32 v7, v60;
	v12 =	vsub.f32 v12, v11;
	v6 =	vmul.f32 v24, v6  }
0x140: {  	v61 =	vld.idx.msk [tilespmem:v20+s19+$0x0], $0xffff;
	v29 =	vadd.f32 v30, v58;
	v10 =	vadd.f32 v10, v19;
	v19 =	vmul.f32 v3, v63  }
0x141: {  	v20 =	vld.idx.msk [tilespmem:v20+s20+$0x0], $0xffff;
	v13 =	vmul.f32 v8, v13;
	v21 =	vadd.f32 v43, v21;
	v15 =	vadd.f32 v15, v44  }
0x142: {  	v23 =	vld.idx.msk [tilespmem:v32+s20+$0x0], $0xffff;
	v17 =	vsub.f32 v17, v25;
	v1 =	vsub.f32 v1, v22;
	v22 =	vmul.f32 v52, v3  }
0x143: {  	v7 =	vadd.f32 v7, v9;
	v9 =	vld.idx.msk [tilespmem:v16+s19+$0x0], $0xffff;
	v18 =	vmul.f32 v18, v14;
	v27 =	vmul.f32 v27, v4  }
0x144: {  	v16 =	vld.idx.msk [tilespmem:v16+s20+$0x0], $0xffff;
	v12 =	vmul.f32 v12, v2;
	v13 =	vadd.f32 v13, v19;
	v2 =	vmul.f32 v17, v2  }
0x145: {  	v19 =	vmul.f32 v4, v4;
	v17 =	vmul.f32 $6.000000000e+00, v5;
	v22 =	vadd.f32 $1.000000000e+01, v22  }
0x146: {  	v20 =	vmul.f32 v20, v1;
	v11 =	vadd.f32 v12, v11;
	v2 =	vadd.f32 v2, v25  }
0x147: {  	v18 =	vadd.f32 v18, v31;
	v45 =	vmul.f32 $6.000000000e+00, v1;
	v12 =	vmul.f32 v3, v47  }
0x148: {  	v23 =	vmul.f32 v56, v23;
	v4 =	vmul.f32 v19, v4;
	v2 =	vsub.f32 v2, v11  }
0x149: {  	v7 =	vsub.f32 v7, v21;
	v9 =	vmul.f32 v5, v9;
	v16 =	vmul.f32 v1, v16  }
0x14a: {  	v10 =	vsub.f32 v10, v13;
	v6 =	vmul.f32 v2, v6;
	v2 =	vadd.f32 $-1.000000000e+00, v1  }
0x14b: {  	v25 =	vmul.f32 v5, v55;
	v12 =	vadd.f32 v23, v12;
	v9 =	vadd.f32 v16, v9  }
0x14c: {  	v16 =	vadd.f32 $1.000000000e+01, v27;
	v41 =	vmul.f32 v28, v2;
	v2 =	vmul.f32 v2, v57  }
0x14d: {  	v17 =	vadd.f32 $-1.500000000e+01, v17;
	v23 =	vmul.f32 v62, v61;
	v19 =	vsub.f32 v29, v12  }
0x14e: {  	v4 =	vmul.f32 v16, v4;
	v16 =	vsub.f32 v18, v15;
	v25 =	vadd.f32 v2, v25  }
0x14f: {  	v2 =	vmul.f32 v17, v5;
	v17 =	vadd.f32 v20, v23;
	v20 =	vmul.f32 v3, v3  }
0x150: {  	v6 =	vadd.f32 v6, v11;
	v7 =	vmul.f32 v7, v4;
	v23 =	vmul.f32 v5, v5  }
0x151: {  	v4 =	vmul.f32 v16, v4;
	v24 =	vadd.f32 v41, v33;
	v3 =	vmul.f32 v20, v3  }
0x152: {  	v2 =	vadd.f32 $1.000000000e+01, v2;
	v5 =	vmul.f32 v23, v5;
	v20 =	vmul.f32 $6.000000000e+00, v8  }
0x153: {  	v7 =	vadd.f32 v7, v21;
	v23 =	vmul.f32 $6.000000000e+00, v14;
	v3 =	vmul.f32 v22, v3  }
0x154: {  	v24 =	vsub.f32 v24, v25;
	v17 =	vsub.f32 v17, v9;
	v2 =	vmul.f32 v2, v5  }
0x155: {  	v5 =	vadd.f32 $-1.500000000e+01, v20;
	v18 =	vmul.f32 v19, v3;
	v19 =	vadd.f32 $-1.500000000e+01, v23  }
0x156: {  	s26 =	simm.s32 $0x40;
	s30 =	simm.s32 $0x80;
	v20 =	vmul.f32 v24, v2;
	v3 =	vmul.f32 v10, v3;
	v10 =	vadd.f32 $-1.500000000e+01, v45  }
0x157: {  	s3 =	sand.u32 $0x3F00, s30;
	s0 =	sand.u32 $0x40, s26;
	v5 =	vmul.f32 v5, v8;
	v16 =	vmul.f32 v17, v2;
	v2 =	vadd.f32 v4, v15  }
0x158: {  	s29 =	sor.u32 s0, s3;
	v12 =	vadd.f32 v18, v12;
	v17 =	vmul.f32 v19, v14;
	v10 =	vmul.f32 v10, v1  }
0x159: {  	v15 =	vld [tilespmem:s29+$0x6B0];
	v18 =	vmul.f32 v8, v8;
	v13 =	vadd.f32 v3, v13;
	v3 =	vmul.f32 v14, v14  }
0x15a: {  	v19 =	vmul.f32 v1, v1;
	v5 =	vadd.f32 $1.000000000e+01, v5;
	v7 =	vsub.f32 v7, v2  }
0x15b: {  	v4 =	vmul.f32 v18, v8;
	v8 =	vadd.f32 $1.000000000e+01, v17;
	v17 =	vld [tilespmem:s29+$0x680];
	v3 =	vmul.f32 v3, v14  }
0x15c: {  	v14 =	vmul.f32 v19, v1;
	v10 =	vadd.f32 $1.000000000e+01, v10;
	v18 =	vld [tilespmem:s29+$0x690];
	v19 =	vadd.f32 v20, v25  }
0x15d: {  	v20 =	vld [tilespmem:s29+$0x6A0];
	v1 =	vadd.f32 v16, v9;
	v5 =	vmul.f32 v5, v4;
	v3 =	vmul.f32 v8, v3  }
0x15e: {  	v12 =	vsub.f32 v12, v13;
	v4 =	vmul.f32 v10, v14;
	v8 =	vtrunc.f32 v15  }
0x15f: {  	v9 =	vsub.f32 v19, v1;
	v10 =	vcvt.f32.s32 v8;
	vm12 =	vlt.f32 v15, v8  }
0x160: {  	v19 =	vld [tilespmem:s29+$0x46B0];
	v5 =	vmul.f32 v12, v5;
	v3 =	vmul.f32 v7, v3;
	v12 =	vsel vm12, $0xFFFFFFFF, v0  }
0x161: {  	v7 =	vtrunc.f32 v17;
	v11 =	vtrunc.f32 v18;
	v10 =	vadd.s32 v10, v12  }
0x162: {  	v8 =	vcvt.f32.s32 v7;
	vm13 =	vlt.f32 v17, v7;
	v7 =	vtrunc.f32 v20  }
0x163: {  	v16 =	vcvt.f32.s32 v7;
	vm15 =	vlt.f32 v20, v7;
	v7 =	vand.u32 $0xFF, v10  }
0x164: {  	v12 =	vcvt.f32.s32 v11;
	vm14 =	vlt.f32 v18, v11  }
0x165: {  	v11 =	vsel vm13, $0xFFFFFFFF, v0;
	v22 =	vsel vm14, $0xFFFFFFFF, v0;
	v51 =	vtrunc.f32 v19  }
0x166: {  	v23 =	vsel vm15, $0xFFFFFFFF, v0;
	v8 =	vadd.s32 v8, v11;
	v46 =	vadd.s32 $0x1, v7  }
0x167: {  	v24 =	vld [tilespmem:s29+$0x46A0];
	v11 =	vadd.s32 v12, v22;
	v12 =	vadd.s32 v16, v23;
	v16 =	vand.u32 $0xFF, v8  }
0x168: {  	vm4 =	vlt.f32 v19, v51;
	v22 =	vand.u32 $0xFF, v11;
	v52 =	vld.idx.msk [tilespmem:v7+s6+$0x0], $0xffff  }
0x169: {  	v14 =	vld [tilespmem:s29+$0x4680];
	v47 =	vadd.s32 $0x1, v16;
	v7 =	vadd.f32 v5, v13;
	v13 =	vcvt.f32.s32 v51  }
0x16a: {  	v21 =	vld [tilespmem:s29+$0x4690];
	v55 =	vsel vm4, $0xFFFFFFFF, v0;
	v48 =	vadd.s32 $0x1, v22  }
0x16b: {  	v23 =	vand.u32 $0xFF, v12;
	v25 =	vld.idx.msk [tilespmem:v46+s6+$0x0], $0xffff;
	v13 =	vadd.s32 v13, v55  }
0x16c: {  	v54 =	vtrunc.f32 v24;
	v49 =	vadd.s32 $0x1, v23;
	v16 =	vld.idx.msk [tilespmem:v16+s6+$0x0], $0xffff;
	v33 =	vand.u32 $0xFF, v13  }
0x16d: {  	vm7 =	vlt.f32 v24, v54;
	v22 =	vld.idx.msk [tilespmem:v22+s6+$0x0], $0xffff;
	v31 =	vadd.s32 v52, v33  }
0x16e: {  	v59 =	vsel vm7, $0xFFFFFFFF, v0;
	v4 =	vmul.f32 v9, v4;
	v50 =	vtrunc.f32 v14;
	v26 =	vld.idx.msk [tilespmem:v47+s6+$0x0], $0xffff  }
0x16f: {  	v10 =	vcvt.s32.f32 v10;
	vm5 =	vlt.f32 v14, v50;
	v27 =	vld.idx.msk [tilespmem:v48+s6+$0x0], $0xffff;
	v60 =	vadd.s32 $0x1, v31  }
0x170: {  	v53 =	vcvt.f32.s32 v50;
	v57 =	vsel vm5, $0xFFFFFFFF, v0;
	v8 =	vcvt.s32.f32 v8;
	v23 =	vld.idx.msk [tilespmem:v23+s6+$0x0], $0xffff  }
0x171: {  	v11 =	vcvt.s32.f32 v11;
	v5 =	vtrunc.f32 v21;
	v28 =	vld.idx.msk [tilespmem:v49+s6+$0x0], $0xffff;
	v25 =	vadd.s32 v25, v33  }
0x172: {  	v30 =	vadd.s32 v53, v57;
	v56 =	vcvt.f32.s32 v5;
	vm6 =	vlt.f32 v21, v5;
	v63 =	vld.idx.msk [tilespmem:v31+s19+$0x0], $0xffff  }
0x173: {  	v34 =	vand.u32 $0xFF, v30;
	v58 =	vsel vm6, $0xFFFFFFFF, v0;
	v48 =	vadd.s32 $0x1, v25;
	v31 =	vld.idx.msk [tilespmem:v31+s20+$0x0], $0xffff  }
0x174: {  	v5 =	vcvt.f32.s32 v54;
	v29 =	vadd.s32 v56, v58;
	v16 =	vadd.s32 v16, v34;
	v51 =	vld.idx.msk [tilespmem:v60+s19+$0x0], $0xffff  }
0x175: {  	v10 =	vsub.f32 v15, v10;
	v61 =	vand.u32 $0xFF, v29;
	v52 =	vadd.s32 $0x1, v16;
	v32 =	vld.idx.msk [tilespmem:v60+s20+$0x0], $0xffff  }
0x176: {  	v12 =	vcvt.s32.f32 v12;
	v5 =	vadd.s32 v5, v59;
	v27 =	vadd.s32 v27, v61;
	v53 =	vld.idx.msk [tilespmem:v25+s19+$0x0], $0xffff  }
0x177: {  	v41 =	vmul.f32 $6.000000000e+00, v10;
	v17 =	vsub.f32 v17, v8;
	v62 =	vand.u32 $0xFF, v5;
	v25 =	vld.idx.msk [tilespmem:v25+s20+$0x0], $0xffff  }
0x178: {  	v8 =	vcvt.s32.f32 v30;
	v11 =	vsub.f32 v18, v11;
	v23 =	vadd.s32 v23, v62;
	v54 =	vld.idx.msk [tilespmem:v48+s19+$0x0], $0xffff  }
0x179: {  	v44 =	vmul.f32 v10, v10;
	v12 =	vsub.f32 v20, v12;
	v26 =	vadd.s32 v26, v34;
	v18 =	vld.idx.msk [tilespmem:v48+s20+$0x0], $0xffff  }
0x17a: {  	v55 =	vmul.f32 $6.000000000e+00, v17;
	v13 =	vcvt.s32.f32 v13;
	v49 =	vadd.s32 $0x1, v26;
	v58 =	vld.idx.msk [tilespmem:v52+s19+$0x0], $0xffff  }
0x17b: {  	v46 =	vadd.f32 $-1.000000000e+00, v10;
	v59 =	vmul.f32 $6.000000000e+00, v11;
	v56 =	vcvt.s32.f32 v5;
	v48 =	vld.idx.msk [tilespmem:v27+s19+$0x0], $0xffff  }
0x17c: {  	v13 =	vsub.f32 v19, v13;
	v50 =	vadd.s32 $0x1, v27;
	v28 =	vadd.s32 v28, v62;
	v27 =	vld.idx.msk [tilespmem:v27+s20+$0x0], $0xffff  }
0x17d: {  	v19 =	vadd.f32 $-1.500000000e+01, v41;
	v22 =	vadd.s32 v22, v61;
	v15 =	vadd.s32 $0x1, v28;
	v41 =	vld.idx.msk [tilespmem:v23+s19+$0x0], $0xffff  }
0x17e: {  	v57 =	vmul.f32 $6.000000000e+00, v13;
	v40 =	vadd.s32 $0x1, v22;
	v42 =	vadd.s32 $0x1, v23;
	v23 =	vld.idx.msk [tilespmem:v23+s20+$0x0], $0xffff  }
0x17f: {  	v29 =	vcvt.s32.f32 v29;
	v5 =	vsub.f32 v14, v8;
	v24 =	vsub.f32 v24, v56;
	v43 =	vld.idx.msk [tilespmem:v49+s19+$0x0], $0xffff  }
0x180: {  	v56 =	vadd.f32 $-1.000000000e+00, v11;
	v19 =	vmul.f32 v19, v10;
	v38 =	vadd.f32 $-1.500000000e+01, v57;
	v37 =	vld.idx.msk [tilespmem:v49+s20+$0x0], $0xffff  }
0x181: {  	v45 =	vadd.f32 $-1.000000000e+00, v13;
	v61 =	vmul.f32 v13, v13;
	v60 =	vmul.f32 $6.000000000e+00, v12;
	v20 =	vld.idx.msk [tilespmem:v50+s19+$0x0], $0xffff  }
0x182: {  	v19 =	vadd.f32 $1.000000000e+01, v19;
	v62 =	vmul.f32 v38, v13;
	v33 =	vmul.f32 v10, v63;
	v36 =	vld.idx.msk [tilespmem:v15+s19+$0x0], $0xffff  }
0x183: {  	v49 =	vadd.f32 $-1.500000000e+01, v59;
	v31 =	vmul.f32 v13, v31;
	v63 =	vld.idx.msk [tilespmem:v40+s19+$0x0], $0xffff;
	v39 =	vmul.f32 v10, v51  }
0x184: {  	v32 =	vmul.f32 v45, v32;
	v14 =	vmul.f32 v46, v53;
	v51 =	vadd.f32 $-1.500000000e+01, v60;
	v60 =	vld.idx.msk [tilespmem:v16+s19+$0x0], $0xffff  }
0x185: {  	v59 =	vadd.f32 $-1.000000000e+00, v12;
	v25 =	vmul.f32 v25, v13;
	v10 =	vmul.f32 v44, v10;
	v16 =	vld.idx.msk [tilespmem:v16+s20+$0x0], $0xffff  }
0x186: {  	v13 =	vmul.f32 v61, v13;
	v53 =	vadd.f32 $-1.000000000e+00, v5;
	v61 =	vld.idx.msk [tilespmem:v22+s19+$0x0], $0xffff;
	v30 =	vmul.f32 v54, v46  }
0x187: {  	v22 =	vld.idx.msk [tilespmem:v22+s20+$0x0], $0xffff;
	v18 =	vmul.f32 v18, v45;
	v31 =	vadd.f32 v31, v33;
	v32 =	vadd.f32 v32, v39  }
0x188: {  	v39 =	vld.idx.msk [tilespmem:v26+s19+$0x0], $0xffff;
	v19 =	vmul.f32 v19, v10;
	v10 =	vsub.f32 v21, v29;
	v33 =	vmul.f32 v17, v58  }
0x189: {  	v21 =	vld.idx.msk [tilespmem:v26+s20+$0x0], $0xffff;
	v29 =	vadd.f32 $1.000000000e+01, v62;
	v26 =	vmul.f32 v49, v11;
	v23 =	vmul.f32 v24, v23  }
0x18a: {  	v8 =	vld.idx.msk [tilespmem:v50+s20+$0x0], $0xffff;
	v14 =	vadd.f32 v25, v14;
	v49 =	vmul.f32 v11, v11;
	v37 =	vmul.f32 v37, v53  }
0x18b: {  	v34 =	vld.idx.msk [tilespmem:v40+s20+$0x0], $0xffff;
	v18 =	vadd.f32 v18, v30;
	v20 =	vmul.f32 v20, v56;
	v13 =	vmul.f32 v29, v13  }
0x18c: {  	v14 =	vsub.f32 v14, v31;
	v36 =	vmul.f32 v36, v59;
	v63 =	vmul.f32 v11, v63  }
0x18d: {  	v58 =	vld.idx.msk [tilespmem:v28+s19+$0x0], $0xffff;
	v57 =	vadd.f32 $-1.000000000e+00, v10;
	v27 =	vmul.f32 v27, v10;
	v46 =	vmul.f32 v17, v60  }
0x18e: {  	v28 =	vld.idx.msk [tilespmem:v28+s20+$0x0], $0xffff;
	v18 =	vsub.f32 v18, v32;
	v16 =	vmul.f32 v5, v16;
	v22 =	vmul.f32 v10, v22  }
0x18f: {  	v50 =	vadd.f32 $-1.000000000e+00, v17;
	v14 =	vmul.f32 v14, v19;
	v47 =	vmul.f32 v8, v57  }
0x190: {  	v34 =	vmul.f32 v57, v34;
	v18 =	vmul.f32 v18, v19  }
0x191: {  	v19 =	vadd.f32 $-1.500000000e+01, v55;
	v55 =	vmul.f32 v43, v50;
	v62 =	vmul.f32 v50, v39  }
0x192: {  	v25 =	vld.idx.msk [tilespmem:v52+s20+$0x0], $0xffff;
	v21 =	vmul.f32 v21, v5;
	v43 =	vmul.f32 v56, v48  }
0x193: {  	v52 =	vld.idx.msk [tilespmem:v42+s19+$0x0], $0xffff;
	v26 =	vadd.f32 $1.000000000e+01, v26;
	v45 =	vmul.f32 v59, v58;
	v28 =	vmul.f32 v28, v24  }
0x194: {  	v48 =	vmul.f32 v17, v17;
	v16 =	vadd.f32 v16, v46;
	v50 =	vmul.f32 v12, v12  }
0x195: {  	v59 =	vmul.f32 v5, v5;
	v14 =	vadd.f32 v14, v31;
	v20 =	vadd.f32 v47, v20  }
0x196: {  	v30 =	vadd.f32 v34, v63;
	v47 =	vmul.f32 v12, v41;
	v31 =	vmul.f32 v51, v12  }
0x197: {  	v18 =	vadd.f32 v18, v32;
	v19 =	vmul.f32 v19, v17;
	v21 =	vadd.f32 v21, v62  }
0x198: {  	v15 =	vld.idx.msk [tilespmem:v15+s20+$0x0], $0xffff;
	v32 =	vmul.f32 v12, v52;
	v27 =	vadd.f32 v27, v43;
	v28 =	vadd.f32 v28, v45  }
0x199: {  	v54 =	vld.idx.msk [tilespmem:v42+s20+$0x0], $0xffff;
	v17 =	vmul.f32 v48, v17;
	v12 =	vmul.f32 v50, v12;
	v18 =	vsub.f32 v18, v14  }
0x19a: {  	v52 =	vmul.f32 $6.000000000e+00, v5;
	v23 =	vadd.f32 v23, v47;
	v51 =	vadd.f32 $1.000000000e+01, v31  }
0x19b: {  	v20 =	vsub.f32 v20, v30;
	v19 =	vadd.f32 $1.000000000e+01, v19;
	v13 =	vmul.f32 v18, v13  }
0x19c: {  	v21 =	vsub.f32 v21, v16;
	v56 =	vmul.f32 v51, v12;
	v18 =	vadd.f32 $-1.000000000e+00, v24  }
0x19d: {  	v17 =	vmul.f32 v19, v17;
	v8 =	vadd.f32 v13, v14;
	v13 =	vmul.f32 v53, v25  }
0x19e: {  	s4 =	simm.s32 $0x100;
	s3 =	simm.s32 $0x80;
	v12 =	vadd.f32 v3, v2;
	v14 =	vmul.f32 v15, v18;
	v18 =	vmul.f32 v18, v54  }
0x19f: {  	s8 =	sand.u32 $0x3F00, s4;
	s31 =	sand.u32 $0x40, s3;
	v15 =	vadd.f32 v37, v55;
	v25 =	vmul.f32 v11, v61;
	v11 =	vmul.f32 v49, v11  }
0x1a0: {  	s0 =	sor.u32 s31, s8;
	v53 =	vmul.f32 $6.000000000e+00, v10;
	v55 =	vsub.f32 v28, v23;
	v14 =	vadd.f32 v14, v36  }
0x1a1: {  	v54 =	vmul.f32 $6.000000000e+00, v24;
	v37 =	vld [tilespmem:s0+$0x4690];
	v13 =	vadd.f32 v13, v33;
	v18 =	vadd.f32 v18, v32  }
0x1a2: {  	v2 =	vmul.f32 v21, v17;
	v22 =	vadd.f32 v22, v25;
	v25 =	vadd.f32 $-1.500000000e+01, v52  }
0x1a3: {  	v11 =	vmul.f32 v26, v11;
	v57 =	vadd.f32 $-1.500000000e+01, v53;
	v58 =	vadd.f32 $-1.500000000e+01, v54  }
0x1a4: {  	v61 =	vmul.f32 v10, v10;
	v15 =	vsub.f32 v15, v13;
	v14 =	vsub.f32 v14, v18  }
0x1a5: {  	v19 =	vsub.f32 v27, v22;
	v20 =	vmul.f32 v20, v11;
	v21 =	vmul.f32 v58, v24  }
0x1a6: {  	v60 =	vadd.f32 v2, v16;
	v54 =	vtrunc.f32 v37;
	v15 =	vmul.f32 v15, v17  }
0x1a7: {  	v14 =	vmul.f32 v14, v56;
	v11 =	vmul.f32 v19, v11;
	v17 =	vadd.f32 v20, v30  }
0x1a8: {  	v16 =	vld [tilespmem:s0+$0x680];
	v19 =	vmul.f32 v55, v56;
	v20 =	vmul.f32 v57, v10;
	v21 =	vadd.f32 $1.000000000e+01, v21  }
0x1a9: {  	vm14 =	vlt.f32 v37, v54;
	v3 =	vadd.f32 v15, v13;
	v14 =	vadd.f32 v14, v18;
	v18 =	vld [tilespmem:s0+$0x6B0]  }
0x1aa: {  	v15 =	vmul.f32 v25, v5;
	v13 =	vadd.f32 v11, v22;
	v22 =	vmul.f32 v24, v24;
	v11 =	vld [tilespmem:s0+$0x690]  }
0x1ab: {  	v2 =	vadd.f32 v19, v23;
	v19 =	vadd.f32 $1.000000000e+01, v20;
	v20 =	vmul.f32 v61, v10  }
0x1ac: {  	v5 =	vmul.f32 v59, v5;
	v10 =	vld [tilespmem:s0+$0x6A0];
	v59 =	vcvt.f32.s32 v54;
	v15 =	vadd.f32 $1.000000000e+01, v15  }
0x1ad: {  	v22 =	vmul.f32 v22, v24;
	v23 =	vsub.f32 v3, v60;
	v19 =	vmul.f32 v19, v20  }
0x1ae: {  	v63 =	vsub.f32 v17, v13;
	v20 =	vld [tilespmem:s0+$0x46A0];
	v15 =	vmul.f32 v15, v5;
	v5 =	vtrunc.f32 v16  }
0x1af: {  	v3 =	vtrunc.f32 v18;
	v40 =	vtrunc.f32 v11;
	vm9 =	vlt.f32 v16, v5  }
0x1b0: {  	v62 =	vcvt.f32.s32 v3;
	vm8 =	vlt.f32 v18, v3;
	v3 =	vcvt.f32.s32 v5  }
0x1b1: {  	v5 =	vtrunc.f32 v10;
	vm10 =	vlt.f32 v11, v40;
	v42 =	vsel vm9, $0xFFFFFFFF, v0  }
0x1b2: {  	v15 =	vmul.f32 v23, v15;
	v17 =	vsel vm8, $0xFFFFFFFF, v0;
	v43 =	vcvt.f32.s32 v5  }
0x1b3: {  	vm11 =	vlt.f32 v10, v5;
	v57 =	vtrunc.f32 v20;
	v24 =	vadd.s32 v62, v17  }
0x1b4: {  	v17 =	vcvt.f32.s32 v40;
	v27 =	vadd.s32 v3, v42;
	v3 =	vsel vm10, $0xFFFFFFFF, v0  }
0x1b5: {  	v29 =	vld [tilespmem:s0+$0x46B0];
	v5 =	vsel vm11, $0xFFFFFFFF, v0;
	v15 =	vadd.f32 v15, v60;
	v41 =	vand.u32 $0xFF, v24  }
0x1b6: {  	v60 =	vcvt.f32.s32 v57;
	vm15 =	vlt.f32 v20, v57;
	v44 =	vand.u32 $0xFF, v27  }
0x1b7: {  	v30 =	vadd.s32 v43, v5;
	v5 =	vsub.f32 v14, v2;
	v14 =	vmul.f32 v63, v19  }
0x1b8: {  	v36 =	vsel vm15, $0xFFFFFFFF, v0;
	v27 =	vcvt.s32.f32 v27;
	v24 =	vcvt.s32.f32 v24  }
0x1b9: {  	v32 =	vadd.s32 v17, v3;
	v46 =	vadd.s32 $0x1, v41;
	v47 =	vand.u32 $0xFF, v30  }
0x1ba: {  	v48 =	vadd.s32 $0x1, v44;
	v3 =	vtrunc.f32 v29;
	v26 =	vadd.s32 v60, v36;
	v28 =	vld.idx.msk [tilespmem:v41+s6+$0x0], $0xffff  }
0x1bb: {  	v17 =	vld [tilespmem:s0+$0x4680];
	v30 =	vcvt.s32.f32 v30;
	v50 =	vcvt.f32.s32 v3;
	vm12 =	vlt.f32 v29, v3  }
0x1bc: {  	v45 =	vand.u32 $0xFF, v32;
	v51 =	vadd.s32 $0x1, v47;
	v52 =	vsel vm12, $0xFFFFFFFF, v0  }
0x1bd: {  	v3 =	vmul.f32 v21, v22;
	v32 =	vcvt.s32.f32 v32;
	v22 =	vadd.s32 v50, v52;
	v21 =	vld.idx.msk [tilespmem:v44+s6+$0x0], $0xffff  }
0x1be: {  	v18 =	vsub.f32 v18, v24;
	v49 =	vadd.s32 $0x1, v45;
	v23 =	vand.u32 $0xFF, v22;
	v9 =	vld.idx.msk [tilespmem:v46+s6+$0x0], $0xffff  }
0x1bf: {  	v27 =	vsub.f32 v16, v27;
	v30 =	vsub.f32 v10, v30;
	v53 =	vld.idx.msk [tilespmem:v48+s6+$0x0], $0xffff;
	v28 =	vadd.s32 v28, v23  }
0x1c0: {  	v57 =	vadd.f32 $-1.000000000e+00, v18;
	v22 =	vcvt.s32.f32 v22;
	v19 =	vtrunc.f32 v17;
	v35 =	vld.idx.msk [tilespmem:v47+s6+$0x0], $0xffff  }
0x1c1: {  	v55 =	vcvt.f32.s32 v19;
	vm13 =	vlt.f32 v17, v19;
	v19 =	vld.idx.msk [tilespmem:v51+s6+$0x0], $0xffff;
	v58 =	vadd.s32 $0x1, v28  }
0x1c2: {  	v60 =	vmul.f32 v18, v18;
	v32 =	vsub.f32 v11, v32;
	v33 =	vld.idx.msk [tilespmem:v45+s6+$0x0], $0xffff;
	v61 =	vsel vm13, $0xFFFFFFFF, v0  }
0x1c3: {  	v22 =	vsub.f32 v29, v22;
	v56 =	vld.idx.msk [tilespmem:v49+s6+$0x0], $0xffff;
	v31 =	vadd.s32 v55, v61;
	v9 =	vadd.s32 v9, v23  }
0x1c4: {  	v49 =	vand.u32 $0xFF, v26;
	v26 =	vcvt.s32.f32 v26;
	v47 =	vand.u32 $0xFF, v31;
	v62 =	vld.idx.msk [tilespmem:v28+s19+$0x0], $0xffff  }
0x1c5: {  	v55 =	vmul.f32 $6.000000000e+00, v18;
	v25 =	vadd.s32 v53, v47;
	v63 =	vadd.s32 $0x1, v9;
	v28 =	vld.idx.msk [tilespmem:v28+s20+$0x0], $0xffff  }
0x1c6: {  	v11 =	vmul.f32 v22, v22;
	v16 =	vcvt.s32.f32 v31;
	v52 =	vadd.s32 $0x1, v25;
	v48 =	vld.idx.msk [tilespmem:v58+s19+$0x0], $0xffff  }
0x1c7: {  	v23 =	vsel vm14, $0xFFFFFFFF, v0;
	v21 =	vadd.s32 v21, v47;
	v35 =	vadd.s32 v35, v49;
	v38 =	vld.idx.msk [tilespmem:v58+s20+$0x0], $0xffff  }
0x1c8: {  	v11 =	vmul.f32 v11, v22;
	v23 =	vadd.s32 v59, v23;
	v19 =	vadd.s32 v19, v49;
	v50 =	vld.idx.msk [tilespmem:v9+s19+$0x0], $0xffff  }
0x1c9: {  	v61 =	vadd.s32 $0x1, v21;
	v10 =	vsub.f32 v17, v16;
	v39 =	vand.u32 $0xFF, v23;
	v9 =	vld.idx.msk [tilespmem:v9+s20+$0x0], $0xffff  }
0x1ca: {  	v34 =	vadd.s32 v56, v39;
	v33 =	vadd.s32 v33, v39;
	v39 =	vadd.f32 $-1.500000000e+01, v55;
	v51 =	vld.idx.msk [tilespmem:v63+s19+$0x0], $0xffff  }
0x1cb: {  	v23 =	vcvt.s32.f32 v23;
	v56 =	vadd.f32 $-1.000000000e+00, v22;
	v58 =	vadd.s32 $0x1, v19;
	v59 =	vld.idx.msk [tilespmem:v52+s19+$0x0], $0xffff  }
0x1cc: {  	v55 =	vadd.f32 $-1.000000000e+00, v10;
	v39 =	vmul.f32 v39, v18;
	v44 =	vld.idx.msk [tilespmem:v52+s20+$0x0], $0xffff;
	v52 =	vmul.f32 $6.000000000e+00, v32  }
0x1cd: {  	v53 =	vadd.s32 $0x1, v34;
	v54 =	vld.idx.msk [tilespmem:v63+s20+$0x0], $0xffff;
	v41 =	vmul.f32 v18, v62;
	v28 =	vmul.f32 v22, v28  }
0x1ce: {  	v63 =	vadd.s32 $0x1, v33;
	v62 =	vmul.f32 $6.000000000e+00, v22;
	v40 =	vmul.f32 v18, v48  }
0x1cf: {  	v49 =	vld.idx.msk [tilespmem:v61+s19+$0x0], $0xffff;
	v39 =	vadd.f32 $1.000000000e+01, v39;
	v38 =	vmul.f32 v56, v38;
	v36 =	vmul.f32 v57, v50  }
0x1d0: {  	v9 =	vmul.f32 v9, v22;
	v18 =	vmul.f32 v60, v18;
	v43 =	vld.idx.msk [tilespmem:v58+s20+$0x0], $0xffff;
	v50 =	vadd.s32 $0x1, v35  }
0x1d1: {  	v24 =	vmul.f32 v51, v57;
	v28 =	vadd.f32 v28, v41;
	v48 =	vadd.f32 $-1.500000000e+01, v62;
	v51 =	vld.idx.msk [tilespmem:v25+s19+$0x0], $0xffff  }
0x1d2: {  	v29 =	vmul.f32 v54, v56;
	v25 =	vld.idx.msk [tilespmem:v25+s20+$0x0], $0xffff;
	v54 =	vadd.f32 $-1.000000000e+00, v27;
	v62 =	vadd.f32 $-1.000000000e+00, v30  }
0x1d3: {  	v16 =	vld.idx.msk [tilespmem:v63+s19+$0x0], $0xffff;
	v56 =	vmul.f32 $6.000000000e+00, v30;
	v38 =	vadd.f32 v38, v40;
	v9 =	vadd.f32 v9, v36  }
0x1d4: {  	v41 =	vld.idx.msk [tilespmem:v61+s20+$0x0], $0xffff;
	v18 =	vmul.f32 v39, v18;
	v39 =	vmul.f32 v27, v49;
	v24 =	vadd.f32 v29, v24  }
0x1d5: {  	v61 =	vld.idx.msk [tilespmem:v19+s19+$0x0], $0xffff;
	v31 =	vmul.f32 v48, v22;
	v22 =	vmul.f32 $6.000000000e+00, v27;
	v9 =	vsub.f32 v9, v28  }
0x1d6: {  	v29 =	vld.idx.msk [tilespmem:v58+s19+$0x0], $0xffff;
	v57 =	vmul.f32 v59, v54;
	v58 =	vmul.f32 v44, v55;
	v49 =	vadd.f32 $-1.500000000e+01, v56  }
0x1d7: {  	v48 =	vld.idx.msk [tilespmem:v21+s19+$0x0], $0xffff;
	v56 =	vmul.f32 v30, v30;
	v24 =	vsub.f32 v24, v38;
	v9 =	vmul.f32 v9, v18  }
0x1d8: {  	v21 =	vld.idx.msk [tilespmem:v21+s20+$0x0], $0xffff;
	v22 =	vadd.f32 $-1.500000000e+01, v22;
	v25 =	vmul.f32 v25, v10;
	v16 =	vmul.f32 v32, v16  }
0x1d9: {  	v31 =	vadd.f32 $1.000000000e+01, v31;
	v18 =	vmul.f32 v24, v18;
	v24 =	vmul.f32 v54, v51  }
0x1da: {  	v19 =	vld.idx.msk [tilespmem:v19+s20+$0x0], $0xffff;
	v22 =	vmul.f32 v22, v27;
	v28 =	vadd.f32 v9, v28;
	v9 =	vsub.f32 v37, v23  }
0x1db: {  	v45 =	vld.idx.msk [tilespmem:v53+s20+$0x0], $0xffff;
	v23 =	vmul.f32 v31, v11;
	v11 =	vsub.f32 v20, v26;
	v26 =	vadd.f32 v58, v57  }
0x1dc: {  	v17 =	vld.idx.msk [tilespmem:v63+s20+$0x0], $0xffff;
	v31 =	vadd.f32 $-1.500000000e+01, v52;
	v29 =	vmul.f32 v29, v62;
	v52 =	vmul.f32 v62, v61  }
0x1dd: {  	v59 =	vld.idx.msk [tilespmem:v50+s20+$0x0], $0xffff;
	v21 =	vmul.f32 v10, v21;
	v57 =	vmul.f32 $6.000000000e+00, v10;
	v18 =	vadd.f32 v18, v38  }
0x1de: {  	v51 =	vld.idx.msk [tilespmem:v35+s19+$0x0], $0xffff;
	v38 =	vmul.f32 v55, v41;
	v22 =	vadd.f32 $1.000000000e+01, v22;
	v24 =	vadd.f32 v25, v24  }
0x1df: {  	v35 =	vld.idx.msk [tilespmem:v35+s20+$0x0], $0xffff;
	v55 =	vmul.f32 v27, v27;
	v60 =	vadd.f32 $-1.000000000e+00, v9;
	v19 =	vmul.f32 v19, v11  }
0x1e0: {  	v40 =	vld.idx.msk [tilespmem:v53+s19+$0x0], $0xffff;
	v63 =	vadd.f32 $-1.000000000e+00, v11;
	v31 =	vmul.f32 v31, v32;
	v58 =	vmul.f32 $6.000000000e+00, v9  }
0x1e1: {  	v20 =	vld.idx.msk [tilespmem:v34+s20+$0x0], $0xffff;
	v18 =	vsub.f32 v18, v28;
	v45 =	vmul.f32 v45, v60;
	v17 =	vmul.f32 v60, v17  }
0x1e2: {  	[tilespmem:s29+$0x86B0] =	vst v8;
	v53 =	vld.idx.msk [tilespmem:v34+s19+$0x0], $0xffff;
	v8 =	vadd.f32 $-1.500000000e+01, v57;
	v43 =	vmul.f32 v43, v63;
	v37 =	vmul.f32 v63, v59  }
0x1e3: {  	v38 =	vadd.f32 v38, v39;
	v36 =	vmul.f32 v30, v51;
	v18 =	vmul.f32 v18, v23;
	v23 =	vld.idx.msk [tilespmem:v50+s19+$0x0], $0xffff  }
0x1e4: {  	v35 =	vmul.f32 v11, v35;
	v25 =	vadd.f32 v19, v52;
	v31 =	vadd.f32 $1.000000000e+01, v31;
	v50 =	vld.idx.msk [tilespmem:v33+s19+$0x0], $0xffff  }
0x1e5: {  	v60 =	vmul.f32 $6.000000000e+00, v11;
	v33 =	vld.idx.msk [tilespmem:v33+s20+$0x0], $0xffff;
	v28 =	vadd.f32 v18, v28;
	v18 =	vadd.f32 $-1.000000000e+00, v32  }
0x1e6: {  	v63 =	vadd.f32 v14, v13;
	v14 =	vmul.f32 v8, v10;
	v20 =	vmul.f32 v20, v9  }
0x1e7: {  	v26 =	vsub.f32 v26, v38;
	v29 =	vadd.f32 v43, v29;
	v40 =	vmul.f32 v40, v18  }
0x1e8: {  	v54 =	vadd.f32 v17, v16;
	v18 =	vmul.f32 v18, v53;
	v53 =	vmul.f32 v27, v48  }
0x1e9: {  	[tilespmem:s28+$0x8690] =	vst v12;
	v12 =	vadd.f32 $-1.500000000e+01, v60;
	v27 =	vmul.f32 v55, v27;
	v23 =	vmul.f32 v30, v23  }
0x1ea: {  	v16 =	vmul.f32 v32, v50;
	v33 =	vmul.f32 v9, v33;
	v40 =	vadd.f32 v45, v40  }
0x1eb: {  	v20 =	vadd.f32 v20, v18;
	v19 =	vadd.f32 v21, v53;
	v21 =	vmul.f32 v32, v32  }
0x1ec: {  	[tilespmem:s28+$0x8680] =	vst v7;
	v7 =	vmul.f32 v22, v27;
	v17 =	vadd.f32 v37, v23;
	v23 =	vmul.f32 v49, v30  }
0x1ed: {  	v18 =	vadd.f32 v33, v16;
	v16 =	vadd.f32 v35, v36;
	v21 =	vmul.f32 v21, v32  }
0x1ee: {  	v30 =	vmul.f32 v56, v30;
	v59 =	vsub.f32 v40, v54;
	v23 =	vadd.f32 $1.000000000e+01, v23  }
0x1ef: {  	[tilespmem:s28+$0x86B0] =	vst v6;
	v6 =	vsub.f32 v24, v19;
	v26 =	vmul.f32 v26, v7;
	v61 =	vmul.f32 v31, v21  }
0x1f0: {  	v29 =	vsub.f32 v29, v17;
	v22 =	vsub.f32 v20, v18;
	v23 =	vmul.f32 v23, v30  }
0x1f1: {  	[tilespmem:s29+$0x8680] =	vst v15;
	v25 =	vsub.f32 v25, v16;
	v20 =	vadd.f32 $-1.500000000e+01, v58;
	v62 =	vmul.f32 v59, v61  }
0x1f2: {  	s26 =	sshll.u32 s25, $0xE;
	[tilespmem:s29+$0x8690] =	vst v63;
	v15 =	vmul.f32 v6, v7;
	v7 =	vadd.f32 v26, v38;
	v21 =	vmul.f32 v29, v23  }
0x1f3: {  	s8 =	sor.u32 s7, s26;
	[tilespmem:s0+$0x86B0] =	vst v28;
	v6 =	vmul.f32 v22, v61;
	v13 =	vmul.f32 v25, v23;
	v8 =	vadd.f32 v62, v54  }
.LBB2_11:
0x1f4: {  	s3 =	sadd.s32 $0x40, s3;
	v20 =	vmul.f32 v20, v9;
	v22 =	vmul.f32 v12, v11;
	v17 =	vadd.f32 v21, v17;
	s4 =	sadd.s32 $0x80, s4  }
0x1f5: {  	v12 =	vmul.f32 v10, v10;
	v15 =	vadd.f32 v15, v19;
	v19 =	vmul.f32 v9, v9;
	s15 =	sand.u32 $0x40, s3;
	s16 =	sand.u32 $0x3F00, s4  }
0x1f6: {  	v6 =	vadd.f32 v6, v18;
	v18 =	vmul.f32 v11, v11;
	v16 =	vadd.f32 v13, v16;
	s15 =	sor.u32 s15, s16  }
0x1f7: {  	v21 =	vadd.f32 $1.000000000e+01, v14;
	v10 =	vmul.f32 v12, v10;
	v20 =	vadd.f32 $1.000000000e+01, v20;
	v13 =	vld [tilespmem:s15+$0x6B0]  }
0x1f8: {  	v9 =	vmul.f32 v19, v9;
	v11 =	vmul.f32 v18, v11;
	v18 =	vadd.f32 $1.000000000e+01, v22;
	v12 =	vld [tilespmem:s15+$0x680]  }
0x1f9: {  	p0 =	slt.u32 s3, $0x1FC0;
	v7 =	vsub.f32 v7, v15;
	v8 =	vsub.f32 v8, v6;
	v19 =	vmul.f32 v21, v10;
	v14 =	vld [tilespmem:s15+$0x690]  }
0x1fa: {  	v17 =	vsub.f32 v17, v16;
	v20 =	vmul.f32 v20, v9;
	v18 =	vmul.f32 v18, v11;
	v10 =	vld [tilespmem:s15+$0x6A0]  }
0x1fb: {  	v21 =	vadd.f32 v4, v1;
	v4 =	vmul.f32 v5, v3;
	v1 =	vmovc v2;
	v19 =	vmul.f32 v7, v19;
	v9 =	vld [tilespmem:s15+$0x4680]  }
0x1fc: {  	v2 =	vmovc v16;
	v5 =	vmovc v17;
	v7 =	vmul.f32 v8, v20;
	v3 =	vmov v18;
	v11 =	vld [tilespmem:s15+$0x4690];
	v22 =	vtrunc.f32 v13  }
0x1fd: {  	v16 =	vtrunc.f32 v12;
	v8 =	vld [tilespmem:s15+$0x46A0];
	v17 =	vcvt.f32.s32 v22;
	vm0 =	vlt.f32 v13, v22;
	[tilespmem:s28+$0x86A0] =	vst v21;
	s28 =	smov.u32 s29;
	s29 =	smov.u32 s0;
	s0 =	smov.u32 s15  }
0x1fe: {  	v18 =	vcvt.f32.s32 v16;
	v20 =	vtrunc.f32 v14;
	v21 =	vsel vm0, $0xFFFFFFFF, v0  }
0x1ff: {  	vm0 =	vlt.f32 v12, v16;
	v16 =	vtrunc.f32 v10;
	v17 =	vadd.s32 v17, v21  }
0x200: {  	v21 =	vcvt.f32.s32 v20;
	vm1 =	vlt.f32 v14, v20;
	v20 =	vand.u32 $0xFF, v17  }
0x201: {  	v22 =	vsel vm0, $0xFFFFFFFF, v0;
	v23 =	vcvt.f32.s32 v16;
	vm0 =	vlt.f32 v10, v16;
	v24 =	vld [tilespmem:s0+$0x46B0]  }
0x202: {  	v16 =	vadd.s32 v18, v22;
	v18 =	vsel vm1, $0xFFFFFFFF, v0;
	v22 =	vsel vm0, $0xFFFFFFFF, v0  }
0x203: {  	v25 =	vand.u32 $0xFF, v16;
	v18 =	vadd.s32 v21, v18;
	v21 =	vadd.s32 v23, v22  }
0x204: {  	v26 =	vadd.s32 $0x1, v20;
	v22 =	vand.u32 $0xFF, v18;
	v23 =	vand.u32 $0xFF, v21  }
0x205: {  	v27 =	vadd.s32 $0x1, v25;
	v28 =	vadd.s32 $0x1, v22;
	v29 =	vadd.s32 $0x1, v23;
	v20 =	vld.idx.msk [tilespmem:v20+s6+$0x0], $0xffff  }
0x206: {  	v15 =	vadd.f32 v19, v15;
	v30 =	vtrunc.f32 v9;
	v31 =	vtrunc.f32 v24  }
0x207: {  	v19 =	vtrunc.f32 v11;
	v32 =	vcvt.f32.s32 v31;
	vm0 =	vlt.f32 v24, v31  }
0x208: {  	v33 =	vtrunc.f32 v8;
	v31 =	vcvt.f32.s32 v30;
	v25 =	vld.idx.msk [tilespmem:v25+s6+$0x0], $0xffff;
	v34 =	vsel vm0, $0xFFFFFFFF, v0;
	[tilespmem:s29+$0x8680] =	vst v15  }
0x209: {  	vm0 =	vlt.f32 v9, v30;
	v15 =	vcvt.f32.s32 v19;
	v30 =	vadd.s32 v32, v34;
	v26 =	vld.idx.msk [tilespmem:v26+s6+$0x0], $0xffff  }
0x20a: {  	vm1 =	vlt.f32 v11, v19;
	v19 =	vcvt.f32.s32 v33;
	v27 =	vld.idx.msk [tilespmem:v27+s6+$0x0], $0xffff;
	v32 =	vand.u32 $0xFF, v30  }
0x20b: {  	v34 =	vsel vm0, $0xFFFFFFFF, v0;
	vm0 =	vlt.f32 v8, v33;
	v28 =	vld.idx.msk [tilespmem:v28+s6+$0x0], $0xffff;
	v20 =	vadd.s32 v20, v32  }
0x20c: {  	v33 =	vsel vm1, $0xFFFFFFFF, v0;
	v31 =	vadd.s32 v31, v34;
	v34 =	vsel vm0, $0xFFFFFFFF, v0;
	v29 =	vld.idx.msk [tilespmem:v29+s6+$0x0], $0xffff  }
0x20d: {  	v33 =	vadd.s32 v15, v33;
	v19 =	vadd.s32 v19, v34;
	v34 =	vadd.s32 $0x1, v20;
	v22 =	vld.idx.msk [tilespmem:v22+s6+$0x0], $0xffff  }
0x20e: {  	v35 =	vand.u32 $0xFF, v31;
	v36 =	vand.u32 $0xFF, v33;
	v37 =	vand.u32 $0xFF, v19;
	v23 =	vld.idx.msk [tilespmem:v23+s6+$0x0], $0xffff  }
0x20f: {  	v38 =	vcvt.s32.f32 v16;
	v18 =	vcvt.s32.f32 v18;
	v26 =	vadd.s32 v26, v32  }
0x210: {  	v21 =	vcvt.s32.f32 v21;
	v15 =	vadd.s32 v25, v35;
	v25 =	vadd.s32 v27, v35;
	v27 =	vld.idx.msk [tilespmem:v20+s19+$0x0], $0xffff  }
0x211: {  	v16 =	vcvt.s32.f32 v17;
	v32 =	vadd.s32 $0x1, v26;
	v28 =	vadd.s32 v28, v36;
	v20 =	vld.idx.msk [tilespmem:v20+s20+$0x0], $0xffff  }
0x212: {  	v35 =	vadd.s32 $0x1, v25;
	v39 =	vadd.s32 $0x1, v28;
	v29 =	vadd.s32 v29, v37;
	v40 =	vld.idx.msk [tilespmem:v34+s19+$0x0], $0xffff  }
0x213: {  	v17 =	vadd.s32 v22, v36;
	v22 =	vadd.s32 $0x1, v29;
	v36 =	vsub.f32 v13, v16;
	v34 =	vld.idx.msk [tilespmem:v34+s20+$0x0], $0xffff  }
0x214: {  	v41 =	vadd.s32 $0x1, v15;
	v42 =	vadd.s32 $0x1, v17;
	v16 =	vadd.s32 v23, v37;
	v23 =	vld.idx.msk [tilespmem:v26+s19+$0x0], $0xffff  }
0x215: {  	v30 =	vcvt.s32.f32 v30;
	v37 =	vadd.s32 $0x1, v16;
	v43 =	vmul.f32 $6.000000000e+00, v36;
	v26 =	vld.idx.msk [tilespmem:v26+s20+$0x0], $0xffff  }
0x216: {  	v31 =	vcvt.s32.f32 v31;
	v13 =	vsub.f32 v12, v38;
	v12 =	vsub.f32 v14, v18;
	v18 =	vld.idx.msk [tilespmem:v32+s19+$0x0], $0xffff  }
0x217: {  	v33 =	vcvt.s32.f32 v33;
	v24 =	vsub.f32 v24, v30;
	v30 =	vadd.f32 $-1.500000000e+01, v43;
	v32 =	vld.idx.msk [tilespmem:v32+s20+$0x0], $0xffff  }
0x218: {  	v19 =	vcvt.s32.f32 v19;
	v14 =	vsub.f32 v10, v21;
	v38 =	vmul.f32 $6.000000000e+00, v13;
	v43 =	vld.idx.msk [tilespmem:v35+s19+$0x0], $0xffff  }
0x219: {  	v44 =	vadd.f32 $-1.000000000e+00, v24;
	v30 =	vmul.f32 v30, v36;
	v21 =	vld.idx.msk [tilespmem:v35+s20+$0x0], $0xffff;
	v35 =	vmul.f32 v36, v36  }
0x21a: {  	v46 =	vadd.f32 $-1.000000000e+00, v36;
	v27 =	vmul.f32 v36, v27;
	v20 =	vmul.f32 v24, v20;
	v45 =	vld.idx.msk [tilespmem:v39+s19+$0x0], $0xffff  }
0x21b: {  	v10 =	vsub.f32 v9, v31;
	v34 =	vmul.f32 v44, v34;
	v31 =	vld.idx.msk [tilespmem:v39+s20+$0x0], $0xffff;
	v39 =	vmul.f32 v36, v40  }
0x21c: {  	v9 =	vsub.f32 v11, v33;
	v11 =	vmul.f32 v46, v23;
	v23 =	vmul.f32 v26, v24;
	v33 =	vld.idx.msk [tilespmem:v22+s19+$0x0], $0xffff  }
0x21d: {  	v26 =	vadd.f32 $1.000000000e+01, v30;
	v18 =	vmul.f32 v18, v46;
	v30 =	vmul.f32 v32, v44;
	v22 =	vld.idx.msk [tilespmem:v22+s20+$0x0], $0xffff  }
0x21e: {  	v20 =	vadd.f32 v20, v27;
	v40 =	vmul.f32 $6.000000000e+00, v24;
	v27 =	vadd.f32 v34, v39;
	v32 =	vld.idx.msk [tilespmem:v41+s19+$0x0], $0xffff  }
0x21f: {  	v35 =	vmul.f32 v35, v36;
	v11 =	vadd.f32 v23, v11;
	v18 =	vadd.f32 v30, v18;
	v34 =	vld.idx.msk [tilespmem:v41+s20+$0x0], $0xffff  }
0x220: {  	v36 =	vmul.f32 $6.000000000e+00, v14;
	v39 =	vadd.f32 $-1.500000000e+01, v40;
	v30 =	vmul.f32 $6.000000000e+00, v12;
	v23 =	vld.idx.msk [tilespmem:v25+s19+$0x0], $0xffff  }
0x221: {  	v26 =	vmul.f32 v26, v35;
	v35 =	vsub.f32 v11, v20;
	v18 =	vsub.f32 v18, v27;
	v25 =	vld.idx.msk [tilespmem:v25+s20+$0x0], $0xffff  }
0x222: {  	v11 =	vsub.f32 v8, v19;
	v8 =	vmul.f32 v24, v24;
	v19 =	vmul.f32 v39, v24;
	v40 =	vld.idx.msk [tilespmem:v42+s19+$0x0], $0xffff  }
0x223: {  	v38 =	vadd.f32 $-1.500000000e+01, v38;
	v35 =	vmul.f32 v35, v26;
	v18 =	vmul.f32 v18, v26;
	v39 =	vld.idx.msk [tilespmem:v42+s20+$0x0], $0xffff  }
0x224: {  	v30 =	vadd.f32 $-1.500000000e+01, v30;
	v19 =	vadd.f32 $1.000000000e+01, v19;
	v26 =	vmul.f32 v13, v32;
	v32 =	vld.idx.msk [tilespmem:v28+s19+$0x0], $0xffff  }
0x225: {  	v8 =	vmul.f32 v8, v24;
	v20 =	vadd.f32 v35, v20;
	v18 =	vadd.f32 v18, v27;
	v28 =	vld.idx.msk [tilespmem:v28+s20+$0x0], $0xffff  }
0x226: {  	v24 =	vmul.f32 v38, v13;
	v35 =	vadd.f32 $-1.500000000e+01, v36;
	v27 =	vadd.f32 $-1.000000000e+00, v13;
	v36 =	vld.idx.msk [tilespmem:v37+s19+$0x0], $0xffff  }
0x227: {  	v38 =	vadd.f32 $-1.000000000e+00, v10;
	v8 =	vmul.f32 v19, v8;
	v18 =	vsub.f32 v18, v20;
	v37 =	vld.idx.msk [tilespmem:v37+s20+$0x0], $0xffff  }
0x228: {  	v41 =	vadd.f32 $-1.000000000e+00, v12;
	v42 =	vadd.f32 $-1.000000000e+00, v9;
	v19 =	vmul.f32 v43, v27;
	v43 =	vld.idx.msk [tilespmem:v29+s19+$0x0], $0xffff  }
0x229: {  	v44 =	vadd.f32 $-1.000000000e+00, v14;
	v46 =	vadd.f32 $-1.000000000e+00, v11;
	v8 =	vmul.f32 v18, v8;
	v29 =	vld.idx.msk [tilespmem:v29+s20+$0x0], $0xffff  }
0x22a: {  	v45 =	vmul.f32 v45, v41;
	v24 =	vadd.f32 $1.000000000e+01, v24;
	v21 =	vmul.f32 v21, v38;
	v18 =	vld.idx.msk [tilespmem:v15+s19+$0x0], $0xffff  }
0x22b: {  	v33 =	vmul.f32 v33, v44;
	v31 =	vmul.f32 v31, v42;
	v8 =	vadd.f32 v8, v20;
	v15 =	vld.idx.msk [tilespmem:v15+s20+$0x0], $0xffff  }
0x22c: {  	v22 =	vmul.f32 v22, v46;
	v21 =	vadd.f32 v21, v19;
	v20 =	vmul.f32 v38, v34;
	v19 =	vld.idx.msk [tilespmem:v17+s19+$0x0], $0xffff  }
0x22d: {  	v23 =	vmul.f32 v27, v23;
	v25 =	vmul.f32 v25, v10;
	v17 =	vld.idx.msk [tilespmem:v17+s20+$0x0], $0xffff;
	[tilespmem:s0+$0x86B0] =	vst v8  }
0x22e: {  	v31 =	vadd.f32 v31, v45;
	v27 =	vmul.f32 v42, v39;
	v8 =	vmul.f32 v12, v40;
	v34 =	vld.idx.msk [tilespmem:v16+s19+$0x0], $0xffff  }
0x22f: {  	v22 =	vadd.f32 v22, v33;
	v32 =	vmul.f32 v41, v32;
	v28 =	vmul.f32 v28, v9;
	v16 =	vld.idx.msk [tilespmem:v16+s20+$0x0], $0xffff  }
0x230: {  	v26 =	vadd.f32 v20, v26;
	v20 =	vmul.f32 v14, v36;
	v33 =	vmul.f32 v46, v37  }
0x231: {  	v23 =	vadd.f32 v25, v23;
	v25 =	vmul.f32 v44, v43;
	v29 =	vmul.f32 v29, v11  }
0x232: {  	v18 =	vmul.f32 v13, v18;
	v8 =	vadd.f32 v27, v8;
	v15 =	vmul.f32 v10, v15  }
0x233: {  	v28 =	vadd.f32 v28, v32;
	v27 =	vmul.f32 v12, v19;
	v36 =	vmul.f32 v9, v17  }
0x234: {  	v30 =	vmul.f32 v30, v12;
	v17 =	vadd.f32 v33, v20;
	v32 =	vmul.f32 v14, v34  }
0x235: {  	v25 =	vadd.f32 v29, v25;
	v20 =	vmul.f32 v35, v14;
	v16 =	vmul.f32 v11, v16  }
0x236: {  	v29 =	vmul.f32 v13, v13;
	v19 =	vadd.f32 v15, v18;
	v15 =	vmul.f32 v12, v12  }
0x237: {  	v18 =	vadd.f32 v36, v27;
	v27 =	vmul.f32 v14, v14;
	v16 =	vadd.f32 v16, v32  }
0x238: {  	v13 =	vmul.f32 v29, v13;
	v29 =	vadd.f32 $1.000000000e+01, v30;
	v20 =	vadd.f32 $1.000000000e+01, v20  }
0x239: {  	v21 =	vsub.f32 v21, v26;
	v12 =	vmul.f32 v15, v12;
	v14 =	vmul.f32 v27, v14  }
0x23a: {  	v30 =	vsub.f32 v31, v8;
	v15 =	vmul.f32 $6.000000000e+00, v10;
	v27 =	vmul.f32 $6.000000000e+00, v9  }
0x23b: {  	v31 =	vmul.f32 $6.000000000e+00, v11;
	v23 =	vsub.f32 v23, v19;
	v22 =	vsub.f32 v22, v17  }
0x23c: {  	v13 =	vmul.f32 v24, v13;
	v24 =	vsub.f32 v28, v18;
	v25 =	vsub.f32 v25, v16  }
.Ltmp6:
0x23d: {  	v28 =	vadd.f32 $-1.500000000e+01, v15;
	v29 =	vmul.f32 v29, v12;
	v32 =	vmul.f32 v20, v14;
	(pc) =	sbr.rel @p0 .LBB2_11-.Ltmp6, $4  }
0x23e: {  	v12 =	vadd.f32 $-1.500000000e+01, v31;
	v14 =	vmul.f32 v21, v13;
	v20 =	vadd.f32 $-1.500000000e+01, v27  }
0x23f: {  	v27 =	vmul.f32 v30, v29;
	v21 =	vmul.f32 v22, v32;
	v22 =	vadd.f32 v7, v6  }
0x240: {  	v15 =	vmul.f32 v23, v13;
	v7 =	vadd.f32 v14, v26;
	v6 =	vmul.f32 v24, v29  }
0x241: {  	v14 =	vmul.f32 v28, v10;
	v8 =	vadd.f32 v27, v8;
	v13 =	vmul.f32 v25, v32;
	[tilespmem:s29+$0x8690] =	vst v22  }
0x242: {  	v20 =	vmul.f32 v20, v9;
	v17 =	vadd.f32 v21, v17;
	v56 =	vmul.f32 v10, v10  }
0x243: {  	v15 =	vadd.f32 v15, v19;
	v57 =	vmul.f32 v9, v9;
	v6 =	vadd.f32 v6, v18  }
0x244: {  	v58 =	vmul.f32 v11, v11;
	v12 =	vmul.f32 v12, v11;
	v1 =	vadd.f32 v4, v1  }
0x245: {  	v14 =	vadd.f32 $1.000000000e+01, v14;
	v20 =	vadd.f32 $1.000000000e+01, v20;
	v9 =	vmul.f32 v57, v9  }
0x246: {  	v13 =	vadd.f32 v13, v16;
	v10 =	vmul.f32 v56, v10;
	v59 =	vmul.f32 v58, v11  }
0x247: {  	v12 =	vadd.f32 $1.000000000e+01, v12;
	v8 =	vsub.f32 v8, v6;
	v9 =	vmul.f32 v20, v9  }
0x248: {  	v3 =	vmul.f32 v5, v3;
	v7 =	vsub.f32 v7, v15;
	v10 =	vmul.f32 v14, v10  }
0x249: {  	v60 =	vsub.f32 v17, v13;
	v11 =	vmul.f32 v12, v59;
	v61 =	vmul.f32 v8, v9  }
0x24a: {  	v2 =	vadd.f32 v3, v2;
	v7 =	vmul.f32 v7, v10  }
0x24b: {  	[tilespmem:s28+$0x86A0] =	vst v1;
	v63 =	vmul.f32 v60, v11;
	v1 =	vadd.f32 v61, v6  }
0x24c: {  	[tilespmem:s29+$0x86A0] =	vst v2;
	v62 =	vadd.f32 v7, v15  }
0x24d: {  	s28 =	sshrl.u32 s8, $0x3;
	[tilespmem:s0+$0x8690] =	vst v1;
	v1 =	vadd.f32 v63, v13  }
0x24e: {  	s4 =	simm.s32 $0x8680;
	s3 =	sadd.s32 s5, s28;
	[tilespmem:s0+$0x8680] =	vst v62  }
0x24f: {  	s8 =	simm.s32 $0x8780;
	s15 =	sadd.s32 $0x0, s3;
	[tilespmem:s0+$0x86A0] =	vst v1;
	s0 =	simm.s32 $0x10  }
.LBB2_13:
0x250: {  	[hbm4b:s15+s6] =	stream.linear.scatter [tilespmem:s4], [sflag:$0x3], $0x80, $0x38;
	[tilespmem:$0xC680] =	vst v63  }
0x251: {  	s15 =	smov.u32 s0;
	s4 =	smov.u32 s8;
	p0 =	sne.s32 s0, $0x3F0  }
.Ltmp7:
0x252: {  	s0 =	sadd.s32 $0x10, s0;
	(pc) =	sbr.rel @p0 .LBB2_13-.Ltmp7, $2  }
0x253: {  	_ =	sdelay $0x2  }
0x254: {  	s8 =	sadd.s32 $0x100, s8;
	s15 =	sadd.s32 s15, s3  }
0x255: {  	p0 =	seq.s32 s25, $0x7  }
.Ltmp8:
0x256: {  	_ = 	snop;
	(pc) =	sbr.rel @p0 .LBB2_20-.Ltmp8, $2  }
0x257: {  	_ =	sdelay $0x2  }
0x258: {  	[hbm4b:s15+s6] =	stream.linear.scatter [tilespmem:s4], [sflag:$0x3], $0x80, $0x38;
	[tilespmem:$0xC680] =	vst v63  }
0x259: {  	s0 =	sadd.s32 s26, s13  }
0x25a: {  	s0 =	sshrl.u32 s0, $0x3  }
0x25b: {  	s4 =	simm.s32 $0x680;
	s3 =	sadd.s32 s1, s0  }
0x25c: {  	s8 =	simm.s32 $0x10;
	s15 =	simm.s32 $0x780;
	s16 =	sadd.s32 $0x0, s3  }
.LBB2_16:
0x25d: {  	[tilespmem:s4], [sflag:$0x1] =	stream.linear.gather [hbm4b:s16+s6], $0x80, $0x38;
	[tilespmem:$0xC680] =	vst v63  }
0x25e: {  	s16 =	smov.u32 s8;
	s4 =	smov.u32 s15;
	p2 =	sne.s32 s8, $0x3F0  }
.Ltmp9:
0x25f: {  	s8 =	sadd.s32 $0x10, s8;
	(pc) =	sbr.rel @p2 .LBB2_16-.Ltmp9, $2  }
0x260: {  	_ =	sdelay $0x2  }
0x261: {  	s15 =	sadd.s32 $0x100, s15;
	s16 =	sadd.s32 s16, s3  }
0x262: {  	[tilespmem:s4], [sflag:$0x1] =	stream.linear.gather [hbm4b:s16+s6], $0x80, $0x38;
	[tilespmem:$0xC680] =	vst v63  }
0x263: {  	s0 =	sadd.s32 s2, s0;
	s3 =	simm.s32 $0x4680  }
0x264: {  	s4 =	simm.s32 $0x10;
	s8 =	simm.s32 $0x4780;
	s15 =	sadd.s32 $0x0, s0  }
.LBB2_18:
0x265: {  	[tilespmem:s3], [sflag:$0x1] =	stream.linear.gather [hbm4b:s15+s6], $0x80, $0x38;
	[tilespmem:$0xC680] =	vst v63  }
0x266: {  	s15 =	smov.u32 s4;
	s3 =	smov.u32 s8;
	p2 =	sne.s32 s4, $0x3F0  }
.Ltmp10:
0x267: {  	s4 =	sadd.s32 $0x10, s4;
	(pc) =	sbr.rel @p2 .LBB2_18-.Ltmp10, $2  }
0x268: {  	_ =	sdelay $0x2  }
0x269: {  	s8 =	sadd.s32 $0x100, s8;
	s15 =	sadd.s32 s15, s0  }
0x26a: {  	[tilespmem:s3], [sflag:$0x1] =	stream.linear.gather [hbm4b:s15+s6], $0x80, $0x38;
	[tilespmem:$0xC680] =	vst v63  }
.LBB2_20:
0x26b: {  	_ =	swait.ge [sflag:s21], $0x2000  }
0x26c: {  	[sflag:s21] =	ssyncset.done $0x0  }
0x26d: {  	[sflag:s21] =	ssyncadd.s32 $0xFFFFE000  }
0x26e: {  	_ =	swait.ge [sflag:s21], $0x2000  }
0x26f: {  	p2 =	por $0x0, $0x0;
	s0 =	simm.s32 $0x1;
	[sflag:s21] =	ssyncset.done $0x0  }
0x270: {  	s3 =	simm.s32 @!p1 $0x4;
	s0 =	simm.s32 @!p2 $0x0;
	[sflag:s21] =	ssyncadd.s32 $0xFFFFE000  }
0x271: {  	s0 =	sshll.u32 s0, $0x6;
	_ =	swait.ge @!p1 [sflag:s3], $0x2000  }
0x272: {  	s8 =	sadd.s32 $0x0, s0;
	[sflag:s3] =	ssyncset.done @!p1 $0x0  }
0x273: {  	[sflag:s3] =	ssyncadd.s32 @!p1 $0xFFFFE000;
	s3 =	sor.u32 $0xB0, s8  }
0x274: {  	s4 =	sor.u32 $0x80, s8;
	v2 =	vld [tilespmem:s3+$0x680]  }
0x275: {  	v3 =	vld [tilespmem:s4+$0x680]  }
0x276: {  	s0 =	sor.u32 $0x90, s8;
	v10 =	vld [tilespmem:s4+$0x4680]  }
0x277: {  	v14 =	vld [tilespmem:s0+$0x4680]  }
0x278: {  	s29 =	sor.u32 $0xA0, s8;
	v4 =	vld [tilespmem:s0+$0x680]  }
0x279: {  	v5 =	vld [tilespmem:s29+$0x680]  }
0x27a: {  	v1 =	vtrunc.f32 v2  }
0x27b: {  	v6 =	vtrunc.f32 v3;
	v21 =	vtrunc.f32 v10  }
0x27c: {  	v23 =	vtrunc.f32 v14;
	v7 =	vcvt.f32.s32 v1  }
0x27d: {  	vm0 =	vlt.f32 v2, v1;
	v8 =	vcvt.f32.s32 v6;
	v1 =	vtrunc.f32 v4  }
0x27e: {  	vm7 =	vlt.f32 v3, v6;
	v6 =	vtrunc.f32 v5;
	v9 =	vsel vm0, $0xFFFFFFFF, v0  }
0x27f: {  	vm9 =	vlt.f32 v10, v21;
	v12 =	vcvt.f32.s32 v6;
	v7 =	vadd.s32 v7, v9  }
0x280: {  	vm2 =	vlt.f32 v5, v6;
	v6 =	vld [tilespmem:s3+$0x4680];
	v13 =	vsel vm7, $0xFFFFFFFF, v0;
	v11 =	vand.u32 $0xFF, v7  }
0x281: {  	vm10 =	vlt.f32 v14, v23;
	vm1 =	vlt.f32 v4, v1;
	v8 =	vadd.s32 v8, v13  }
0x282: {  	v9 =	vcvt.f32.s32 v1;
	v16 =	vsel vm2, $0xFFFFFFFF, v0;
	v13 =	vand.u32 $0xFF, v8  }
0x283: {  	v27 =	vsel vm9, $0xFFFFFFFF, v0;
	v15 =	vsel vm1, $0xFFFFFFFF, v0;
	v1 =	vld [tilespmem:s29+$0x4680];
	v12 =	vadd.s32 v12, v16  }
0x284: {  	v9 =	vadd.s32 v9, v15;
	v16 =	vand.u32 $0xFF, v12;
	v17 =	vadd.s32 $0x1, v11  }
0x285: {  	v18 =	vadd.s32 $0x1, v13;
	v15 =	vand.u32 $0xFF, v9;
	v22 =	vtrunc.f32 v6;
	v11 =	vld.idx.msk [tilespmem:v11+s6+$0x0], $0xffff  }
0x286: {  	v20 =	vadd.s32 $0x1, v16;
	v24 =	vcvt.f32.s32 v22;
	vm8 =	vlt.f32 v6, v22  }
0x287: {  	v19 =	vadd.s32 $0x1, v15;
	v22 =	vcvt.f32.s32 v21;
	v26 =	vsel vm8, $0xFFFFFFFF, v0;
	v13 =	vld.idx.msk [tilespmem:v13+s6+$0x0], $0xffff  }
0x288: {  	v25 =	vtrunc.f32 v1;
	v21 =	vcvt.f32.s32 v23;
	v24 =	vadd.s32 v24, v26  }
0x289: {  	v23 =	vcvt.f32.s32 v25;
	vm11 =	vlt.f32 v1, v25;
	v17 =	vld.idx.msk [tilespmem:v17+s6+$0x0], $0xffff;
	v26 =	vand.u32 $0xFF, v24  }
0x28a: {  	v18 =	vld.idx.msk [tilespmem:v18+s6+$0x0], $0xffff;
	v22 =	vadd.s32 v22, v27;
	v27 =	vsel vm11, $0xFFFFFFFF, v0;
	v11 =	vadd.s32 v11, v26  }
0x28b: {  	v16 =	vld.idx.msk [tilespmem:v16+s6+$0x0], $0xffff;
	v23 =	vadd.s32 v23, v27;
	v27 =	vand.u32 $0xFF, v22  }
0x28c: {  	v20 =	vld.idx.msk [tilespmem:v20+s6+$0x0], $0xffff;
	v13 =	vadd.s32 v13, v27  }
0x28d: {  	v25 =	vsel vm10, $0xFFFFFFFF, v0;
	v15 =	vld.idx.msk [tilespmem:v15+s6+$0x0], $0xffff  }
0x28e: {  	v7 =	vcvt.s32.f32 v7;
	v21 =	vadd.s32 v21, v25;
	v19 =	vld.idx.msk [tilespmem:v19+s6+$0x0], $0xffff;
	v25 =	vadd.s32 $0x1, v11  }
0x28f: {  	v8 =	vcvt.s32.f32 v8;
	v12 =	vcvt.s32.f32 v12;
	v17 =	vadd.s32 v17, v26;
	v26 =	vld.idx.msk [tilespmem:v11+s19+$0x0], $0xffff  }
0x290: {  	v2 =	vsub.f32 v2, v7;
	v11 =	vld.idx.msk [tilespmem:v11+s20+$0x0], $0xffff  }
0x291: {  	v9 =	vcvt.s32.f32 v9;
	v8 =	vsub.f32 v3, v8;
	v5 =	vsub.f32 v5, v12;
	v43 =	vld.idx.msk [tilespmem:v13+s19+$0x0], $0xffff  }
0x292: {  	v34 =	vmul.f32 $6.000000000e+00, v2;
	v18 =	vadd.s32 v18, v27;
	v32 =	vadd.s32 $0x1, v13;
	v13 =	vld.idx.msk [tilespmem:v13+s20+$0x0], $0xffff  }
0x293: {  	v52 =	vmul.f32 $6.000000000e+00, v8;
	v37 =	vmul.f32 v2, v2;
	v39 =	vadd.f32 $-1.000000000e+00, v2;
	v31 =	vld.idx.msk [tilespmem:v25+s19+$0x0], $0xffff  }
0x294: {  	v4 =	vsub.f32 v4, v9;
	v42 =	vadd.f32 $-1.000000000e+00, v5;
	v27 =	vadd.s32 $0x1, v17;
	v25 =	vld.idx.msk [tilespmem:v25+s20+$0x0], $0xffff  }
0x295: {  	v57 =	vadd.f32 $-1.500000000e+01, v52;
	v28 =	vand.u32 $0xFF, v21;
	v24 =	vcvt.s32.f32 v24;
	v33 =	vld.idx.msk [tilespmem:v17+s19+$0x0], $0xffff  }
0x296: {  	v3 =	vcvt.s32.f32 v22;
	v29 =	vand.u32 $0xFF, v23;
	v15 =	vadd.s32 v15, v28;
	v17 =	vld.idx.msk [tilespmem:v17+s20+$0x0], $0xffff  }
0x297: {  	v21 =	vcvt.s32.f32 v21;
	v6 =	vsub.f32 v6, v24;
	v20 =	vadd.s32 v20, v29;
	v56 =	vld.idx.msk [tilespmem:v18+s19+$0x0], $0xffff  }
0x298: {  	v24 =	vadd.f32 $-1.500000000e+01, v34;
	v30 =	vadd.s32 $0x1, v18;
	v51 =	vadd.s32 $0x1, v20;
	v18 =	vld.idx.msk [tilespmem:v18+s20+$0x0], $0xffff  }
0x299: {  	v61 =	vadd.f32 $-1.000000000e+00, v4;
	v10 =	vsub.f32 v10, v3;
	v35 =	vadd.s32 $0x1, v15;
	v22 =	vld.idx.msk [tilespmem:v27+s19+$0x0], $0xffff  }
0x29a: {  	v14 =	vsub.f32 v14, v21;
	v24 =	vmul.f32 v24, v2;
	v38 =	vadd.f32 $-1.000000000e+00, v6;
	v27 =	vld.idx.msk [tilespmem:v27+s20+$0x0], $0xffff  }
0x29b: {  	v54 =	vmul.f32 $6.000000000e+00, v6;
	v3 =	vmul.f32 v6, v6;
	v19 =	vadd.s32 v19, v28;
	v44 =	vld.idx.msk [tilespmem:v15+s19+$0x0], $0xffff  }
0x29c: {  	v7 =	vadd.s32 $0x1, v19;
	v15 =	vld.idx.msk [tilespmem:v15+s20+$0x0], $0xffff;
	v26 =	vmul.f32 v2, v26;
	v11 =	vmul.f32 v6, v11  }
0x29d: {  	v16 =	vadd.s32 v16, v29;
	v53 =	vld.idx.msk [tilespmem:v51+s19+$0x0], $0xffff;
	v13 =	vmul.f32 v10, v13;
	v31 =	vmul.f32 v2, v31  }
0x29e: {  	v62 =	vadd.f32 $-1.000000000e+00, v14;
	v21 =	vld.idx.msk [tilespmem:v35+s19+$0x0], $0xffff;
	v25 =	vmul.f32 v38, v25;
	v12 =	vmul.f32 v39, v33  }
0x29f: {  	v24 =	vadd.f32 $1.000000000e+01, v24;
	v58 =	vld.idx.msk [tilespmem:v35+s20+$0x0], $0xffff;
	v17 =	vmul.f32 v17, v6;
	v2 =	vmul.f32 v37, v2  }
0x2a0: {  	v55 =	vadd.f32 $-1.500000000e+01, v54;
	v59 =	vld.idx.msk [tilespmem:v19+s19+$0x0], $0xffff;
	v18 =	vmul.f32 v18, v10;
	v22 =	vmul.f32 v22, v39  }
0x2a1: {  	v29 =	vadd.s32 $0x1, v16;
	v9 =	vld.idx.msk [tilespmem:v7+s19+$0x0], $0xffff;
	v27 =	vmul.f32 v27, v38;
	v15 =	vmul.f32 v14, v15  }
0x2a2: {  	v7 =	vld.idx.msk [tilespmem:v7+s20+$0x0], $0xffff;
	v11 =	vadd.f32 v11, v26;
	v2 =	vmul.f32 v24, v2;
	v24 =	vmul.f32 v55, v6  }
0x2a3: {  	v25 =	vadd.f32 v25, v31;
	v6 =	vmul.f32 v3, v6;
	v33 =	vmul.f32 v53, v42  }
0x2a4: {  	v36 =	vld.idx.msk [tilespmem:v30+s19+$0x0], $0xffff;
	v12 =	vadd.f32 v17, v12;
	v21 =	vmul.f32 v4, v21;
	v45 =	vmul.f32 v62, v58  }
0x2a5: {  	v63 =	vld.idx.msk [tilespmem:v20+s19+$0x0], $0xffff;
	v31 =	vmul.f32 v61, v59;
	v17 =	vadd.f32 v27, v22;
	v22 =	vcvt.s32.f32 v23  }
0x2a6: {  	v20 =	vld.idx.msk [tilespmem:v20+s20+$0x0], $0xffff;
	v27 =	vmul.f32 $6.000000000e+00, v4;
	v9 =	vmul.f32 v9, v61;
	v12 =	vsub.f32 v12, v11  }
0x2a7: {  	v26 =	vld.idx.msk [tilespmem:v32+s19+$0x0], $0xffff;
	v7 =	vmul.f32 v7, v62;
	v24 =	vadd.f32 $1.000000000e+01, v24;
	v21 =	vadd.f32 v45, v21  }
0x2a8: {  	v23 =	vld.idx.msk [tilespmem:v32+s20+$0x0], $0xffff;
	v17 =	vsub.f32 v17, v25;
	v1 =	vsub.f32 v1, v22;
	v22 =	vmul.f32 v57, v8  }
0x2a9: {  	v30 =	vld.idx.msk [tilespmem:v30+s20+$0x0], $0xffff;
	v27 =	vadd.f32 $-1.500000000e+01, v27;
	v7 =	vadd.f32 v7, v9;
	v12 =	vmul.f32 v12, v2  }
0x2aa: {  	v6 =	vmul.f32 v24, v6;
	v24 =	vadd.f32 $-1.000000000e+00, v10;
	v2 =	vmul.f32 v17, v2  }
0x2ab: {  	v9 =	vld.idx.msk [tilespmem:v16+s19+$0x0], $0xffff;
	v17 =	vmul.f32 $6.000000000e+00, v5;
	v22 =	vadd.f32 $1.000000000e+01, v22;
	v20 =	vmul.f32 v20, v1  }
0x2ac: {  	v16 =	vld.idx.msk [tilespmem:v16+s20+$0x0], $0xffff;
	v27 =	vmul.f32 v27, v4;
	v7 =	vsub.f32 v7, v21;
	v3 =	vadd.f32 v12, v11  }
0x2ad: {  	v11 =	vmul.f32 v8, v26;
	v12 =	vld.idx.msk [tilespmem:v19+s20+$0x0], $0xffff;
	v19 =	vadd.f32 $-1.000000000e+00, v8;
	v23 =	vmul.f32 v24, v23  }
0x2ae: {  	v30 =	vmul.f32 v30, v24;
	v2 =	vadd.f32 v2, v25;
	v25 =	vld.idx.msk [tilespmem:v29+s19+$0x0], $0xffff;
	v17 =	vadd.f32 $-1.500000000e+01, v17  }
0x2af: {  	v28 =	vld.idx.msk [tilespmem:v51+s20+$0x0], $0xffff;
	v60 =	vmul.f32 v36, v19;
	v19 =	vmul.f32 v19, v56;
	v11 =	vadd.f32 v23, v11  }
0x2b0: {  	v26 =	vld.idx.msk [tilespmem:v29+s20+$0x0], $0xffff;
	v23 =	vmul.f32 v42, v63;
	v9 =	vmul.f32 v5, v9;
	v2 =	vsub.f32 v2, v3  }
0x2b1: {  	v16 =	vmul.f32 v1, v16;
	v29 =	vadd.f32 v30, v60;
	v18 =	vadd.f32 v18, v19  }
0x2b2: {  	v19 =	vmul.f32 v8, v43;
	v6 =	vmul.f32 v2, v6;
	v2 =	vadd.f32 $-1.000000000e+00, v1  }
0x2b3: {  	v9 =	vadd.f32 v16, v9;
	v12 =	vmul.f32 v12, v14;
	v25 =	vmul.f32 v5, v25  }
0x2b4: {  	v13 =	vadd.f32 v13, v19;
	v19 =	vmul.f32 v4, v4;
	v24 =	vmul.f32 v28, v2  }
0x2b5: {  	v16 =	vadd.f32 $1.000000000e+01, v27;
	v2 =	vmul.f32 v2, v26;
	v26 =	vmul.f32 v4, v44  }
0x2b6: {  	v12 =	vadd.f32 v12, v31;
	v4 =	vmul.f32 v19, v4;
	v19 =	vsub.f32 v29, v11  }
0x2b7: {  	v18 =	vsub.f32 v18, v13;
	v25 =	vadd.f32 v2, v25;
	v2 =	vmul.f32 v17, v5  }
0x2b8: {  	v17 =	vadd.f32 v20, v23;
	v20 =	vmul.f32 v8, v8;
	v23 =	vmul.f32 v5, v5  }
0x2b9: {  	v15 =	vadd.f32 v15, v26;
	v26 =	vmul.f32 $6.000000000e+00, v1;
	v4 =	vmul.f32 v16, v4  }
0x2ba: {  	v24 =	vadd.f32 v24, v33;
	v8 =	vmul.f32 v20, v8;
	v5 =	vmul.f32 v23, v5  }
0x2bb: {  	v2 =	vadd.f32 $1.000000000e+01, v2;
	v20 =	vmul.f32 $6.000000000e+00, v10;
	v23 =	vmul.f32 $6.000000000e+00, v14  }
0x2bc: {  	v24 =	vsub.f32 v24, v25;
	v12 =	vsub.f32 v12, v15;
	v7 =	vmul.f32 v7, v4  }
0x2bd: {  	v16 =	vsub.f32 v17, v9;
	v8 =	vmul.f32 v22, v8;
	v2 =	vmul.f32 v2, v5  }
0x2be: {  	v5 =	vadd.f32 $-1.500000000e+01, v20;
	v4 =	vmul.f32 v12, v4;
	v7 =	vadd.f32 v7, v21  }
0x2bf: {  	p1 =	por !p2, !p2;
	s8 =	simm.s32 $0x1;
	v17 =	vmul.f32 v19, v8;
	v19 =	vadd.f32 $-1.500000000e+01, v23;
	v20 =	vmul.f32 v24, v2  }
0x2c0: {  	s8 =	simm.s32 @!p1 $0x0;
	v8 =	vmul.f32 v18, v8;
	v18 =	vadd.f32 $-1.500000000e+01, v26;
	v5 =	vmul.f32 v5, v10  }
0x2c1: {  	s8 =	sshll.u32 s8, $0x6;
	v12 =	vmul.f32 v16, v2;
	v2 =	vadd.f32 v4, v15;
	v16 =	vmul.f32 v19, v14  }
0x2c2: {  	s8 =	sadd.s32 $0x80, s8;
	v11 =	vadd.f32 v17, v11;
	v17 =	vmul.f32 v18, v1;
	v18 =	vmul.f32 v10, v10  }
0x2c3: {  	s16 =	sor.u32 $0xB0, s8;
	v8 =	vadd.f32 v8, v13;
	v13 =	vmul.f32 v14, v14;
	v19 =	vmul.f32 v1, v1  }
0x2c4: {  	s23 =	sor.u32 $0x80, s8;
	v4 =	vld [tilespmem:s16+$0x680];
	v5 =	vadd.f32 $1.000000000e+01, v5;
	v7 =	vsub.f32 v7, v2;
	v10 =	vmul.f32 v18, v10  }
0x2c5: {  	s31 =	sor.u32 $0x90, s8;
	v15 =	vadd.f32 $1.000000000e+01, v16;
	v16 =	vld [tilespmem:s23+$0x680];
	v13 =	vmul.f32 v13, v14;
	v14 =	vmul.f32 v19, v1  }
0x2c6: {  	s30 =	sor.u32 $0xA0, s8;
	v17 =	vadd.f32 $1.000000000e+01, v17;
	v18 =	vld [tilespmem:s31+$0x680];
	v11 =	vsub.f32 v11, v8;
	v10 =	vmul.f32 v5, v10  }
0x2c7: {  	v19 =	vadd.f32 v20, v25;
	v20 =	vld [tilespmem:s30+$0x680];
	v1 =	vadd.f32 v12, v9;
	v13 =	vmul.f32 v15, v13  }
0x2c8: {  	v6 =	vadd.f32 v6, v3;
	v5 =	vmul.f32 v17, v14;
	v10 =	vmul.f32 v11, v10  }
0x2c9: {  	v9 =	vsub.f32 v19, v1;
	v11 =	vtrunc.f32 v4;
	v3 =	vmul.f32 v7, v13  }
0x2ca: {  	v7 =	vtrunc.f32 v16;
	v12 =	vcvt.f32.s32 v11;
	vm12 =	vlt.f32 v4, v11  }
0x2cb: {  	v13 =	vtrunc.f32 v18;
	v11 =	vcvt.f32.s32 v7;
	v14 =	vsel vm12, $0xFFFFFFFF, v0  }
0x2cc: {  	v19 =	vld [tilespmem:s16+$0x4680];
	vm13 =	vlt.f32 v16, v7;
	v7 =	vtrunc.f32 v20;
	v12 =	vadd.s32 v12, v14  }
0x2cd: {  	v17 =	vcvt.f32.s32 v7;
	vm15 =	vlt.f32 v20, v7;
	v7 =	vand.u32 $0xFF, v12  }
0x2ce: {  	vm14 =	vlt.f32 v18, v13;
	v14 =	vcvt.f32.s32 v13;
	v13 =	vsel vm13, $0xFFFFFFFF, v0  }
0x2cf: {  	v22 =	vsel vm14, $0xFFFFFFFF, v0;
	v23 =	vsel vm15, $0xFFFFFFFF, v0;
	v11 =	vadd.s32 v11, v13  }
0x2d0: {  	v13 =	vadd.s32 v14, v22;
	v14 =	vadd.s32 v17, v23;
	v17 =	vand.u32 $0xFF, v11  }
0x2d1: {  	v24 =	vld [tilespmem:s30+$0x4680];
	v48 =	vtrunc.f32 v19;
	v25 =	vadd.s32 $0x1, v7  }
0x2d2: {  	vm4 =	vlt.f32 v19, v48;
	v26 =	vadd.s32 $0x1, v17;
	v49 =	vld.idx.msk [tilespmem:v7+s6+$0x0], $0xffff  }
0x2d3: {  	v15 =	vld [tilespmem:s23+$0x4680];
	v22 =	vand.u32 $0xFF, v13;
	v7 =	vadd.f32 v10, v8;
	v10 =	vcvt.f32.s32 v48  }
0x2d4: {  	v21 =	vld [tilespmem:s31+$0x4680];
	v52 =	vsel vm4, $0xFFFFFFFF, v0;
	v23 =	vand.u32 $0xFF, v14  }
0x2d5: {  	v27 =	vadd.s32 $0x1, v22;
	v17 =	vld.idx.msk [tilespmem:v17+s6+$0x0], $0xffff;
	v10 =	vadd.s32 v10, v52  }
0x2d6: {  	v51 =	vtrunc.f32 v24;
	v46 =	vadd.s32 $0x1, v23;
	v25 =	vld.idx.msk [tilespmem:v25+s6+$0x0], $0xffff;
	v33 =	vand.u32 $0xFF, v10  }
0x2d7: {  	vm7 =	vlt.f32 v24, v51;
	v26 =	vld.idx.msk [tilespmem:v26+s6+$0x0], $0xffff;
	v31 =	vadd.s32 v49, v33  }
0x2d8: {  	v56 =	vsel vm7, $0xFFFFFFFF, v0;
	v47 =	vtrunc.f32 v15;
	v22 =	vld.idx.msk [tilespmem:v22+s6+$0x0], $0xffff  }
0x2d9: {  	v50 =	vcvt.f32.s32 v47;
	vm5 =	vlt.f32 v15, v47;
	v23 =	vld.idx.msk [tilespmem:v23+s6+$0x0], $0xffff;
	v57 =	vadd.s32 $0x1, v31  }
0x2da: {  	v5 =	vmul.f32 v9, v5;
	v12 =	vcvt.s32.f32 v12;
	v54 =	vsel vm5, $0xFFFFFFFF, v0;
	v27 =	vld.idx.msk [tilespmem:v27+s6+$0x0], $0xffff  }
0x2db: {  	v11 =	vcvt.s32.f32 v11;
	v30 =	vadd.s32 v50, v54;
	v28 =	vld.idx.msk [tilespmem:v46+s6+$0x0], $0xffff;
	v25 =	vadd.s32 v25, v33  }
0x2dc: {  	v13 =	vcvt.s32.f32 v13;
	v14 =	vcvt.s32.f32 v14;
	v12 =	vsub.f32 v4, v12;
	v60 =	vld.idx.msk [tilespmem:v31+s19+$0x0], $0xffff  }
0x2dd: {  	v34 =	vand.u32 $0xFF, v30;
	v8 =	vtrunc.f32 v21;
	v61 =	vadd.s32 $0x1, v25;
	v31 =	vld.idx.msk [tilespmem:v31+s20+$0x0], $0xffff  }
0x2de: {  	v53 =	vcvt.f32.s32 v8;
	vm6 =	vlt.f32 v21, v8;
	v17 =	vadd.s32 v17, v34;
	v48 =	vld.idx.msk [tilespmem:v57+s19+$0x0], $0xffff  }
0x2df: {  	v8 =	vcvt.f32.s32 v51;
	v55 =	vsel vm6, $0xFFFFFFFF, v0;
	v50 =	vadd.s32 $0x1, v17;
	v4 =	vld.idx.msk [tilespmem:v57+s20+$0x0], $0xffff  }
0x2e0: {  	v11 =	vsub.f32 v16, v11;
	v29 =	vadd.s32 v53, v55;
	v26 =	vadd.s32 v26, v34;
	v51 =	vld.idx.msk [tilespmem:v25+s19+$0x0], $0xffff  }
0x2e1: {  	v8 =	vadd.s32 v8, v56;
	v58 =	vand.u32 $0xFF, v29;
	v62 =	vadd.s32 $0x1, v26;
	v25 =	vld.idx.msk [tilespmem:v25+s20+$0x0], $0xffff  }
0x2e2: {  	v41 =	vmul.f32 $6.000000000e+00, v12;
	v59 =	vand.u32 $0xFF, v8;
	v27 =	vadd.s32 v27, v58;
	v52 =	vld.idx.msk [tilespmem:v61+s19+$0x0], $0xffff  }
0x2e3: {  	v13 =	vsub.f32 v18, v13;
	v28 =	vadd.s32 v28, v59;
	v63 =	vadd.s32 $0x1, v27;
	v18 =	vld.idx.msk [tilespmem:v61+s20+$0x0], $0xffff  }
0x2e4: {  	v10 =	vcvt.s32.f32 v10;
	v22 =	vadd.s32 v22, v58;
	v49 =	vadd.s32 $0x1, v28;
	v58 =	vld.idx.msk [tilespmem:v50+s19+$0x0], $0xffff  }
0x2e5: {  	v16 =	vcvt.s32.f32 v30;
	v43 =	vmul.f32 v12, v12;
	v45 =	vadd.f32 $-1.000000000e+00, v12;
	v38 =	vld.idx.msk [tilespmem:v26+s19+$0x0], $0xffff  }
0x2e6: {  	v53 =	vmul.f32 $6.000000000e+00, v11;
	v19 =	vsub.f32 v19, v10;
	v10 =	vadd.f32 $-1.500000000e+01, v41;
	v54 =	vld.idx.msk [tilespmem:v62+s19+$0x0], $0xffff  }
0x2e7: {  	v20 =	vsub.f32 v20, v14;
	v29 =	vcvt.s32.f32 v29;
	v8 =	vcvt.s32.f32 v8;
	v37 =	vld.idx.msk [tilespmem:v62+s20+$0x0], $0xffff  }
0x2e8: {  	v41 =	vmul.f32 v11, v11;
	v23 =	vadd.s32 v23, v59;
	v10 =	vmul.f32 v10, v12;
	v46 =	vld.idx.msk [tilespmem:v63+s19+$0x0], $0xffff  }
0x2e9: {  	v44 =	vadd.f32 $-1.000000000e+00, v19;
	v56 =	vmul.f32 $6.000000000e+00, v19;
	v40 =	vadd.s32 $0x1, v22;
	v36 =	vld.idx.msk [tilespmem:v49+s19+$0x0], $0xffff  }
0x2ea: {  	v42 =	vadd.s32 $0x1, v23;
	v59 =	vmul.f32 $6.000000000e+00, v20;
	v35 =	vld.idx.msk [tilespmem:v49+s20+$0x0], $0xffff;
	v33 =	vmul.f32 v12, v60  }
0x2eb: {  	v49 =	vld.idx.msk [tilespmem:v27+s19+$0x0], $0xffff;
	v31 =	vmul.f32 v19, v31;
	v60 =	vadd.f32 $-1.500000000e+01, v56;
	v14 =	vmul.f32 v12, v48  }
0x2ec: {  	v56 =	vld.idx.msk [tilespmem:v28+s19+$0x0], $0xffff;
	v55 =	vmul.f32 v44, v4;
	v4 =	vsub.f32 v15, v16;
	v16 =	vmul.f32 v45, v51  }
0x2ed: {  	v28 =	vld.idx.msk [tilespmem:v28+s20+$0x0], $0xffff;
	v25 =	vmul.f32 v25, v19;
	v12 =	vmul.f32 v43, v12  }
0x2ee: {  	v10 =	vadd.f32 $1.000000000e+01, v10;
	v15 =	vld.idx.msk [tilespmem:v63+s20+$0x0], $0xffff;
	v43 =	vmul.f32 v20, v20;
	v30 =	vmul.f32 v52, v45  }
0x2ef: {  	v63 =	vld.idx.msk [tilespmem:v40+s19+$0x0], $0xffff;
	v18 =	vmul.f32 v18, v44;
	v31 =	vadd.f32 v31, v33;
	v62 =	vmul.f32 v60, v19  }
0x2f0: {  	v48 =	vmul.f32 v11, v58;
	v52 =	vld.idx.msk [tilespmem:v42+s20+$0x0], $0xffff;
	v57 =	vadd.f32 v55, v14;
	v14 =	vadd.f32 v25, v16  }
0x2f1: {  	v25 =	vmul.f32 $6.000000000e+00, v13;
	v12 =	vmul.f32 v10, v12;
	v10 =	vsub.f32 v21, v29;
	v21 =	vld.idx.msk [tilespmem:v26+s20+$0x0], $0xffff  }
0x2f2: {  	v26 =	vmul.f32 v19, v19;
	v51 =	vadd.f32 $-1.000000000e+00, v4;
	v16 =	vadd.f32 v18, v30;
	v18 =	vld.idx.msk [tilespmem:v50+s20+$0x0], $0xffff  }
0x2f3: {  	v45 =	vmul.f32 $6.000000000e+00, v4;
	v29 =	vadd.f32 $1.000000000e+01, v62;
	v30 =	vadd.f32 $-1.500000000e+01, v59;
	v50 =	vld.idx.msk [tilespmem:v42+s19+$0x0], $0xffff  }
0x2f4: {  	v59 =	vld.idx.msk [tilespmem:v17+s19+$0x0], $0xffff;
	v42 =	vmul.f32 v13, v13;
	v61 =	vsub.f32 v14, v31;
	v14 =	vsub.f32 v24, v8  }
0x2f5: {  	v17 =	vld.idx.msk [tilespmem:v17+s20+$0x0], $0xffff;
	v19 =	vmul.f32 v26, v19;
	v55 =	vadd.f32 $-1.000000000e+00, v10;
	v37 =	vmul.f32 v37, v51  }
0x2f6: {  	v62 =	vld.idx.msk [tilespmem:v23+s19+$0x0], $0xffff;
	v25 =	vadd.f32 $-1.500000000e+01, v25;
	v32 =	vmul.f32 v13, v63;
	v8 =	vmul.f32 v61, v12  }
0x2f7: {  	v23 =	vld.idx.msk [tilespmem:v23+s20+$0x0], $0xffff;
	v16 =	vsub.f32 v16, v57;
	v19 =	vmul.f32 v29, v19;
	v15 =	vmul.f32 v15, v55  }
0x2f8: {  	v26 =	vld.idx.msk [tilespmem:v27+s20+$0x0], $0xffff;
	v27 =	vadd.f32 $-1.000000000e+00, v11;
	v28 =	vmul.f32 v28, v14;
	v25 =	vmul.f32 v25, v13  }
0x2f9: {  	v24 =	vld.idx.msk [tilespmem:v40+s20+$0x0], $0xffff;
	v47 =	vmul.f32 $6.000000000e+00, v14;
	v12 =	vmul.f32 v16, v12;
	v16 =	vadd.f32 $-1.500000000e+01, v53  }
0x2fa: {  	v53 =	vmul.f32 v54, v27;
	v54 =	vadd.f32 $-1.000000000e+00, v13;
	v27 =	vmul.f32 v27, v38  }
0x2fb: {  	v21 =	vmul.f32 v21, v4;
	v8 =	vadd.f32 v8, v31;
	v17 =	vmul.f32 v4, v17  }
0x2fc: {  	v40 =	vmul.f32 v20, v62;
	v23 =	vmul.f32 v14, v23;
	v25 =	vadd.f32 $1.000000000e+01, v25  }
0x2fd: {  	v61 =	vld.idx.msk [tilespmem:v22+s19+$0x0], $0xffff;
	v12 =	vadd.f32 v12, v57;
	v16 =	vmul.f32 v16, v11;
	v57 =	vadd.f32 $-1.000000000e+00, v20  }
0x2fe: {  	v22 =	vld.idx.msk [tilespmem:v22+s20+$0x0], $0xffff;
	v58 =	vmul.f32 v46, v54;
	v60 =	vadd.f32 v37, v53;
	v24 =	vmul.f32 v55, v24  }
0x2ff: {  	v63 =	vmul.f32 v54, v49;
	v26 =	vmul.f32 v26, v10;
	v21 =	vadd.f32 v21, v27  }
0x300: {  	v46 =	vmul.f32 $6.000000000e+00, v10;
	v49 =	vadd.f32 $-1.500000000e+01, v47;
	v23 =	vadd.f32 v23, v40  }
0x301: {  	v12 =	vsub.f32 v12, v8;
	v16 =	vadd.f32 $1.000000000e+01, v16;
	v36 =	vmul.f32 v36, v57  }
0x302: {  	v15 =	vadd.f32 v15, v58;
	v27 =	vmul.f32 v57, v56;
	v39 =	vmul.f32 v13, v61  }
0x303: {  	v24 =	vadd.f32 v24, v32;
	v22 =	vmul.f32 v10, v22;
	v13 =	vmul.f32 v42, v13  }
0x304: {  	v26 =	vadd.f32 v26, v63;
	v12 =	vmul.f32 v12, v19;
	v19 =	vadd.f32 $-1.000000000e+00, v14  }
0x305: {  	v27 =	vadd.f32 v28, v27;
	v15 =	vsub.f32 v15, v24;
	v13 =	vmul.f32 v25, v13  }
0x306: {  	v8 =	vadd.f32 v12, v8;
	v12 =	vmul.f32 v51, v18;
	v18 =	vmul.f32 v35, v19  }
0x307: {  	v22 =	vadd.f32 v22, v39;
	v19 =	vmul.f32 v19, v52;
	v15 =	vmul.f32 v15, v13  }
0x308: {  	v18 =	vadd.f32 v18, v36;
	v34 =	vadd.f32 v12, v48;
	v12 =	vmul.f32 v20, v50  }
0x309: {  	v36 =	vmul.f32 v11, v59;
	v11 =	vmul.f32 v41, v11;
	v48 =	vadd.f32 $-1.500000000e+01, v46  }
0x30a: {  	v15 =	vadd.f32 v15, v24;
	v24 =	vmul.f32 v49, v14;
	v19 =	vadd.f32 v19, v12  }
0x30b: {  	v12 =	vmul.f32 v30, v20;
	v17 =	vadd.f32 v17, v36;
	v44 =	vsub.f32 v60, v34  }
0x30c: {  	v11 =	vmul.f32 v16, v11;
	v16 =	vsub.f32 v26, v22;
	v26 =	vsub.f32 v27, v23  }
0x30d: {  	p1 =	por !p1, !p1;
	s8 =	simm.s32 $0x1;
	v20 =	vmul.f32 v43, v20;
	v27 =	vadd.f32 $-1.500000000e+01, v45;
	v12 =	vadd.f32 $1.000000000e+01, v12  }
0x30e: {  	s8 =	simm.s32 @!p1 $0x0;
	v21 =	vsub.f32 v21, v17;
	v25 =	vmul.f32 v44, v11;
	v13 =	vmul.f32 v16, v13  }
0x30f: {  	s8 =	sshll.u32 s8, $0x6;
	v18 =	vsub.f32 v18, v19;
	v16 =	vmul.f32 v27, v4;
	v20 =	vmul.f32 v12, v20  }
0x310: {  	s15 =	sadd.s32 $0x100, s8;
	v12 =	vadd.f32 v3, v2;
	v2 =	vmul.f32 v21, v11;
	v21 =	vmul.f32 v48, v10  }
0x311: {  	s8 =	sor.u32 $0x80, s15;
	v3 =	vadd.f32 v25, v34;
	v25 =	vmul.f32 v4, v4;
	v18 =	vmul.f32 v18, v20  }
0x312: {  	s24 =	sor.u32 $0xB0, s15;
	v11 =	vld [tilespmem:s8+$0x680];
	v13 =	vadd.f32 v13, v22;
	v22 =	vmul.f32 v14, v14;
	v20 =	vmul.f32 v26, v20  }
0x313: {  	s22 =	sor.u32 $0x90, s15;
	v26 =	vadd.f32 v2, v17;
	v17 =	vmul.f32 v10, v10;
	v18 =	vadd.f32 v18, v19;
	v19 =	vld [tilespmem:s24+$0x680]  }
0x314: {  	s15 =	sor.u32 $0xA0, s15;
	v4 =	vmul.f32 v25, v4;
	v2 =	vadd.f32 v20, v23;
	v20 =	vadd.f32 $1.000000000e+01, v16;
	v16 =	vld [tilespmem:s22+$0x680]  }
0x315: {  	v21 =	vadd.f32 $1.000000000e+01, v21;
	v14 =	vmul.f32 v22, v14;
	v23 =	vmul.f32 v17, v10;
	v10 =	vld [tilespmem:s15+$0x680]  }
0x316: {  	v22 =	vadd.f32 $1.000000000e+01, v24;
	v24 =	vsub.f32 v3, v26;
	v20 =	vmul.f32 v20, v4  }
0x317: {  	v15 =	vsub.f32 v15, v13;
	v4 =	vtrunc.f32 v11;
	v21 =	vmul.f32 v21, v23;
	v23 =	vld [tilespmem:s15+$0x4680]  }
0x318: {  	vm9 =	vlt.f32 v11, v4;
	v20 =	vmul.f32 v24, v20;
	v3 =	vtrunc.f32 v19  }
0x319: {  	v27 =	vtrunc.f32 v16;
	v17 =	vcvt.f32.s32 v3;
	vm8 =	vlt.f32 v19, v3  }
0x31a: {  	v3 =	vcvt.f32.s32 v4;
	v4 =	vtrunc.f32 v10;
	v25 =	vsel vm8, $0xFFFFFFFF, v0  }
0x31b: {  	vm10 =	vlt.f32 v16, v27;
	v51 =	vcvt.f32.s32 v4;
	v25 =	vadd.s32 v17, v25  }
0x31c: {  	v29 =	vld [tilespmem:s24+$0x4680];
	vm11 =	vlt.f32 v10, v4;
	v44 =	vtrunc.f32 v23;
	v50 =	vand.u32 $0xFF, v25  }
0x31d: {  	v17 =	vcvt.f32.s32 v27;
	v27 =	vsel vm9, $0xFFFFFFFF, v0;
	v4 =	vsel vm11, $0xFFFFFFFF, v0  }
0x31e: {  	vm15 =	vlt.f32 v23, v44;
	v27 =	vadd.s32 v3, v27;
	v3 =	vsel vm10, $0xFFFFFFFF, v0  }
0x31f: {  	v30 =	vadd.s32 v51, v4;
	v4 =	vsub.f32 v18, v2;
	v52 =	vand.u32 $0xFF, v27  }
0x320: {  	v37 =	vld [tilespmem:s22+$0x4680];
	v25 =	vcvt.s32.f32 v25;
	v53 =	vadd.s32 v17, v3;
	v55 =	vadd.s32 $0x1, v50  }
0x321: {  	v56 =	vand.u32 $0xFF, v30;
	v3 =	vtrunc.f32 v29;
	v27 =	vcvt.s32.f32 v27;
	v28 =	vld.idx.msk [tilespmem:v50+s6+$0x0], $0xffff  }
0x322: {  	v17 =	vld [tilespmem:s8+$0x4680];
	v57 =	vadd.s32 $0x1, v52;
	v59 =	vcvt.f32.s32 v3;
	vm12 =	vlt.f32 v29, v3  }
0x323: {  	v30 =	vcvt.s32.f32 v30;
	v60 =	vadd.s32 $0x1, v56;
	v61 =	vsel vm12, $0xFFFFFFFF, v0  }
0x324: {  	v54 =	vand.u32 $0xFF, v53;
	v3 =	vmul.f32 v22, v14;
	v22 =	vadd.s32 v59, v61;
	v18 =	vld.idx.msk [tilespmem:v52+s6+$0x0], $0xffff  }
0x325: {  	v14 =	vmul.f32 v15, v21;
	v58 =	vadd.s32 $0x1, v54;
	v24 =	vand.u32 $0xFF, v22;
	v9 =	vld.idx.msk [tilespmem:v55+s6+$0x0], $0xffff  }
0x326: {  	v15 =	vadd.f32 v20, v26;
	v20 =	vtrunc.f32 v37;
	v35 =	vld.idx.msk [tilespmem:v56+s6+$0x0], $0xffff;
	v28 =	vadd.s32 v28, v24  }
0x327: {  	v36 =	vsel vm15, $0xFFFFFFFF, v0;
	v32 =	vcvt.s32.f32 v53;
	v21 =	vtrunc.f32 v17;
	v62 =	vld.idx.msk [tilespmem:v57+s6+$0x0], $0xffff  }
0x328: {  	v26 =	vcvt.f32.s32 v21;
	vm13 =	vlt.f32 v17, v21;
	v21 =	vld.idx.msk [tilespmem:v60+s6+$0x0], $0xffff;
	v45 =	vadd.s32 $0x1, v28  }
0x329: {  	v46 =	vcvt.f32.s32 v20;
	vm14 =	vlt.f32 v37, v20;
	v20 =	vcvt.f32.s32 v44;
	v33 =	vld.idx.msk [tilespmem:v54+s6+$0x0], $0xffff  }
0x32a: {  	v19 =	vsub.f32 v19, v25;
	v27 =	vsub.f32 v11, v27;
	v63 =	vld.idx.msk [tilespmem:v58+s6+$0x0], $0xffff;
	v9 =	vadd.s32 v9, v24  }
0x32b: {  	v30 =	vsub.f32 v10, v30;
	v20 =	vadd.s32 v20, v36;
	v47 =	vsel vm13, $0xFFFFFFFF, v0;
	v48 =	vld.idx.msk [tilespmem:v28+s19+$0x0], $0xffff  }
0x32c: {  	v52 =	vand.u32 $0xFF, v20;
	v26 =	vadd.s32 v26, v47;
	v49 =	vadd.s32 $0x1, v9;
	v28 =	vld.idx.msk [tilespmem:v28+s20+$0x0], $0xffff  }
0x32d: {  	v22 =	vcvt.s32.f32 v22;
	v50 =	vand.u32 $0xFF, v26;
	v35 =	vadd.s32 v35, v52;
	v51 =	vld.idx.msk [tilespmem:v45+s19+$0x0], $0xffff  }
0x32e: {  	v31 =	vadd.s32 v62, v50;
	v21 =	vadd.s32 v21, v52;
	v52 =	vadd.s32 $0x1, v35;
	v38 =	vld.idx.msk [tilespmem:v45+s20+$0x0], $0xffff  }
0x32f: {  	v32 =	vsub.f32 v16, v32;
	v20 =	vcvt.s32.f32 v20;
	v54 =	vadd.s32 $0x1, v31;
	v53 =	vld.idx.msk [tilespmem:v9+s19+$0x0], $0xffff  }
0x330: {  	v22 =	vsub.f32 v29, v22;
	v57 =	vmul.f32 $6.000000000e+00, v19;
	v47 =	vmul.f32 $6.000000000e+00, v30;
	v9 =	vld.idx.msk [tilespmem:v9+s20+$0x0], $0xffff  }
0x331: {  	v11 =	vcvt.s32.f32 v26;
	v24 =	vsel vm14, $0xFFFFFFFF, v0;
	v60 =	vadd.s32 $0x1, v21;
	v25 =	vld.idx.msk [tilespmem:v49+s19+$0x0], $0xffff  }
0x332: {  	v18 =	vadd.s32 v18, v50;
	v24 =	vadd.s32 v46, v24;
	v62 =	vmul.f32 v19, v19;
	v56 =	vld.idx.msk [tilespmem:v49+s20+$0x0], $0xffff  }
0x333: {  	v10 =	vsub.f32 v17, v11;
	v11 =	vsub.f32 v23, v20;
	v39 =	vand.u32 $0xFF, v24;
	v23 =	vld.idx.msk [tilespmem:v52+s19+$0x0], $0xffff  }
0x334: {  	v34 =	vadd.s32 v63, v39;
	v33 =	vadd.s32 v33, v39;
	v39 =	vadd.f32 $-1.500000000e+01, v57;
	v61 =	vld.idx.msk [tilespmem:v54+s19+$0x0], $0xffff  }
0x335: {  	[tilespmem:s3+$0x8680] =	vst v6;
	v24 =	vcvt.s32.f32 v24;
	v63 =	vadd.s32 $0x1, v18;
	v6 =	vmul.f32 $6.000000000e+00, v11;
	v44 =	vld.idx.msk [tilespmem:v54+s20+$0x0], $0xffff  }
0x336: {  	v59 =	vadd.f32 $-1.000000000e+00, v19;
	v39 =	vmul.f32 v39, v19;
	v26 =	vld.idx.msk [tilespmem:v60+s19+$0x0], $0xffff;
	v54 =	vmul.f32 $6.000000000e+00, v32  }
0x337: {  	v58 =	vadd.f32 $-1.000000000e+00, v22;
	v43 =	vld.idx.msk [tilespmem:v60+s20+$0x0], $0xffff;
	v41 =	vmul.f32 v19, v48;
	v28 =	vmul.f32 v22, v28  }
0x338: {  	v57 =	vadd.f32 $-1.000000000e+00, v10;
	v60 =	vld.idx.msk [tilespmem:v52+s20+$0x0], $0xffff;
	v48 =	vmul.f32 $6.000000000e+00, v22;
	v40 =	vmul.f32 v19, v51  }
0x339: {  	v55 =	vadd.s32 $0x1, v34;
	v52 =	vld.idx.msk [tilespmem:v35+s19+$0x0], $0xffff;
	v38 =	vmul.f32 v58, v38;
	v36 =	vmul.f32 v59, v53  }
0x33a: {  	v49 =	vadd.s32 $0x1, v33;
	v16 =	vld.idx.msk [tilespmem:v63+s19+$0x0], $0xffff;
	v9 =	vmul.f32 v9, v22;
	v19 =	vmul.f32 v62, v19  }
0x33b: {  	v39 =	vadd.f32 $1.000000000e+01, v39;
	v20 =	vld.idx.msk [tilespmem:v34+s20+$0x0], $0xffff;
	v51 =	vmul.f32 v22, v22;
	v53 =	vmul.f32 $6.000000000e+00, v27  }
0x33c: {  	v62 =	vld.idx.msk [tilespmem:v21+s19+$0x0], $0xffff;
	v25 =	vmul.f32 v25, v59;
	v28 =	vadd.f32 v28, v41;
	v50 =	vadd.f32 $-1.500000000e+01, v48  }
0x33d: {  	v29 =	vmul.f32 v56, v58;
	v41 =	vld.idx.msk [tilespmem:v63+s20+$0x0], $0xffff;
	v56 =	vadd.f32 $-1.000000000e+00, v27;
	v63 =	vadd.f32 $-1.000000000e+00, v30  }
0x33e: {  	v21 =	vld.idx.msk [tilespmem:v21+s20+$0x0], $0xffff;
	v48 =	vadd.f32 $-1.000000000e+00, v11;
	v38 =	vadd.f32 v38, v40;
	v19 =	vmul.f32 v39, v19  }
0x33f: {  	v45 =	vld.idx.msk [tilespmem:v55+s20+$0x0], $0xffff;
	v9 =	vadd.f32 v9, v36;
	v59 =	vmul.f32 v44, v57;
	v36 =	vmul.f32 v30, v52  }
0x340: {  	v17 =	vld.idx.msk [tilespmem:v49+s19+$0x0], $0xffff;
	v25 =	vadd.f32 v29, v25;
	v29 =	vmul.f32 v50, v22;
	v22 =	vmul.f32 v51, v22  }
0x341: {  	v40 =	vld.idx.msk [tilespmem:v55+s19+$0x0], $0xffff;
	v58 =	vmul.f32 v61, v56;
	v16 =	vmul.f32 v27, v16;
	v50 =	vadd.f32 $-1.500000000e+01, v47  }
0x342: {  	v55 =	vld.idx.msk [tilespmem:v34+s19+$0x0], $0xffff;
	v26 =	vmul.f32 v26, v63;
	v43 =	vmul.f32 v43, v48;
	v9 =	vsub.f32 v9, v28  }
0x343: {  	v51 =	vld.idx.msk [tilespmem:v33+s19+$0x0], $0xffff;
	v25 =	vsub.f32 v25, v38;
	v29 =	vadd.f32 $1.000000000e+01, v29;
	v21 =	vmul.f32 v21, v11  }
0x344: {  	v33 =	vld.idx.msk [tilespmem:v33+s20+$0x0], $0xffff;
	v34 =	vadd.f32 v59, v58;
	v58 =	vmul.f32 v32, v32;
	v9 =	vmul.f32 v9, v19  }
0x345: {  	v19 =	vmul.f32 v25, v19;
	v22 =	vmul.f32 v29, v22;
	v29 =	vadd.f32 $-1.500000000e+01, v54  }
0x346: {  	v17 =	vmul.f32 v32, v17;
	v25 =	vld.idx.msk [tilespmem:v31+s19+$0x0], $0xffff;
	v28 =	vadd.f32 v9, v28;
	v9 =	vsub.f32 v37, v24  }
0x347: {  	v31 =	vld.idx.msk [tilespmem:v31+s20+$0x0], $0xffff;
	v19 =	vadd.f32 v19, v38;
	v38 =	vmul.f32 v57, v41;
	v29 =	vmul.f32 v29, v32  }
0x348: {  	v24 =	vld.idx.msk [tilespmem:v49+s20+$0x0], $0xffff;
	v57 =	vmul.f32 v27, v27;
	v61 =	vadd.f32 $-1.000000000e+00, v9;
	v20 =	vmul.f32 v20, v9  }
0x349: {  	v49 =	vld.idx.msk [tilespmem:v18+s19+$0x0], $0xffff;
	v33 =	vmul.f32 v9, v33;
	v38 =	vadd.f32 v38, v16;
	v16 =	vmul.f32 v30, v23  }
0x34a: {  	v19 =	vsub.f32 v19, v28;
	v23 =	vmul.f32 v48, v60;
	v60 =	vmul.f32 $6.000000000e+00, v10  }
0x34b: {  	v26 =	vadd.f32 v43, v26;
	v45 =	vmul.f32 v45, v61;
	v25 =	vmul.f32 v56, v25  }
0x34c: {  	v29 =	vadd.f32 $1.000000000e+01, v29;
	v31 =	vmul.f32 v31, v10;
	v19 =	vmul.f32 v19, v22  }
0x34d: {  	v22 =	vadd.f32 $-1.500000000e+01, v53;
	v24 =	vmul.f32 v61, v24;
	v53 =	vmul.f32 v63, v62  }
0x34e: {  	[tilespmem:s16+$0x8680] =	vst v8;
	v18 =	vld.idx.msk [tilespmem:v18+s20+$0x0], $0xffff;
	v54 =	vmul.f32 v27, v49;
	v59 =	vsub.f32 v34, v38;
	v8 =	vadd.f32 $-1.500000000e+01, v60  }
0x34f: {  	v35 =	vld.idx.msk [tilespmem:v35+s20+$0x0], $0xffff;
	v61 =	vmul.f32 $6.000000000e+00, v9;
	v25 =	vadd.f32 v31, v25;
	v28 =	vadd.f32 v19, v28  }
0x350: {  	v19 =	vadd.f32 $-1.000000000e+00, v32;
	v22 =	vmul.f32 v22, v27;
	v17 =	vadd.f32 v24, v17  }
0x351: {  	v24 =	vmul.f32 v32, v51;
	v21 =	vadd.f32 v21, v53;
	v27 =	vmul.f32 v57, v27  }
0x352: {  	[tilespmem:s0+$0x8680] =	vst v12;
	v32 =	vmul.f32 v58, v32;
	v12 =	vadd.f32 $-1.500000000e+01, v61;
	v40 =	vmul.f32 v40, v19  }
0x353: {  	v22 =	vadd.f32 $1.000000000e+01, v22;
	v19 =	vmul.f32 v19, v55;
	v55 =	vmul.f32 v10, v18  }
0x354: {  	v18 =	vadd.f32 v23, v16;
	v16 =	vmul.f32 v11, v35;
	v40 =	vadd.f32 v45, v40  }
0x355: {  	v23 =	vmul.f32 v50, v30;
	v56 =	vadd.f32 v20, v19;
	v20 =	vadd.f32 v55, v54  }
0x356: {  	v19 =	vadd.f32 v33, v24;
	v24 =	vmul.f32 v30, v30;
	v16 =	vadd.f32 v16, v36  }
0x357: {  	[tilespmem:s4+$0x8680] =	vst v7;
	v23 =	vadd.f32 $1.000000000e+01, v23;
	v26 =	vsub.f32 v26, v18;
	v7 =	vmul.f32 v22, v27  }
0x358: {  	v24 =	vmul.f32 v24, v30;
	v62 =	vsub.f32 v40, v17;
	v25 =	vsub.f32 v25, v20  }
0x359: {  	v29 =	vmul.f32 v29, v32;
	v27 =	vsub.f32 v56, v19;
	v21 =	vsub.f32 v21, v16  }
0x35a: {  	v63 =	vmul.f32 v59, v7;
	v22 =	vmul.f32 v23, v24;
	v23 =	vadd.f32 $-1.500000000e+01, v6  }
0x35b: {  	[tilespmem:s23+$0x8680] =	vst v15;
	v24 =	vmul.f32 v62, v29;
	v6 =	vadd.f32 v14, v13;
	v14 =	vmul.f32 v25, v7  }
0x35c: {  	p1 =	por !p1, !p1;
	s3 =	simm.s32 $0x80;
	s0 =	simm.s32 $0x100;
	[tilespmem:s24+$0x8680] =	vst v28;
	v7 =	vadd.f32 v63, v38;
	v13 =	vmul.f32 v27, v29;
	v15 =	vmul.f32 v26, v22  }
.LBB2_21:
0x35d: {  	s4 =	simm.s32 $0x1  }
0x35e: {  	v8 =	vmul.f32 v8, v10;
	v17 =	vadd.f32 v24, v17;
	v21 =	vmul.f32 v21, v22;
	[tilespmem:s31+$0x8680] =	vst v6;
	s31 =	smov.u32 s22;
	s4 =	simm.s32 @!p1 $0x0  }
0x35f: {  	v12 =	vmul.f32 v12, v9;
	v22 =	vmul.f32 v23, v11;
	v15 =	vadd.f32 v15, v18;
	s0 =	sadd.s32 $0x80, s0;
	s4 =	sshll.u32 s4, $0x6  }
0x360: {  	v18 =	vmul.f32 v10, v10;
	v20 =	vadd.f32 v14, v20;
	v14 =	vmul.f32 v9, v9;
	s23 =	sadd.s32 s4, s0  }
0x361: {  	v6 =	vadd.f32 v13, v19;
	v19 =	vmul.f32 v11, v11;
	v16 =	vadd.f32 v21, v16;
	s16 =	sor.u32 $0x80, s23;
	s22 =	sor.u32 $0x90, s23;
	s4 =	sor.u32 $0xB0, s23  }
0x362: {  	v18 =	vmul.f32 v18, v10;
	v8 =	vadd.f32 $1.000000000e+01, v8;
	v21 =	vadd.f32 $1.000000000e+01, v12;
	s23 =	sor.u32 $0xA0, s23;
	v13 =	vld [tilespmem:s4+$0x680]  }
0x363: {  	s3 =	sadd.s32 $0x40, s3;
	v9 =	vmul.f32 v14, v9;
	v11 =	vmul.f32 v19, v11;
	v19 =	vadd.f32 $1.000000000e+01, v22;
	v10 =	vld [tilespmem:s16+$0x680]  }
0x364: {  	p2 =	slt.u32 s3, $0x1FC0;
	v7 =	vsub.f32 v7, v20;
	v17 =	vsub.f32 v17, v6;
	v8 =	vmul.f32 v8, v18;
	v12 =	vld [tilespmem:s22+$0x680]  }
0x365: {  	v15 =	vsub.f32 v15, v16;
	v18 =	vmul.f32 v21, v9;
	v19 =	vmul.f32 v19, v11;
	v14 =	vld [tilespmem:s23+$0x680]  }
0x366: {  	v22 =	vadd.f32 v5, v1;
	v5 =	vmul.f32 v4, v3;
	v1 =	vmovc v2;
	v21 =	vmul.f32 v7, v8;
	v9 =	vld [tilespmem:s16+$0x4680]  }
0x367: {  	v2 =	vmovc v16;
	v4 =	vmovc v15;
	v7 =	vmul.f32 v17, v18;
	v3 =	vmov v19;
	v11 =	vld [tilespmem:s22+$0x4680];
	v23 =	vtrunc.f32 v13  }
0x368: {  	v15 =	vtrunc.f32 v10;
	v8 =	vld [tilespmem:s23+$0x4680];
	v16 =	vcvt.f32.s32 v23;
	vm0 =	vlt.f32 v13, v23;
	[tilespmem:s29+$0x8680] =	vst v22;
	s29 =	smov.u32 s30;
	s30 =	smov.u32 s15;
	s15 =	smov.u32 s23  }
0x369: {  	v17 =	vcvt.f32.s32 v15;
	v18 =	vtrunc.f32 v12;
	v19 =	vsel vm0, $0xFFFFFFFF, v0  }
0x36a: {  	vm0 =	vlt.f32 v10, v15;
	v15 =	vtrunc.f32 v14;
	v16 =	vadd.s32 v16, v19  }
0x36b: {  	v19 =	vcvt.f32.s32 v18;
	vm1 =	vlt.f32 v12, v18;
	v18 =	vand.u32 $0xFF, v16  }
0x36c: {  	v22 =	vsel vm0, $0xFFFFFFFF, v0;
	v23 =	vcvt.f32.s32 v15;
	vm0 =	vlt.f32 v14, v15;
	v24 =	vld [tilespmem:s4+$0x4680]  }
0x36d: {  	v15 =	vadd.s32 v17, v22;
	v17 =	vsel vm1, $0xFFFFFFFF, v0;
	v22 =	vsel vm0, $0xFFFFFFFF, v0  }
0x36e: {  	v25 =	vand.u32 $0xFF, v15;
	v17 =	vadd.s32 v19, v17;
	v19 =	vadd.s32 v23, v22  }
0x36f: {  	v26 =	vadd.s32 $0x1, v18;
	v22 =	vand.u32 $0xFF, v17;
	v23 =	vand.u32 $0xFF, v19  }
0x370: {  	v27 =	vadd.s32 $0x1, v25;
	v28 =	vadd.s32 $0x1, v22;
	v29 =	vadd.s32 $0x1, v23;
	v18 =	vld.idx.msk [tilespmem:v18+s6+$0x0], $0xffff  }
0x371: {  	v20 =	vadd.f32 v21, v20;
	v30 =	vtrunc.f32 v9;
	v31 =	vtrunc.f32 v24  }
0x372: {  	v21 =	vtrunc.f32 v11;
	v32 =	vcvt.f32.s32 v31;
	vm0 =	vlt.f32 v24, v31  }
0x373: {  	v33 =	vtrunc.f32 v8;
	v31 =	vcvt.f32.s32 v30;
	v25 =	vld.idx.msk [tilespmem:v25+s6+$0x0], $0xffff;
	v34 =	vsel vm0, $0xFFFFFFFF, v0;
	[tilespmem:s8+$0x8680] =	vst v20;
	s8 =	smov.u32 s16  }
0x374: {  	vm0 =	vlt.f32 v9, v30;
	v20 =	vcvt.f32.s32 v21;
	v30 =	vadd.s32 v32, v34;
	v26 =	vld.idx.msk [tilespmem:v26+s6+$0x0], $0xffff  }
0x375: {  	vm1 =	vlt.f32 v11, v21;
	v21 =	vcvt.f32.s32 v33;
	v27 =	vld.idx.msk [tilespmem:v27+s6+$0x0], $0xffff;
	v32 =	vand.u32 $0xFF, v30  }
0x376: {  	v34 =	vsel vm0, $0xFFFFFFFF, v0;
	vm0 =	vlt.f32 v8, v33;
	v28 =	vld.idx.msk [tilespmem:v28+s6+$0x0], $0xffff;
	v18 =	vadd.s32 v18, v32  }
0x377: {  	v33 =	vsel vm1, $0xFFFFFFFF, v0;
	v31 =	vadd.s32 v31, v34;
	v34 =	vsel vm0, $0xFFFFFFFF, v0;
	v29 =	vld.idx.msk [tilespmem:v29+s6+$0x0], $0xffff  }
0x378: {  	v20 =	vadd.s32 v20, v33;
	v21 =	vadd.s32 v21, v34;
	v33 =	vadd.s32 $0x1, v18;
	v22 =	vld.idx.msk [tilespmem:v22+s6+$0x0], $0xffff  }
0x379: {  	v34 =	vand.u32 $0xFF, v31;
	v35 =	vand.u32 $0xFF, v20;
	v36 =	vand.u32 $0xFF, v21;
	v23 =	vld.idx.msk [tilespmem:v23+s6+$0x0], $0xffff  }
0x37a: {  	v37 =	vcvt.s32.f32 v15;
	v38 =	vcvt.s32.f32 v17;
	v26 =	vadd.s32 v26, v32  }
0x37b: {  	v19 =	vcvt.s32.f32 v19;
	v15 =	vadd.s32 v25, v34;
	v25 =	vadd.s32 v27, v34;
	v27 =	vld.idx.msk [tilespmem:v18+s19+$0x0], $0xffff  }
0x37c: {  	v16 =	vcvt.s32.f32 v16;
	v32 =	vadd.s32 $0x1, v26;
	v28 =	vadd.s32 v28, v35;
	v18 =	vld.idx.msk [tilespmem:v18+s20+$0x0], $0xffff  }
0x37d: {  	v34 =	vadd.s32 $0x1, v25;
	v39 =	vadd.s32 $0x1, v28;
	v29 =	vadd.s32 v29, v36;
	v40 =	vld.idx.msk [tilespmem:v33+s19+$0x0], $0xffff  }
0x37e: {  	v17 =	vadd.s32 v22, v35;
	v22 =	vadd.s32 $0x1, v29;
	v35 =	vsub.f32 v13, v16;
	v33 =	vld.idx.msk [tilespmem:v33+s20+$0x0], $0xffff  }
0x37f: {  	v41 =	vadd.s32 $0x1, v15;
	v42 =	vadd.s32 $0x1, v17;
	v16 =	vadd.s32 v23, v36;
	v23 =	vld.idx.msk [tilespmem:v26+s19+$0x0], $0xffff  }
0x380: {  	v30 =	vcvt.s32.f32 v30;
	v36 =	vadd.s32 $0x1, v16;
	v43 =	vmul.f32 $6.000000000e+00, v35;
	v26 =	vld.idx.msk [tilespmem:v26+s20+$0x0], $0xffff  }
0x381: {  	v12 =	vsub.f32 v12, v38;
	v13 =	vsub.f32 v10, v37;
	v10 =	vcvt.s32.f32 v31;
	v31 =	vld.idx.msk [tilespmem:v32+s19+$0x0], $0xffff  }
0x382: {  	v20 =	vcvt.s32.f32 v20;
	v24 =	vsub.f32 v24, v30;
	v30 =	vadd.f32 $-1.500000000e+01, v43;
	v32 =	vld.idx.msk [tilespmem:v32+s20+$0x0], $0xffff  }
0x383: {  	v14 =	vsub.f32 v14, v19;
	v19 =	vcvt.s32.f32 v21;
	v37 =	vmul.f32 $6.000000000e+00, v13;
	v38 =	vld.idx.msk [tilespmem:v34+s19+$0x0], $0xffff  }
0x384: {  	v43 =	vadd.f32 $-1.000000000e+00, v24;
	v30 =	vmul.f32 v30, v35;
	v21 =	vld.idx.msk [tilespmem:v34+s20+$0x0], $0xffff;
	v34 =	vmul.f32 v35, v35  }
0x385: {  	v45 =	vadd.f32 $-1.000000000e+00, v35;
	v27 =	vmul.f32 v35, v27;
	v18 =	vmul.f32 v24, v18;
	v44 =	vld.idx.msk [tilespmem:v39+s19+$0x0], $0xffff  }
0x386: {  	v10 =	vsub.f32 v9, v10;
	v40 =	vmul.f32 v35, v40;
	v33 =	vmul.f32 v43, v33;
	v39 =	vld.idx.msk [tilespmem:v39+s20+$0x0], $0xffff  }
0x387: {  	v9 =	vsub.f32 v11, v20;
	v11 =	vmul.f32 v45, v23;
	v23 =	vmul.f32 v26, v24;
	v20 =	vld.idx.msk [tilespmem:v22+s19+$0x0], $0xffff  }
0x388: {  	v26 =	vadd.f32 $1.000000000e+01, v30;
	v30 =	vmul.f32 v31, v45;
	v31 =	vmul.f32 v32, v43;
	v22 =	vld.idx.msk [tilespmem:v22+s20+$0x0], $0xffff  }
0x389: {  	v18 =	vadd.f32 v18, v27;
	v27 =	vadd.f32 v33, v40;
	v43 =	vmul.f32 $6.000000000e+00, v24;
	v32 =	vld.idx.msk [tilespmem:v41+s19+$0x0], $0xffff  }
0x38a: {  	v34 =	vmul.f32 v34, v35;
	v11 =	vadd.f32 v23, v11;
	v23 =	vadd.f32 v31, v30;
	v33 =	vld.idx.msk [tilespmem:v41+s20+$0x0], $0xffff  }
0x38b: {  	v35 =	vmul.f32 $6.000000000e+00, v14;
	v31 =	vmul.f32 $6.000000000e+00, v12;
	v40 =	vadd.f32 $-1.500000000e+01, v43;
	v30 =	vld.idx.msk [tilespmem:v25+s19+$0x0], $0xffff  }
0x38c: {  	v26 =	vmul.f32 v26, v34;
	v34 =	vsub.f32 v11, v18;
	v23 =	vsub.f32 v23, v27;
	v25 =	vld.idx.msk [tilespmem:v25+s20+$0x0], $0xffff  }
0x38d: {  	v11 =	vsub.f32 v8, v19;
	v8 =	vmul.f32 v24, v24;
	v19 =	vmul.f32 v40, v24;
	v41 =	vld.idx.msk [tilespmem:v42+s19+$0x0], $0xffff  }
0x38e: {  	v37 =	vadd.f32 $-1.500000000e+01, v37;
	v34 =	vmul.f32 v34, v26;
	v23 =	vmul.f32 v23, v26;
	v40 =	vld.idx.msk [tilespmem:v42+s20+$0x0], $0xffff  }
0x38f: {  	v31 =	vadd.f32 $-1.500000000e+01, v31;
	v19 =	vadd.f32 $1.000000000e+01, v19;
	v26 =	vmul.f32 v13, v32;
	v32 =	vld.idx.msk [tilespmem:v28+s19+$0x0], $0xffff  }
0x390: {  	v8 =	vmul.f32 v8, v24;
	v18 =	vadd.f32 v34, v18;
	v23 =	vadd.f32 v23, v27;
	v28 =	vld.idx.msk [tilespmem:v28+s20+$0x0], $0xffff  }
0x391: {  	v24 =	vmul.f32 v37, v13;
	v34 =	vadd.f32 $-1.500000000e+01, v35;
	v27 =	vadd.f32 $-1.000000000e+00, v13;
	v35 =	vld.idx.msk [tilespmem:v36+s19+$0x0], $0xffff  }
0x392: {  	v37 =	vadd.f32 $-1.000000000e+00, v10;
	v8 =	vmul.f32 v19, v8;
	v19 =	vsub.f32 v23, v18;
	v36 =	vld.idx.msk [tilespmem:v36+s20+$0x0], $0xffff  }
0x393: {  	v42 =	vadd.f32 $-1.000000000e+00, v9;
	v23 =	vmul.f32 v38, v27;
	v38 =	vadd.f32 $-1.000000000e+00, v12;
	v43 =	vld.idx.msk [tilespmem:v29+s19+$0x0], $0xffff  }
0x394: {  	v45 =	vadd.f32 $-1.000000000e+00, v14;
	v46 =	vadd.f32 $-1.000000000e+00, v11;
	v8 =	vmul.f32 v19, v8;
	v29 =	vld.idx.msk [tilespmem:v29+s20+$0x0], $0xffff  }
0x395: {  	v24 =	vadd.f32 $1.000000000e+01, v24;
	v21 =	vmul.f32 v21, v37;
	v44 =	vmul.f32 v44, v38;
	v19 =	vld.idx.msk [tilespmem:v15+s19+$0x0], $0xffff  }
0x396: {  	v20 =	vmul.f32 v20, v45;
	v39 =	vmul.f32 v39, v42;
	v8 =	vadd.f32 v8, v18;
	v15 =	vld.idx.msk [tilespmem:v15+s20+$0x0], $0xffff  }
0x397: {  	v22 =	vmul.f32 v22, v46;
	v21 =	vadd.f32 v21, v23;
	v18 =	vmul.f32 v37, v33;
	v23 =	vld.idx.msk [tilespmem:v17+s19+$0x0], $0xffff  }
0x398: {  	v27 =	vmul.f32 v27, v30;
	v25 =	vmul.f32 v25, v10;
	v30 =	vld.idx.msk [tilespmem:v17+s20+$0x0], $0xffff;
	[tilespmem:s4+$0x8680] =	vst v8  }
0x399: {  	v33 =	vadd.f32 v39, v44;
	v8 =	vmul.f32 v12, v41;
	v17 =	vmul.f32 v42, v40;
	v37 =	vld.idx.msk [tilespmem:v16+s19+$0x0], $0xffff  }
0x39a: {  	v22 =	vadd.f32 v22, v20;
	v32 =	vmul.f32 v38, v32;
	v28 =	vmul.f32 v28, v9;
	v16 =	vld.idx.msk [tilespmem:v16+s20+$0x0], $0xffff  }
0x39b: {  	v26 =	vadd.f32 v18, v26;
	v18 =	vmul.f32 v14, v35;
	v20 =	vmul.f32 v46, v36  }
0x39c: {  	v25 =	vadd.f32 v25, v27;
	v27 =	vmul.f32 v45, v43;
	v29 =	vmul.f32 v29, v11  }
0x39d: {  	v19 =	vmul.f32 v13, v19;
	v17 =	vadd.f32 v17, v8;
	v15 =	vmul.f32 v10, v15  }
0x39e: {  	v28 =	vadd.f32 v28, v32;
	v8 =	vmul.f32 v12, v23;
	v23 =	vmul.f32 v9, v30  }
0x39f: {  	v18 =	vadd.f32 v20, v18;
	v30 =	vmul.f32 v31, v12;
	v31 =	vmul.f32 v14, v37  }
0x3a0: {  	v32 =	vmul.f32 v34, v14;
	v27 =	vadd.f32 v29, v27;
	v16 =	vmul.f32 v11, v16  }
0x3a1: {  	v29 =	vmul.f32 v13, v13;
	v20 =	vadd.f32 v15, v19;
	v15 =	vmul.f32 v12, v12  }
0x3a2: {  	v19 =	vadd.f32 v23, v8;
	v8 =	vmul.f32 v14, v14;
	v16 =	vadd.f32 v16, v31  }
0x3a3: {  	v13 =	vmul.f32 v29, v13;
	v29 =	vadd.f32 $1.000000000e+01, v32;
	v23 =	vadd.f32 $1.000000000e+01, v30  }
0x3a4: {  	v30 =	vsub.f32 v21, v26;
	v12 =	vmul.f32 v15, v12;
	v14 =	vmul.f32 v8, v14  }
0x3a5: {  	v15 =	vmul.f32 $6.000000000e+00, v9;
	v8 =	vmul.f32 $6.000000000e+00, v10;
	v31 =	vsub.f32 v33, v17  }
0x3a6: {  	v32 =	vmul.f32 $6.000000000e+00, v11;
	v25 =	vsub.f32 v25, v20;
	v33 =	vsub.f32 v22, v18  }
.Ltmp11:
0x3a7: {  	v13 =	vmul.f32 v24, v13;
	v28 =	vsub.f32 v28, v19;
	v21 =	vsub.f32 v27, v16;
	(pc) =	sbr.rel @p2 .LBB2_21-.Ltmp11, $4  }
0x3a8: {  	v8 =	vadd.f32 $-1.500000000e+01, v8;
	v27 =	vmul.f32 v23, v12;
	v22 =	vmul.f32 v29, v14  }
0x3a9: {  	v29 =	vmul.f32 v30, v13;
	v12 =	vadd.f32 $-1.500000000e+01, v15;
	v23 =	vadd.f32 $-1.500000000e+01, v32  }
0x3aa: {  	v6 =	vadd.f32 v7, v6;
	v24 =	vmul.f32 v31, v27;
	v15 =	vmul.f32 v33, v22  }
0x3ab: {  	p1 =	por !p1, !p1;
	v14 =	vmul.f32 v25, v13;
	v7 =	vadd.f32 v29, v26;
	v13 =	vmul.f32 v28, v27  }
0x3ac: {  	v8 =	vmul.f32 v8, v10;
	v17 =	vadd.f32 v24, v17;
	v21 =	vmul.f32 v21, v22  }
0x3ad: {  	v12 =	vmul.f32 v12, v9;
	v53 =	vmul.f32 v23, v11;
	v15 =	vadd.f32 v15, v18  }
0x3ae: {  	v54 =	vmul.f32 v10, v10;
	v55 =	vmul.f32 v9, v9;
	v1 =	vadd.f32 v5, v1  }
0x3af: {  	v56 =	vmul.f32 v11, v11;
	v14 =	vadd.f32 v14, v20;
	v13 =	vadd.f32 v13, v19  }
0x3b0: {  	v10 =	vmul.f32 v54, v10;
	v12 =	vadd.f32 $1.000000000e+01, v12;
	v9 =	vmul.f32 v55, v9  }
0x3b1: {  	v8 =	vadd.f32 $1.000000000e+01, v8;
	v11 =	vmul.f32 v56, v11;
	v57 =	vadd.f32 $1.000000000e+01, v53  }
0x3b2: {  	v58 =	vadd.f32 v21, v16;
	v59 =	vsub.f32 v17, v13;
	v9 =	vmul.f32 v12, v9  }
0x3b3: {  	v3 =	vmul.f32 v4, v3;
	v7 =	vsub.f32 v7, v14;
	v8 =	vmul.f32 v8, v10  }
0x3b4: {  	v11 =	vmul.f32 v57, v11;
	v60 =	vsub.f32 v15, v58;
	v61 =	vmul.f32 v59, v9  }
0x3b5: {  	[tilespmem:s31+$0x8680] =	vst v6;
	v2 =	vadd.f32 v3, v2;
	v7 =	vmul.f32 v7, v8  }
0x3b6: {  	[tilespmem:s29+$0x8680] =	vst v1;
	v63 =	vmul.f32 v60, v11;
	v1 =	vadd.f32 v61, v13  }
0x3b7: {  	[tilespmem:s30+$0x8680] =	vst v2;
	v62 =	vadd.f32 v7, v14  }
0x3b8: {  	s0 =	sadd.s32 s28, s5;
	[tilespmem:s22+$0x8680] =	vst v1;
	v1 =	vadd.f32 v63, v58  }
0x3b9: {  	s3 =	simm.s32 $0x8700;
	s0 =	sadd.s32 $0x400, s0;
	[tilespmem:s8+$0x8680] =	vst v62  }
0x3ba: {  	s4 =	simm.s32 $0x10;
	s8 =	simm.s32 $0x8800;
	[tilespmem:s15+$0x8680] =	vst v1;
	s15 =	sadd.s32 $0x0, s0  }
.LBB2_23:
0x3bb: {  	[hbm4b:s15+s6] =	stream.linear.scatter [tilespmem:s3], [sflag:$0x4], $0x80, $0x38;
	[tilespmem:$0xC680] =	vst v63  }
0x3bc: {  	s15 =	smov.u32 s4;
	s3 =	smov.u32 s8;
	p1 =	sne.s32 s4, $0x3F0  }
.Ltmp12:
0x3bd: {  	s4 =	sadd.s32 $0x10, s4;
	(pc) =	sbr.rel @p1 .LBB2_23-.Ltmp12, $2  }
0x3be: {  	_ =	sdelay $0x2  }
0x3bf: {  	s8 =	sadd.s32 $0x100, s8;
	s15 =	sadd.s32 s15, s0  }
.Ltmp13:
0x3c0: {  	(pc) =	sbr.rel @p0 .LBB2_30-.Ltmp13, $2  }
0x3c1: {  	_ =	sdelay $0x2  }
0x3c2: {  	[hbm4b:s15+s6] =	stream.linear.scatter [tilespmem:s3], [sflag:$0x4], $0x80, $0x38;
	[tilespmem:$0xC680] =	vst v63  }
0x3c3: {  	s0 =	sadd.s32 s26, s14  }
0x3c4: {  	s0 =	sshrl.u32 s0, $0x3  }
0x3c5: {  	s4 =	simm.s32 $0x700;
	s3 =	sadd.s32 s1, s0  }
0x3c6: {  	s8 =	simm.s32 $0x10;
	s15 =	simm.s32 $0x800;
	s16 =	sadd.s32 $0x0, s3  }
.LBB2_26:
0x3c7: {  	[tilespmem:s4], [sflag:$0x2] =	stream.linear.gather [hbm4b:s16+s6], $0x80, $0x38;
	[tilespmem:$0xC680] =	vst v63  }
0x3c8: {  	s16 =	smov.u32 s8;
	s4 =	smov.u32 s15;
	p0 =	sne.s32 s8, $0x3F0  }
.Ltmp14:
0x3c9: {  	s8 =	sadd.s32 $0x10, s8;
	(pc) =	sbr.rel @p0 .LBB2_26-.Ltmp14, $2  }
0x3ca: {  	_ =	sdelay $0x2  }
0x3cb: {  	s15 =	sadd.s32 $0x100, s15;
	s16 =	sadd.s32 s16, s3  }
0x3cc: {  	[tilespmem:s4], [sflag:$0x2] =	stream.linear.gather [hbm4b:s16+s6], $0x80, $0x38;
	[tilespmem:$0xC680] =	vst v63  }
0x3cd: {  	s0 =	sadd.s32 s2, s0;
	s3 =	simm.s32 $0x4700  }
0x3ce: {  	s4 =	simm.s32 $0x10;
	s8 =	simm.s32 $0x4800;
	s15 =	sadd.s32 $0x0, s0  }
.LBB2_28:
0x3cf: {  	[tilespmem:s3], [sflag:$0x2] =	stream.linear.gather [hbm4b:s15+s6], $0x80, $0x38;
	[tilespmem:$0xC680] =	vst v63  }
0x3d0: {  	s15 =	smov.u32 s4;
	s3 =	smov.u32 s8;
	p0 =	sne.s32 s4, $0x3F0  }
.Ltmp15:
0x3d1: {  	s4 =	sadd.s32 $0x10, s4;
	(pc) =	sbr.rel @p0 .LBB2_28-.Ltmp15, $2  }
0x3d2: {  	_ =	sdelay $0x2  }
0x3d3: {  	s8 =	sadd.s32 $0x100, s8;
	s15 =	sadd.s32 s15, s0  }
.Ltmp16:
0x3d4: {  	(pc) =	sbr.rel .LBB2_10-.Ltmp16, $3  }
0x3d5: {  	_ =	sdelay $0x1  }
0x3d6: {  	[tilespmem:s3], [sflag:$0x2] =	stream.linear.gather [hbm4b:s15+s6], $0x80, $0x38;
	[tilespmem:$0xC680] =	vst v63  }
0x3d7: {  	s25 =	sadd.s32 $0x1, s25  }
.LBB2_31:
0x3d8: {  	_ =	sfence.sel $0x180000  }
0x3d9: {  	[bflag:$0x0] =	sbarrier.arrive $0xFFFF  }
0x3da: {  	_ =	strace $0x90000047  }
0x3db: {  	s0 =	stileid.u32;
	[bflag:$0x2] =	sbarrier.arrive $0xFFFF  }
0x3dc: {  	p0 =	sne.s32 s0, $0x0;
	s0 =	rddreg [dreg:$0x5]  }
0x3dd: {  	s0 =	sadd.s32 @!p0 $0x100000, s0  }
0x3de: {  	[sflag:s0] =	ssyncadd.tile.s32 @!p0 $0x1;
	_ =	shalt  }
.Lfunc_end2:
_tile_overlayer_lowered:
.L_overlay_start_2:
0x3df: {  	(tag) =	ssettag $0x2  }
0x3e0: {  	s0 =	rddreg [dreg:$0x0];
	s2 =	stileid.u32  }
0x3e1: {  	s1 =	rddreg [dreg:$0x1];
	p0 =	sne.s32 s2, $0x0  }
0x3e2: {  	s3 =	rddreg [dreg:$0x2];
	[bflag:$0x3] =	sbarrier.arrive $0xFFFF;
	s2 =	simm.s32 @!p0 $0x1C05  }
0x3e3: {  	[timem:s3], [sflag:s2] =	dma.local @!p0 [hbm:s0], s1  }
0x3e4: {  	s0 =	simm.s32 @!p0 $0x5  }
0x3e5: {  	_ =	swait.ge @!p0 [sflag:s0], s1  }
0x3e6: {  	s1 =	ssub.s32 @!p0 $0x0, s1;
	[sflag:s0] =	ssyncset.done @!p0 $0x0  }
0x3e7: {  	[sflag:s0] =	ssyncadd.s32 @!p0 s1  }
0x3e8: {  	[bflag:$0x3] =	sbarrier.arrive $0xFFFF  }
0x3e9: {  	_ =	shalt  }

</sc_bundles>
